<compile_context>
chip_gen: v7x
topology: tpu7x:2x2x1
jax: 0.10.2.dev20260603
libtpu: 0.0.44.dev20260713+nightly
codegen_flags: <defaults>
</compile_context>

<pallas_src>
import functools

import jax
import jax.numpy as jnp
from jax import lax
from jax.experimental import pallas as pl
from jax.experimental.pallas import tpu as pltpu
from jax.experimental.pallas import tpu_sc as plsc

NC = 2
NS = 16
L = 16
NW = NC * NS

B = 16384
D = 32
BPW = B // NW
NBUF = 8
NG = BPW // L

_mesh = plsc.VectorSubcoreMesh(core_axis_name="c", subcore_axis_name="s")


@functools.partial(
    pl.kernel,
    out_type=jax.ShapeDtypeStruct((B,), jnp.float32),
    mesh=_mesh,
    scratch_types=[
        pltpu.VMEM((BPW,), jnp.int32),
        pltpu.VMEM((BPW,), jnp.int32),
        pltpu.VMEM((NBUF, D, 128), jnp.float32),
        pltpu.VMEM((NBUF, D, 128), jnp.float32),
        pltpu.VMEM((L, 128), jnp.float32),
        pltpu.VMEM((L, 128), jnp.float32),
        pltpu.VMEM((BPW,), jnp.float32),
        pltpu.SemaphoreType.DMA,
        pltpu.SemaphoreType.DMA,
    ],
    compiler_params=pltpu.CompilerParams(
        needs_layout_passes=False, use_tc_tiling_on_sc=True
    ),
)
def _mf_kernel(uid_hbm, iid_hbm, ut_hbm, it_hbm, out_hbm,
               uids_v, iids_v, ublk, iblk, ustage, istage, out_v,
               sem_u, sem_i):
    wid = lax.axis_index("s") * NC + lax.axis_index("c")
    base = wid * BPW

    pltpu.sync_copy(uid_hbm.at[pl.ds(base, BPW)], uids_v)
    pltpu.sync_copy(iid_hbm.at[pl.ds(base, BPW)], iids_v)

    lane = lax.iota(jnp.int32, L)
    d_lo = lane
    d_hi = lane + L

    def group(g, carry):
        off = g * L
        ruv = uids_v[pl.ds(off, L)]
        riv = iids_v[pl.ds(off, L)]

        for half in range(2):
            for i in range(NBUF):
                r_u = ruv[half * NBUF + i]
                r_i = riv[half * NBUF + i]
                rb_u = pl.multiple_of((r_u >> 7) * 128, 128)
                rb_i = pl.multiple_of((r_i >> 7) * 128, 128)
                pltpu.async_copy(
                    ut_hbm.at[:, pl.ds(rb_u, 128)], ublk.at[i], sem_u
                )
                pltpu.async_copy(
                    it_hbm.at[:, pl.ds(rb_i, 128)], iblk.at[i], sem_i
                )
            for i in range(NBUF):
                pltpu.make_async_copy(
                    ut_hbm.at[:, pl.ds(0, 128)], ublk.at[0], sem_u
                ).wait()
                pltpu.make_async_copy(
                    it_hbm.at[:, pl.ds(0, 128)], iblk.at[0], sem_i
                ).wait()
            for i in range(NBUF):
                row = half * NBUF + i
                cu = jnp.full((L,), ruv[row] & 127, jnp.int32)
                ci = jnp.full((L,), riv[row] & 127, jnp.int32)
                slot = jnp.full((L,), i, jnp.int32)
                ustage[row, pl.ds(0, L)] = plsc.load_gather(ublk, [slot, d_lo, cu])
                ustage[row, pl.ds(L, L)] = plsc.load_gather(ublk, [slot, d_hi, cu])
                istage[row, pl.ds(0, L)] = plsc.load_gather(iblk, [slot, d_lo, ci])
                istage[row, pl.ds(L, L)] = plsc.load_gather(iblk, [slot, d_hi, ci])

        acc = jnp.zeros((L,), jnp.float32)
        for d in range(D):
            dv = jnp.full((L,), d, jnp.int32)
            u = plsc.load_gather(ustage, [lane, dv])
            v = plsc.load_gather(istage, [lane, dv])
            acc = acc + u * v
        out_v[pl.ds(off, L)] = acc
        return carry

    lax.fori_loop(0, NG, group, 0)

    pltpu.sync_copy(out_v, out_hbm.at[pl.ds(base, BPW)])


def kernel(user_ids, item_ids, user_table, item_table):
    uid = user_ids.astype(jnp.int32)
    iid = item_ids.astype(jnp.int32)
    out = _mf_kernel(uid, iid, user_table.T, item_table.T)
    return out.reshape(B, 1)

# --- scband reference (transcript-rebuilt; emitter-appended) ---
"""Pipeline reference for scband-matrix-factorization-62053687492881 (READ-ONLY COPY).

The authoritative reference and input builder live on the scoring server;
editing this copy changes nothing except your own understanding.
"""

import jax, jax.numpy as jnp
import numpy as np

NUM_USERS = 1000000
NUM_ITEMS = 1000000
EMBED_DIM = 32
BATCH = 16384


def setup_inputs(seed: int = 0) -> dict:
    key = jax.random.key(seed)
    k1, k2, k3, k4 = jax.random.split(key, 4)
    user_ids = jax.random.randint(k1, (BATCH,), 0, NUM_USERS, dtype=jnp.int64)
    item_ids = jax.random.randint(k2, (BATCH,), 0, NUM_ITEMS, dtype=jnp.int64)
    user_table = jax.random.uniform(k3, (NUM_USERS, EMBED_DIM), dtype=jnp.float32, minval=-0.05, maxval=0.05)
    item_table = jax.random.uniform(k4, (NUM_ITEMS, EMBED_DIM), dtype=jnp.float32, minval=-0.05, maxval=0.05)
    return {"user_ids": user_ids, "item_ids": item_ids, "user_table": user_table, "item_table": item_table}


def reference(user_ids, item_ids, user_table, item_table):
    # Embedding lookups (gather)
    user_embedded = jnp.take(user_table, user_ids, axis=0)  # [B, D]
    item_embedded = jnp.take(item_table, item_ids, axis=0)  # [B, D]
    # Dot-product prediction
    prediction = jnp.sum(user_embedded * item_embedded, axis=1, keepdims=True)  # [B, 1]
    return prediction

if __name__ == "__main__":
    import jax
    _d = setup_inputs()
    print(jax.jit(kernel)(*tuple(_d.values())))

</pallas_src>

<mosaic_0001>
#map = affine_map<(d0, d1) -> (0)>
#map1 = affine_map<(d0, d1) -> (0, 0)>
module attributes {stable_mosaic.version = 14 : i64} {
  func.func @_mf_kernel(%arg0: i32, %arg1: i32, %arg2: memref<16384xi32, #tpu.memory_space<hbm>>, %arg3: memref<16384xi32, #tpu.memory_space<hbm>>, %arg4: memref<32x1000000xf32, #tpu.memory_space<hbm>>, %arg5: memref<32x1000000xf32, #tpu.memory_space<hbm>>, %arg6: memref<16384xf32, #tpu.memory_space<hbm>>, %arg7: memref<512xi32, #tpu.memory_space<vmem>>, %arg8: memref<512xi32, #tpu.memory_space<vmem>>, %arg9: memref<8x32x128xf32, #tpu.memory_space<vmem>>, %arg10: memref<8x32x128xf32, #tpu.memory_space<vmem>>, %arg11: memref<16x128xf32, #tpu.memory_space<vmem>>, %arg12: memref<16x128xf32, #tpu.memory_space<vmem>>, %arg13: memref<512xf32, #tpu.memory_space<vmem>>, %arg14: memref<!tpu.dma_semaphore, #tpu.memory_space<semaphore_mem>>, %arg15: memref<!tpu.dma_semaphore, #tpu.memory_space<semaphore_mem>>) attributes {dimension_semantics = [#tpu.dimension_semantics<core_parallel>, #tpu.dimension_semantics<subcore_parallel>], iteration_bounds = array<i64: 2, 16>, scalar_prefetch = 0 : i64, scratch_operands = 9 : i64, tpu.core_type = #tpu.core_type<sc_vector_subcore>, window_params = [{transform_indices = #map}, {transform_indices = #map}, {transform_indices = #map1}, {transform_indices = #map1}, {transform_indices = #map}]} {
    %mul3A = arith.constant 2 : i32
    %mul3A_0 = arith.muli %arg1, %mul3A : i32
    %add3A = arith.addi %mul3A_0, %arg0 : i32
    %mul3A_1 = arith.constant 512 : i32
    %mul3A_2 = arith.muli %add3A, %mul3A_1 : i32
    "tpu.region"() ({
      %run_scoped3A = tpu.sem_alloc : memref<!tpu.dma_semaphore, #tpu.memory_space<semaphore_mem>>
      %dma_start3A = tpu.memref_slice %arg2[%mul3A_2] : memref<16384xi32, #tpu.memory_space<hbm>> -> memref<512xi32, #tpu.memory_space<hbm>>
      %dma_start3A_11 = tpu.memref_slice %arg2[%mul3A_2] : memref<16384xi32, #tpu.memory_space<hbm>> -> memref<512xi32, #tpu.memory_space<hbm>>
      tpu.enqueue_dma source(%dma_start3A_11 : memref<512xi32, #tpu.memory_space<hbm>>) target(%arg7 : memref<512xi32, #tpu.memory_space<vmem>>) target_semaphore(%run_scoped3A : memref<!tpu.dma_semaphore, #tpu.memory_space<semaphore_mem>>)
      %dma_wait3A = tpu.memref_slice %arg2[%mul3A_2] : memref<16384xi32, #tpu.memory_space<hbm>> -> memref<512xi32, #tpu.memory_space<hbm>>
      %dma_wait3A_12 = tpu.memref_slice %arg2[%mul3A_2] : memref<16384xi32, #tpu.memory_space<hbm>> -> memref<512xi32, #tpu.memory_space<hbm>>
      tpu.wait_dma2 semaphore(%run_scoped3A : memref<!tpu.dma_semaphore, #tpu.memory_space<semaphore_mem>>) src(%dma_wait3A_12 : memref<512xi32, #tpu.memory_space<hbm>>) dst(%arg7 : memref<512xi32, #tpu.memory_space<vmem>>)
      tpu.yield
    }) : () -> ()
    "tpu.region"() ({
      %run_scoped3A = tpu.sem_alloc : memref<!tpu.dma_semaphore, #tpu.memory_space<semaphore_mem>>
      %dma_start3A = tpu.memref_slice %arg3[%mul3A_2] : memref<16384xi32, #tpu.memory_space<hbm>> -> memref<512xi32, #tpu.memory_space<hbm>>
      %dma_start3A_11 = tpu.memref_slice %arg3[%mul3A_2] : memref<16384xi32, #tpu.memory_space<hbm>> -> memref<512xi32, #tpu.memory_space<hbm>>
      tpu.enqueue_dma source(%dma_start3A_11 : memref<512xi32, #tpu.memory_space<hbm>>) target(%arg8 : memref<512xi32, #tpu.memory_space<vmem>>) target_semaphore(%run_scoped3A : memref<!tpu.dma_semaphore, #tpu.memory_space<semaphore_mem>>)
      %dma_wait3A = tpu.memref_slice %arg3[%mul3A_2] : memref<16384xi32, #tpu.memory_space<hbm>> -> memref<512xi32, #tpu.memory_space<hbm>>
      %dma_wait3A_12 = tpu.memref_slice %arg3[%mul3A_2] : memref<16384xi32, #tpu.memory_space<hbm>> -> memref<512xi32, #tpu.memory_space<hbm>>
      tpu.wait_dma2 semaphore(%run_scoped3A : memref<!tpu.dma_semaphore, #tpu.memory_space<semaphore_mem>>) src(%dma_wait3A_12 : memref<512xi32, #tpu.memory_space<hbm>>) dst(%arg8 : memref<512xi32, #tpu.memory_space<vmem>>)
      tpu.yield
    }) : () -> ()
    %iota3A = tpu.iota {dimensions = array<i32: 0>} : vector<16xi32>
    %add3A_3 = arith.constant 16 : i32
    %add3A_4 = vector.broadcast %add3A_3 : i32 to vector<16xi32>
    %add3A_5 = arith.addi %iota3A, %add3A_4 : vector<16xi32>
    %scan3A = arith.constant 0 : i32
    %scan3A_6 = arith.constant 0 : i32
    %scan3A_7 = arith.constant 32 : i32
    %scan3A_8 = arith.addi %scan3A_6, %scan3A_7 : i32
    %scan3A_9 = arith.constant 1 : i32
    scf.for %scan3A_11 = %scan3A_6 to %scan3A_8 step %scan3A_9  : i32 {
      %mul3A_12 = arith.constant 16 : i32
      %mul3A_13 = arith.muli %scan3A_11, %mul3A_12 : i32
      %get3A = arith.index_cast %mul3A_13 : i32 to index
      %get3A_14 = tpu.vector_load %arg7[%get3A] {strides = array<i32>} : memref<512xi32, #tpu.memory_space<vmem>>, vector<16xi32>,
      %get3A_15 = arith.index_cast %mul3A_13 : i32 to index
      %get3A_16 = tpu.vector_load %arg8[%get3A_15] {strides = array<i32>} : memref<512xi32, #tpu.memory_space<vmem>>, vector<16xi32>,
      %slice3A = vector.extract_strided_slice %get3A_14 {offsets = [0], sizes = [1], strides = [1]} : vector<16xi32> to vector<1xi32>
      %squeeze3A = vector.extract %slice3A[0] : i32 from vector<1xi32>
      %slice3A_17 = vector.extract_strided_slice %get3A_16 {offsets = [0], sizes = [1], strides = [1]} : vector<16xi32> to vector<1xi32>
      %squeeze3A_18 = vector.extract %slice3A_17[0] : i32 from vector<1xi32>
      %shift_right_arithmetic3A = arith.constant 7 : i32
      %shift_right_arithmetic3A_19 = arith.shrsi %squeeze3A, %shift_right_arithmetic3A : i32
      %mul3A_20 = arith.constant 128 : i32
      %mul3A_21 = arith.muli %shift_right_arithmetic3A_19, %mul3A_20 : i32
      %multiple_of3A = tpu.assume_multiple %mul3A_21, 128 : i32
      %shift_right_arithmetic3A_22 = arith.constant 7 : i32
      %shift_right_arithmetic3A_23 = arith.shrsi %squeeze3A_18, %shift_right_arithmetic3A_22 : i32
      %mul3A_24 = arith.constant 128 : i32
      %mul3A_25 = arith.muli %shift_right_arithmetic3A_23, %mul3A_24 : i32
      %multiple_of3A_26 = tpu.assume_multiple %mul3A_25, 128 : i32
      %dma_start3A = arith.constant 0 : i32
      %dma_start3A_27 = arith.constant 0 : i32
      %dma_start3A_28 = arith.constant 0 : i32
      %dma_start3A_29 = tpu.memref_slice %arg9[%dma_start3A, %dma_start3A_27, %dma_start3A_28] : memref<8x32x128xf32, #tpu.memory_space<vmem>> -> memref<1x32x128xf32, #tpu.memory_space<vmem>>
      %dma_start3A_30 = tpu.memref_squeeze %dma_start3A_29 : memref<1x32x128xf32, #tpu.memory_space<vmem>> -> memref<32x128xf32, #tpu.memory_space<vmem>>
      %dma_start3A_31 = arith.constant 0 : i32
      %dma_start3A_32 = tpu.memref_slice %arg4[%dma_start3A_31, %multiple_of3A] : memref<32x1000000xf32, #tpu.memory_space<hbm>> -> memref<32x128xf32, #tpu.memory_space<hbm>>
      %dma_start3A_33 = arith.constant 0 : i32
      %dma_start3A_34 = arith.constant 0 : i32
      %dma_start3A_35 = tpu.memref_slice %arg9[%dma_start3A, %dma_start3A_33, %dma_start3A_34] : memref<8x32x128xf32, #tpu.memory_space<vmem>> -> memref<1x32x128xf32, #tpu.memory_space<vmem>>
      %dma_start3A_36 = tpu.memref_squeeze %dma_start3A_35 : memref<1x32x128xf32, #tpu.memory_space<vmem>> -> memref<32x128xf32, #tpu.memory_space<vmem>>
      %dma_start3A_37 = arith.constant 0 : i32
      %dma_start3A_38 = tpu.memref_slice %arg4[%dma_start3A_37, %multiple_of3A] : memref<32x1000000xf32, #tpu.memory_space<hbm>> -> memref<32x128xf32, #tpu.memory_space<hbm>>
      tpu.enqueue_dma source(%dma_start3A_38 : memref<32x128xf32, #tpu.memory_space<hbm>>) target(%dma_start3A_36 : memref<32x128xf32, #tpu.memory_space<vmem>>) target_semaphore(%arg14 : memref<!tpu.dma_semaphore, #tpu.memory_space<semaphore_mem>>)
      %dma_start3A_39 = arith.constant 0 : i32
      %dma_start3A_40 = arith.constant 0 : i32
      %dma_start3A_41 = arith.constant 0 : i32
      %dma_start3A_42 = tpu.memref_slice %arg10[%dma_start3A_39, %dma_start3A_40, %dma_start3A_41] : memref<8x32x128xf32, #tpu.memory_space<vmem>> -> memref<1x32x128xf32, #tpu.memory_space<vmem>>
      %dma_start3A_43 = tpu.memref_squeeze %dma_start3A_42 : memref<1x32x128xf32, #tpu.memory_space<vmem>> -> memref<32x128xf32, #tpu.memory_space<vmem>>
      %dma_start3A_44 = arith.constant 0 : i32
      %dma_start3A_45 = tpu.memref_slice %arg5[%dma_start3A_44, %multiple_of3A_26] : memref<32x1000000xf32, #tpu.memory_space<hbm>> -> memref<32x128xf32, #tpu.memory_space<hbm>>
      %dma_start3A_46 = arith.constant 0 : i32
      %dma_start3A_47 = arith.constant 0 : i32
      %dma_start3A_48 = tpu.memref_slice %arg10[%dma_start3A_39, %dma_start3A_46, %dma_start3A_47] : memref<8x32x128xf32, #tpu.memory_space<vmem>> -> memref<1x32x128xf32, #tpu.memory_space<vmem>>
      %dma_start3A_49 = tpu.memref_squeeze %dma_start3A_48 : memref<1x32x128xf32, #tpu.memory_space<vmem>> -> memref<32x128xf32, #tpu.memory_space<vmem>>
      %dma_start3A_50 = arith.constant 0 : i32
      %dma_start3A_51 = tpu.memref_slice %arg5[%dma_start3A_50, %multiple_of3A_26] : memref<32x1000000xf32, #tpu.memory_space<hbm>> -> memref<32x128xf32, #tpu.memory_space<hbm>>
      tpu.enqueue_dma source(%dma_start3A_51 : memref<32x128xf32, #tpu.memory_space<hbm>>) target(%dma_start3A_49 : memref<32x128xf32, #tpu.memory_space<vmem>>) target_semaphore(%arg15 : memref<!tpu.dma_semaphore, #tpu.memory_space<semaphore_mem>>)
      %slice3A_52 = vector.extract_strided_slice %get3A_14 {offsets = [1], sizes = [1], strides = [1]} : vector<16xi32> to vector<1xi32>
      %squeeze3A_53 = vector.extract %slice3A_52[0] : i32 from vector<1xi32>
      %slice3A_54 = vector.extract_strided_slice %get3A_16 {offsets = [1], sizes = [1], strides = [1]} : vector<16xi32> to vector<1xi32>
      %squeeze3A_55 = vector.extract %slice3A_54[0] : i32 from vector<1xi32>
      %shift_right_arithmetic3A_56 = arith.constant 7 : i32
      %shift_right_arithmetic3A_57 = arith.shrsi %squeeze3A_53, %shift_right_arithmetic3A_56 : i32
      %mul3A_58 = arith.constant 128 : i32
      %mul3A_59 = arith.muli %shift_right_arithmetic3A_57, %mul3A_58 : i32
      %multiple_of3A_60 = tpu.assume_multiple %mul3A_59, 128 : i32
      %shift_right_arithmetic3A_61 = arith.constant 7 : i32
      %shift_right_arithmetic3A_62 = arith.shrsi %squeeze3A_55, %shift_right_arithmetic3A_61 : i32
      %mul3A_63 = arith.constant 128 : i32
      %mul3A_64 = arith.muli %shift_right_arithmetic3A_62, %mul3A_63 : i32
      %multiple_of3A_65 = tpu.assume_multiple %mul3A_64, 128 : i32
      %dma_start3A_66 = arith.constant 1 : i32
      %dma_start3A_67 = arith.constant 0 : i32
      %dma_start3A_68 = arith.constant 0 : i32
      %dma_start3A_69 = tpu.memref_slice %arg9[%dma_start3A_66, %dma_start3A_67, %dma_start3A_68] : memref<8x32x128xf32, #tpu.memory_space<vmem>> -> memref<1x32x128xf32, #tpu.memory_space<vmem>>
      %dma_start3A_70 = tpu.memref_squeeze %dma_start3A_69 : memref<1x32x128xf32, #tpu.memory_space<vmem>> -> memref<32x128xf32, #tpu.memory_space<vmem>>
      %dma_start3A_71 = arith.constant 0 : i32
      %dma_start3A_72 = tpu.memref_slice %arg4[%dma_start3A_71, %multiple_of3A_60] : memref<32x1000000xf32, #tpu.memory_space<hbm>> -> memref<32x128xf32, #tpu.memory_space<hbm>>
      %dma_start3A_73 = arith.constant 0 : i32
      %dma_start3A_74 = arith.constant 0 : i32
      %dma_start3A_75 = tpu.memref_slice %arg9[%dma_start3A_66, %dma_start3A_73, %dma_start3A_74] : memref<8x32x128xf32, #tpu.memory_space<vmem>> -> memref<1x32x128xf32, #tpu.memory_space<vmem>>
      %dma_start3A_76 = tpu.memref_squeeze %dma_start3A_75 : memref<1x32x128xf32, #tpu.memory_space<vmem>> -> memref<32x128xf32, #tpu.memory_space<vmem>>
      %dma_start3A_77 = arith.constant 0 : i32
      %dma_start3A_78 = tpu.memref_slice %arg4[%dma_start3A_77, %multiple_of3A_60] : memref<32x1000000xf32, #tpu.memory_space<hbm>> -> memref<32x128xf32, #tpu.memory_space<hbm>>
      tpu.enqueue_dma source(%dma_start3A_78 : memref<32x128xf32, #tpu.memory_space<hbm>>) target(%dma_start3A_76 : memref<32x128xf32, #tpu.memory_space<vmem>>) target_semaphore(%arg14 : memref<!tpu.dma_semaphore, #tpu.memory_space<semaphore_mem>>)
      %dma_start3A_79 = arith.constant 1 : i32
      %dma_start3A_80 = arith.constant 0 : i32
      %dma_start3A_81 = arith.constant 0 : i32
      %dma_start3A_82 = tpu.memref_slice %arg10[%dma_start3A_79, %dma_start3A_80, %dma_start3A_81] : memref<8x32x128xf32, #tpu.memory_space<vmem>> -> memref<1x32x128xf32, #tpu.memory_space<vmem>>
      %dma_start3A_83 = tpu.memref_squeeze %dma_start3A_82 : memref<1x32x128xf32, #tpu.memory_space<vmem>> -> memref<32x128xf32, #tpu.memory_space<vmem>>
      %dma_start3A_84 = arith.constant 0 : i32
      %dma_start3A_85 = tpu.memref_slice %arg5[%dma_start3A_84, %multiple_of3A_65] : memref<32x1000000xf32, #tpu.memory_space<hbm>> -> memref<32x128xf32, #tpu.memory_space<hbm>>
      %dma_start3A_86 = arith.constant 0 : i32
      %dma_start3A_87 = arith.constant 0 : i32
      %dma_start3A_88 = tpu.memref_slice %arg10[%dma_start3A_79, %dma_start3A_86, %dma_start3A_87] : memref<8x32x128xf32, #tpu.memory_space<vmem>> -> memref<1x32x128xf32, #tpu.memory_space<vmem>>
      %dma_start3A_89 = tpu.memref_squeeze %dma_start3A_88 : memref<1x32x128xf32, #tpu.memory_space<vmem>> -> memref<32x128xf32, #tpu.memory_space<vmem>>
      %dma_start3A_90 = arith.constant 0 : i32
      %dma_start3A_91 = tpu.memref_slice %arg5[%dma_start3A_90, %multiple_of3A_65] : memref<32x1000000xf32, #tpu.memory_space<hbm>> -> memref<32x128xf32, #tpu.memory_space<hbm>>
      tpu.enqueue_dma source(%dma_start3A_91 : memref<32x128xf32, #tpu.memory_space<hbm>>) target(%dma_start3A_89 : memref<32x128xf32, #tpu.memory_space<vmem>>) target_semaphore(%arg15 : memref<!tpu.dma_semaphore, #tpu.memory_space<semaphore_mem>>)
      %slice3A_92 = vector.extract_strided_slice %get3A_14 {offsets = [2], sizes = [1], strides = [1]} : vector<16xi32> to vector<1xi32>
      %squeeze3A_93 = vector.extract %slice3A_92[0] : i32 from vector<1xi32>
      %slice3A_94 = vector.extract_strided_slice %get3A_16 {offsets = [2], sizes = [1], strides = [1]} : vector<16xi32> to vector<1xi32>
      %squeeze3A_95 = vector.extract %slice3A_94[0] : i32 from vector<1xi32>
      %shift_right_arithmetic3A_96 = arith.constant 7 : i32
      %shift_right_arithmetic3A_97 = arith.shrsi %squeeze3A_93, %shift_right_arithmetic3A_96 : i32
      %mul3A_98 = arith.constant 128 : i32
      %mul3A_99 = arith.muli %shift_right_arithmetic3A_97, %mul3A_98 : i32
      %multiple_of3A_100 = tpu.assume_multiple %mul3A_99, 128 : i32
      %shift_right_arithmetic3A_101 = arith.constant 7 : i32
      %shift_right_arithmetic3A_102 = arith.shrsi %squeeze3A_95, %shift_right_arithmetic3A_101 : i32
      %mul3A_103 = arith.constant 128 : i32
      %mul3A_104 = arith.muli %shift_right_arithmetic3A_102, %mul3A_103 : i32
      %multiple_of3A_105 = tpu.assume_multiple %mul3A_104, 128 : i32
      %dma_start3A_106 = arith.constant 2 : i32
      %dma_start3A_107 = arith.constant 0 : i32
      %dma_start3A_108 = arith.constant 0 : i32
      %dma_start3A_109 = tpu.memref_slice %arg9[%dma_start3A_106, %dma_start3A_107, %dma_start3A_108] : memref<8x32x128xf32, #tpu.memory_space<vmem>> -> memref<1x32x128xf32, #tpu.memory_space<vmem>>
      %dma_start3A_110 = tpu.memref_squeeze %dma_start3A_109 : memref<1x32x128xf32, #tpu.memory_space<vmem>> -> memref<32x128xf32, #tpu.memory_space<vmem>>
      %dma_start3A_111 = arith.constant 0 : i32
      %dma_start3A_112 = tpu.memref_slice %arg4[%dma_start3A_111, %multiple_of3A_100] : memref<32x1000000xf32, #tpu.memory_space<hbm>> -> memref<32x128xf32, #tpu.memory_space<hbm>>
      %dma_start3A_113 = arith.constant 0 : i32
      %dma_start3A_114 = arith.constant 0 : i32
      %dma_start3A_115 = tpu.memref_slice %arg9[%dma_start3A_106, %dma_start3A_113, %dma_start3A_114] : memref<8x32x128xf32, #tpu.memory_space<vmem>> -> memref<1x32x128xf32, #tpu.memory_space<vmem>>
      %dma_start3A_116 = tpu.memref_squeeze %dma_start3A_115 : memref<1x32x128xf32, #tpu.memory_space<vmem>> -> memref<32x128xf32, #tpu.memory_space<vmem>>
      %dma_start3A_117 = arith.constant 0 : i32
      %dma_start3A_118 = tpu.memref_slice %arg4[%dma_start3A_117, %multiple_of3A_100] : memref<32x1000000xf32, #tpu.memory_space<hbm>> -> memref<32x128xf32, #tpu.memory_space<hbm>>
      tpu.enqueue_dma source(%dma_start3A_118 : memref<32x128xf32, #tpu.memory_space<hbm>>) target(%dma_start3A_116 : memref<32x128xf32, #tpu.memory_space<vmem>>) target_semaphore(%arg14 : memref<!tpu.dma_semaphore, #tpu.memory_space<semaphore_mem>>)
      %dma_start3A_119 = arith.constant 2 : i32
      %dma_start3A_120 = arith.constant 0 : i32
      %dma_start3A_121 = arith.constant 0 : i32
      %dma_start3A_122 = tpu.memref_slice %arg10[%dma_start3A_119, %dma_start3A_120, %dma_start3A_121] : memref<8x32x128xf32, #tpu.memory_space<vmem>> -> memref<1x32x128xf32, #tpu.memory_space<vmem>>
      %dma_start3A_123 = tpu.memref_squeeze %dma_start3A_122 : memref<1x32x128xf32, #tpu.memory_space<vmem>> -> memref<32x128xf32, #tpu.memory_space<vmem>>
      %dma_start3A_124 = arith.constant 0 : i32
      %dma_start3A_125 = tpu.memref_slice %arg5[%dma_start3A_124, %multiple_of3A_105] : memref<32x1000000xf32, #tpu.memory_space<hbm>> -> memref<32x128xf32, #tpu.memory_space<hbm>>
      %dma_start3A_126 = arith.constant 0 : i32
      %dma_start3A_127 = arith.constant 0 : i32
      %dma_start3A_128 = tpu.memref_slice %arg10[%dma_start3A_119, %dma_start3A_126, %dma_start3A_127] : memref<8x32x128xf32, #tpu.memory_space<vmem>> -> memref<1x32x128xf32, #tpu.memory_space<vmem>>
      %dma_start3A_129 = tpu.memref_squeeze %dma_start3A_128 : memref<1x32x128xf32, #tpu.memory_space<vmem>> -> memref<32x128xf32, #tpu.memory_space<vmem>>
      %dma_start3A_130 = arith.constant 0 : i32
      %dma_start3A_131 = tpu.memref_slice %arg5[%dma_start3A_130, %multiple_of3A_105] : memref<32x1000000xf32, #tpu.memory_space<hbm>> -> memref<32x128xf32, #tpu.memory_space<hbm>>
      tpu.enqueue_dma source(%dma_start3A_131 : memref<32x128xf32, #tpu.memory_space<hbm>>) target(%dma_start3A_129 : memref<32x128xf32, #tpu.memory_space<vmem>>) target_semaphore(%arg15 : memref<!tpu.dma_semaphore, #tpu.memory_space<semaphore_mem>>)
      %slice3A_132 = vector.extract_strided_slice %get3A_14 {offsets = [3], sizes = [1], strides = [1]} : vector<16xi32> to vector<1xi32>
      %squeeze3A_133 = vector.extract %slice3A_132[0] : i32 from vector<1xi32>
      %slice3A_134 = vector.extract_strided_slice %get3A_16 {offsets = [3], sizes = [1], strides = [1]} : vector<16xi32> to vector<1xi32>
      %squeeze3A_135 = vector.extract %slice3A_134[0] : i32 from vector<1xi32>
      %shift_right_arithmetic3A_136 = arith.constant 7 : i32
      %shift_right_arithmetic3A_137 = arith.shrsi %squeeze3A_133, %shift_right_arithmetic3A_136 : i32
      %mul3A_138 = arith.constant 128 : i32
      %mul3A_139 = arith.muli %shift_right_arithmetic3A_137, %mul3A_138 : i32
      %multiple_of3A_140 = tpu.assume_multiple %mul3A_139, 128 : i32
      %shift_right_arithmetic3A_141 = arith.constant 7 : i32
      %shift_right_arithmetic3A_142 = arith.shrsi %squeeze3A_135, %shift_right_arithmetic3A_141 : i32
      %mul3A_143 = arith.constant 128 : i32
      %mul3A_144 = arith.muli %shift_right_arithmetic3A_142, %mul3A_143 : i32
      %multiple_of3A_145 = tpu.assume_multiple %mul3A_144, 128 : i32
      %dma_start3A_146 = arith.constant 3 : i32
      %dma_start3A_147 = arith.constant 0 : i32
      %dma_start3A_148 = arith.constant 0 : i32
      %dma_start3A_149 = tpu.memref_slice %arg9[%dma_start3A_146, %dma_start3A_147, %dma_start3A_148] : memref<8x32x128xf32, #tpu.memory_space<vmem>> -> memref<1x32x128xf32, #tpu.memory_space<vmem>>
      %dma_start3A_150 = tpu.memref_squeeze %dma_start3A_149 : memref<1x32x128xf32, #tpu.memory_space<vmem>> -> memref<32x128xf32, #tpu.memory_space<vmem>>
      %dma_start3A_151 = arith.constant 0 : i32
      %dma_start3A_152 = tpu.memref_slice %arg4[%dma_start3A_151, %multiple_of3A_140] : memref<32x1000000xf32, #tpu.memory_space<hbm>> -> memref<32x128xf32, #tpu.memory_space<hbm>>
      %dma_start3A_153 = arith.constant 0 : i32
      %dma_start3A_154 = arith.constant 0 : i32
      %dma_start3A_155 = tpu.memref_slice %arg9[%dma_start3A_146, %dma_start3A_153, %dma_start3A_154] : memref<8x32x128xf32, #tpu.memory_space<vmem>> -> memref<1x32x128xf32, #tpu.memory_space<vmem>>
      %dma_start3A_156 = tpu.memref_squeeze %dma_start3A_155 : memref<1x32x128xf32, #tpu.memory_space<vmem>> -> memref<32x128xf32, #tpu.memory_space<vmem>>
      %dma_start3A_157 = arith.constant 0 : i32
      %dma_start3A_158 = tpu.memref_slice %arg4[%dma_start3A_157, %multiple_of3A_140] : memref<32x1000000xf32, #tpu.memory_space<hbm>> -> memref<32x128xf32, #tpu.memory_space<hbm>>
      tpu.enqueue_dma source(%dma_start3A_158 : memref<32x128xf32, #tpu.memory_space<hbm>>) target(%dma_start3A_156 : memref<32x128xf32, #tpu.memory_space<vmem>>) target_semaphore(%arg14 : memref<!tpu.dma_semaphore, #tpu.memory_space<semaphore_mem>>)
      %dma_start3A_159 = arith.constant 3 : i32
      %dma_start3A_160 = arith.constant 0 : i32
      %dma_start3A_161 = arith.constant 0 : i32
      %dma_start3A_162 = tpu.memref_slice %arg10[%dma_start3A_159, %dma_start3A_160, %dma_start3A_161] : memref<8x32x128xf32, #tpu.memory_space<vmem>> -> memref<1x32x128xf32, #tpu.memory_space<vmem>>
      %dma_start3A_163 = tpu.memref_squeeze %dma_start3A_162 : memref<1x32x128xf32, #tpu.memory_space<vmem>> -> memref<32x128xf32, #tpu.memory_space<vmem>>
      %dma_start3A_164 = arith.constant 0 : i32
      %dma_start3A_165 = tpu.memref_slice %arg5[%dma_start3A_164, %multiple_of3A_145] : memref<32x1000000xf32, #tpu.memory_space<hbm>> -> memref<32x128xf32, #tpu.memory_space<hbm>>
      %dma_start3A_166 = arith.constant 0 : i32
      %dma_start3A_167 = arith.constant 0 : i32
      %dma_start3A_168 = tpu.memref_slice %arg10[%dma_start3A_159, %dma_start3A_166, %dma_start3A_167] : memref<8x32x128xf32, #tpu.memory_space<vmem>> -> memref<1x32x128xf32, #tpu.memory_space<vmem>>
      %dma_start3A_169 = tpu.memref_squeeze %dma_start3A_168 : memref<1x32x128xf32, #tpu.memory_space<vmem>> -> memref<32x128xf32, #tpu.memory_space<vmem>>
      %dma_start3A_170 = arith.constant 0 : i32
      %dma_start3A_171 = tpu.memref_slice %arg5[%dma_start3A_170, %multiple_of3A_145] : memref<32x1000000xf32, #tpu.memory_space<hbm>> -> memref<32x128xf32, #tpu.memory_space<hbm>>
      tpu.enqueue_dma source(%dma_start3A_171 : memref<32x128xf32, #tpu.memory_space<hbm>>) target(%dma_start3A_169 : memref<32x128xf32, #tpu.memory_space<vmem>>) target_semaphore(%arg15 : memref<!tpu.dma_semaphore, #tpu.memory_space<semaphore_mem>>)
      %slice3A_172 = vector.extract_strided_slice %get3A_14 {offsets = [4], sizes = [1], strides = [1]} : vector<16xi32> to vector<1xi32>
      %squeeze3A_173 = vector.extract %slice3A_172[0] : i32 from vector<1xi32>
      %slice3A_174 = vector.extract_strided_slice %get3A_16 {offsets = [4], sizes = [1], strides = [1]} : vector<16xi32> to vector<1xi32>
      %squeeze3A_175 = vector.extract %slice3A_174[0] : i32 from vector<1xi32>
      %shift_right_arithmetic3A_176 = arith.constant 7 : i32
      %shift_right_arithmetic3A_177 = arith.shrsi %squeeze3A_173, %shift_right_arithmetic3A_176 : i32
      %mul3A_178 = arith.constant 128 : i32
      %mul3A_179 = arith.muli %shift_right_arithmetic3A_177, %mul3A_178 : i32
      %multiple_of3A_180 = tpu.assume_multiple %mul3A_179, 128 : i32
      %shift_right_arithmetic3A_181 = arith.constant 7 : i32
      %shift_right_arithmetic3A_182 = arith.shrsi %squeeze3A_175, %shift_right_arithmetic3A_181 : i32
      %mul3A_183 = arith.constant 128 : i32
      %mul3A_184 = arith.muli %shift_right_arithmetic3A_182, %mul3A_183 : i32
      %multiple_of3A_185 = tpu.assume_multiple %mul3A_184, 128 : i32
      %dma_start3A_186 = arith.constant 4 : i32
      %dma_start3A_187 = arith.constant 0 : i32
      %dma_start3A_188 = arith.constant 0 : i32
      %dma_start3A_189 = tpu.memref_slice %arg9[%dma_start3A_186, %dma_start3A_187, %dma_start3A_188] : memref<8x32x128xf32, #tpu.memory_space<vmem>> -> memref<1x32x128xf32, #tpu.memory_space<vmem>>
      %dma_start3A_190 = tpu.memref_squeeze %dma_start3A_189 : memref<1x32x128xf32, #tpu.memory_space<vmem>> -> memref<32x128xf32, #tpu.memory_space<vmem>>
      %dma_start3A_191 = arith.constant 0 : i32
      %dma_start3A_192 = tpu.memref_slice %arg4[%dma_start3A_191, %multiple_of3A_180] : memref<32x1000000xf32, #tpu.memory_space<hbm>> -> memref<32x128xf32, #tpu.memory_space<hbm>>
      %dma_start3A_193 = arith.constant 0 : i32
      %dma_start3A_194 = arith.constant 0 : i32
      %dma_start3A_195 = tpu.memref_slice %arg9[%dma_start3A_186, %dma_start3A_193, %dma_start3A_194] : memref<8x32x128xf32, #tpu.memory_space<vmem>> -> memref<1x32x128xf32, #tpu.memory_space<vmem>>
      %dma_start3A_196 = tpu.memref_squeeze %dma_start3A_195 : memref<1x32x128xf32, #tpu.memory_space<vmem>> -> memref<32x128xf32, #tpu.memory_space<vmem>>
      %dma_start3A_197 = arith.constant 0 : i32
      %dma_start3A_198 = tpu.memref_slice %arg4[%dma_start3A_197, %multiple_of3A_180] : memref<32x1000000xf32, #tpu.memory_space<hbm>> -> memref<32x128xf32, #tpu.memory_space<hbm>>
      tpu.enqueue_dma source(%dma_start3A_198 : memref<32x128xf32, #tpu.memory_space<hbm>>) target(%dma_start3A_196 : memref<32x128xf32, #tpu.memory_space<vmem>>) target_semaphore(%arg14 : memref<!tpu.dma_semaphore, #tpu.memory_space<semaphore_mem>>)
      %dma_start3A_199 = arith.constant 4 : i32
      %dma_start3A_200 = arith.constant 0 : i32
      %dma_start3A_201 = arith.constant 0 : i32
      %dma_start3A_202 = tpu.memref_slice %arg10[%dma_start3A_199, %dma_start3A_200, %dma_start3A_201] : memref<8x32x128xf32, #tpu.memory_space<vmem>> -> memref<1x32x128xf32, #tpu.memory_space<vmem>>
      %dma_start3A_203 = tpu.memref_squeeze %dma_start3A_202 : memref<1x32x128xf32, #tpu.memory_space<vmem>> -> memref<32x128xf32, #tpu.memory_space<vmem>>
      %dma_start3A_204 = arith.constant 0 : i32
      %dma_start3A_205 = tpu.memref_slice %arg5[%dma_start3A_204, %multiple_of3A_185] : memref<32x1000000xf32, #tpu.memory_space<hbm>> -> memref<32x128xf32, #tpu.memory_space<hbm>>
      %dma_start3A_206 = arith.constant 0 : i32
      %dma_start3A_207 = arith.constant 0 : i32
      %dma_start3A_208 = tpu.memref_slice %arg10[%dma_start3A_199, %dma_start3A_206, %dma_start3A_207] : memref<8x32x128xf32, #tpu.memory_space<vmem>> -> memref<1x32x128xf32, #tpu.memory_space<vmem>>
      %dma_start3A_209 = tpu.memref_squeeze %dma_start3A_208 : memref<1x32x128xf32, #tpu.memory_space<vmem>> -> memref<32x128xf32, #tpu.memory_space<vmem>>
      %dma_start3A_210 = arith.constant 0 : i32
      %dma_start3A_211 = tpu.memref_slice %arg5[%dma_start3A_210, %multiple_of3A_185] : memref<32x1000000xf32, #tpu.memory_space<hbm>> -> memref<32x128xf32, #tpu.memory_space<hbm>>
      tpu.enqueue_dma source(%dma_start3A_211 : memref<32x128xf32, #tpu.memory_space<hbm>>) target(%dma_start3A_209 : memref<32x128xf32, #tpu.memory_space<vmem>>) target_semaphore(%arg15 : memref<!tpu.dma_semaphore, #tpu.memory_space<semaphore_mem>>)
      %slice3A_212 = vector.extract_strided_slice %get3A_14 {offsets = [5], sizes = [1], strides = [1]} : vector<16xi32> to vector<1xi32>
      %squeeze3A_213 = vector.extract %slice3A_212[0] : i32 from vector<1xi32>
      %slice3A_214 = vector.extract_strided_slice %get3A_16 {offsets = [5], sizes = [1], strides = [1]} : vector<16xi32> to vector<1xi32>
      %squeeze3A_215 = vector.extract %slice3A_214[0] : i32 from vector<1xi32>
      %shift_right_arithmetic3A_216 = arith.constant 7 : i32
      %shift_right_arithmetic3A_217 = arith.shrsi %squeeze3A_213, %shift_right_arithmetic3A_216 : i32
      %mul3A_218 = arith.constant 128 : i32
      %mul3A_219 = arith.muli %shift_right_arithmetic3A_217, %mul3A_218 : i32
      %multiple_of3A_220 = tpu.assume_multiple %mul3A_219, 128 : i32
      %shift_right_arithmetic3A_221 = arith.constant 7 : i32
      %shift_right_arithmetic3A_222 = arith.shrsi %squeeze3A_215, %shift_right_arithmetic3A_221 : i32
      %mul3A_223 = arith.constant 128 : i32
      %mul3A_224 = arith.muli %shift_right_arithmetic3A_222, %mul3A_223 : i32
      %multiple_of3A_225 = tpu.assume_multiple %mul3A_224, 128 : i32
      %dma_start3A_226 = arith.constant 5 : i32
      %dma_start3A_227 = arith.constant 0 : i32
      %dma_start3A_228 = arith.constant 0 : i32
      %dma_start3A_229 = tpu.memref_slice %arg9[%dma_start3A_226, %dma_start3A_227, %dma_start3A_228] : memref<8x32x128xf32, #tpu.memory_space<vmem>> -> memref<1x32x128xf32, #tpu.memory_space<vmem>>
      %dma_start3A_230 = tpu.memref_squeeze %dma_start3A_229 : memref<1x32x128xf32, #tpu.memory_space<vmem>> -> memref<32x128xf32, #tpu.memory_space<vmem>>
      %dma_start3A_231 = arith.constant 0 : i32
      %dma_start3A_232 = tpu.memref_slice %arg4[%dma_start3A_231, %multiple_of3A_220] : memref<32x1000000xf32, #tpu.memory_space<hbm>> -> memref<32x128xf32, #tpu.memory_space<hbm>>
      %dma_start3A_233 = arith.constant 0 : i32
      %dma_start3A_234 = arith.constant 0 : i32
      %dma_start3A_235 = tpu.memref_slice %arg9[%dma_start3A_226, %dma_start3A_233, %dma_start3A_234] : memref<8x32x128xf32, #tpu.memory_space<vmem>> -> memref<1x32x128xf32, #tpu.memory_space<vmem>>
      %dma_start3A_236 = tpu.memref_squeeze %dma_start3A_235 : memref<1x32x128xf32, #tpu.memory_space<vmem>> -> memref<32x128xf32, #tpu.memory_space<vmem>>
      %dma_start3A_237 = arith.constant 0 : i32
      %dma_start3A_238 = tpu.memref_slice %arg4[%dma_start3A_237, %multiple_of3A_220] : memref<32x1000000xf32, #tpu.memory_space<hbm>> -> memref<32x128xf32, #tpu.memory_space<hbm>>
      tpu.enqueue_dma source(%dma_start3A_238 : memref<32x128xf32, #tpu.memory_space<hbm>>) target(%dma_start3A_236 : memref<32x128xf32, #tpu.memory_space<vmem>>) target_semaphore(%arg14 : memref<!tpu.dma_semaphore, #tpu.memory_space<semaphore_mem>>)
      %dma_start3A_239 = arith.constant 5 : i32
      %dma_start3A_240 = arith.constant 0 : i32
      %dma_start3A_241 = arith.constant 0 : i32
      %dma_start3A_242 = tpu.memref_slice %arg10[%dma_start3A_239, %dma_start3A_240, %dma_start3A_241] : memref<8x32x128xf32, #tpu.memory_space<vmem>> -> memref<1x32x128xf32, #tpu.memory_space<vmem>>
      %dma_start3A_243 = tpu.memref_squeeze %dma_start3A_242 : memref<1x32x128xf32, #tpu.memory_space<vmem>> -> memref<32x128xf32, #tpu.memory_space<vmem>>
      %dma_start3A_244 = arith.constant 0 : i32
      %dma_start3A_245 = tpu.memref_slice %arg5[%dma_start3A_244, %multiple_of3A_225] : memref<32x1000000xf32, #tpu.memory_space<hbm>> -> memref<32x128xf32, #tpu.memory_space<hbm>>
      %dma_start3A_246 = arith.constant 0 : i32
      %dma_start3A_247 = arith.constant 0 : i32
      %dma_start3A_248 = tpu.memref_slice %arg10[%dma_start3A_239, %dma_start3A_246, %dma_start3A_247] : memref<8x32x128xf32, #tpu.memory_space<vmem>> -> memref<1x32x128xf32, #tpu.memory_space<vmem>>
      %dma_start3A_249 = tpu.memref_squeeze %dma_start3A_248 : memref<1x32x128xf32, #tpu.memory_space<vmem>> -> memref<32x128xf32, #tpu.memory_space<vmem>>
      %dma_start3A_250 = arith.constant 0 : i32
      %dma_start3A_251 = tpu.memref_slice %arg5[%dma_start3A_250, %multiple_of3A_225] : memref<32x1000000xf32, #tpu.memory_space<hbm>> -> memref<32x128xf32, #tpu.memory_space<hbm>>
      tpu.enqueue_dma source(%dma_start3A_251 : memref<32x128xf32, #tpu.memory_space<hbm>>) target(%dma_start3A_249 : memref<32x128xf32, #tpu.memory_space<vmem>>) target_semaphore(%arg15 : memref<!tpu.dma_semaphore, #tpu.memory_space<semaphore_mem>>)
      %slice3A_252 = vector.extract_strided_slice %get3A_14 {offsets = [6], sizes = [1], strides = [1]} : vector<16xi32> to vector<1xi32>
      %squeeze3A_253 = vector.extract %slice3A_252[0] : i32 from vector<1xi32>
      %slice3A_254 = vector.extract_strided_slice %get3A_16 {offsets = [6], sizes = [1], strides = [1]} : vector<16xi32> to vector<1xi32>
      %squeeze3A_255 = vector.extract %slice3A_254[0] : i32 from vector<1xi32>
      %shift_right_arithmetic3A_256 = arith.constant 7 : i32
      %shift_right_arithmetic3A_257 = arith.shrsi %squeeze3A_253, %shift_right_arithmetic3A_256 : i32
      %mul3A_258 = arith.constant 128 : i32
      %mul3A_259 = arith.muli %shift_right_arithmetic3A_257, %mul3A_258 : i32
      %multiple_of3A_260 = tpu.assume_multiple %mul3A_259, 128 : i32
      %shift_right_arithmetic3A_261 = arith.constant 7 : i32
      %shift_right_arithmetic3A_262 = arith.shrsi %squeeze3A_255, %shift_right_arithmetic3A_261 : i32
      %mul3A_263 = arith.constant 128 : i32
      %mul3A_264 = arith.muli %shift_right_arithmetic3A_262, %mul3A_263 : i32
      %multiple_of3A_265 = tpu.assume_multiple %mul3A_264, 128 : i32
      %dma_start3A_266 = arith.constant 6 : i32
      %dma_start3A_267 = arith.constant 0 : i32
      %dma_start3A_268 = arith.constant 0 : i32
      %dma_start3A_269 = tpu.memref_slice %arg9[%dma_start3A_266, %dma_start3A_267, %dma_start3A_268] : memref<8x32x128xf32, #tpu.memory_space<vmem>> -> memref<1x32x128xf32, #tpu.memory_space<vmem>>
      %dma_start3A_270 = tpu.memref_squeeze %dma_start3A_269 : memref<1x32x128xf32, #tpu.memory_space<vmem>> -> memref<32x128xf32, #tpu.memory_space<vmem>>
      %dma_start3A_271 = arith.constant 0 : i32
      %dma_start3A_272 = tpu.memref_slice %arg4[%dma_start3A_271, %multiple_of3A_260] : memref<32x1000000xf32, #tpu.memory_space<hbm>> -> memref<32x128xf32, #tpu.memory_space<hbm>>
      %dma_start3A_273 = arith.constant 0 : i32
      %dma_start3A_274 = arith.constant 0 : i32
      %dma_start3A_275 = tpu.memref_slice %arg9[%dma_start3A_266, %dma_start3A_273, %dma_start3A_274] : memref<8x32x128xf32, #tpu.memory_space<vmem>> -> memref<1x32x128xf32, #tpu.memory_space<vmem>>
      %dma_start3A_276 = tpu.memref_squeeze %dma_start3A_275 : memref<1x32x128xf32, #tpu.memory_space<vmem>> -> memref<32x128xf32, #tpu.memory_space<vmem>>
      %dma_start3A_277 = arith.constant 0 : i32
      %dma_start3A_278 = tpu.memref_slice %arg4[%dma_start3A_277, %multiple_of3A_260] : memref<32x1000000xf32, #tpu.memory_space<hbm>> -> memref<32x128xf32, #tpu.memory_space<hbm>>
      tpu.enqueue_dma source(%dma_start3A_278 : memref<32x128xf32, #tpu.memory_space<hbm>>) target(%dma_start3A_276 : memref<32x128xf32, #tpu.memory_space<vmem>>) target_semaphore(%arg14 : memref<!tpu.dma_semaphore, #tpu.memory_space<semaphore_mem>>)
      %dma_start3A_279 = arith.constant 6 : i32
      %dma_start3A_280 = arith.constant 0 : i32
      %dma_start3A_281 = arith.constant 0 : i32
      %dma_start3A_282 = tpu.memref_slice %arg10[%dma_start3A_279, %dma_start3A_280, %dma_start3A_281] : memref<8x32x128xf32, #tpu.memory_space<vmem>> -> memref<1x32x128xf32, #tpu.memory_space<vmem>>
      %dma_start3A_283 = tpu.memref_squeeze %dma_start3A_282 : memref<1x32x128xf32, #tpu.memory_space<vmem>> -> memref<32x128xf32, #tpu.memory_space<vmem>>
      %dma_start3A_284 = arith.constant 0 : i32
      %dma_start3A_285 = tpu.memref_slice %arg5[%dma_start3A_284, %multiple_of3A_265] : memref<32x1000000xf32, #tpu.memory_space<hbm>> -> memref<32x128xf32, #tpu.memory_space<hbm>>
      %dma_start3A_286 = arith.constant 0 : i32
      %dma_start3A_287 = arith.constant 0 : i32
      %dma_start3A_288 = tpu.memref_slice %arg10[%dma_start3A_279, %dma_start3A_286, %dma_start3A_287] : memref<8x32x128xf32, #tpu.memory_space<vmem>> -> memref<1x32x128xf32, #tpu.memory_space<vmem>>
      %dma_start3A_289 = tpu.memref_squeeze %dma_start3A_288 : memref<1x32x128xf32, #tpu.memory_space<vmem>> -> memref<32x128xf32, #tpu.memory_space<vmem>>
      %dma_start3A_290 = arith.constant 0 : i32
      %dma_start3A_291 = tpu.memref_slice %arg5[%dma_start3A_290, %multiple_of3A_265] : memref<32x1000000xf32, #tpu.memory_space<hbm>> -> memref<32x128xf32, #tpu.memory_space<hbm>>
      tpu.enqueue_dma source(%dma_start3A_291 : memref<32x128xf32, #tpu.memory_space<hbm>>) target(%dma_start3A_289 : memref<32x128xf32, #tpu.memory_space<vmem>>) target_semaphore(%arg15 : memref<!tpu.dma_semaphore, #tpu.memory_space<semaphore_mem>>)
      %slice3A_292 = vector.extract_strided_slice %get3A_14 {offsets = [7], sizes = [1], strides = [1]} : vector<16xi32> to vector<1xi32>
      %squeeze3A_293 = vector.extract %slice3A_292[0] : i32 from vector<1xi32>
      %slice3A_294 = vector.extract_strided_slice %get3A_16 {offsets = [7], sizes = [1], strides = [1]} : vector<16xi32> to vector<1xi32>
      %squeeze3A_295 = vector.extract %slice3A_294[0] : i32 from vector<1xi32>
      %shift_right_arithmetic3A_296 = arith.constant 7 : i32
      %shift_right_arithmetic3A_297 = arith.shrsi %squeeze3A_293, %shift_right_arithmetic3A_296 : i32
      %mul3A_298 = arith.constant 128 : i32
      %mul3A_299 = arith.muli %shift_right_arithmetic3A_297, %mul3A_298 : i32
      %multiple_of3A_300 = tpu.assume_multiple %mul3A_299, 128 : i32
      %shift_right_arithmetic3A_301 = arith.constant 7 : i32
      %shift_right_arithmetic3A_302 = arith.shrsi %squeeze3A_295, %shift_right_arithmetic3A_301 : i32
      %mul3A_303 = arith.constant 128 : i32
      %mul3A_304 = arith.muli %shift_right_arithmetic3A_302, %mul3A_303 : i32
      %multiple_of3A_305 = tpu.assume_multiple %mul3A_304, 128 : i32
      %dma_start3A_306 = arith.constant 7 : i32
      %dma_start3A_307 = arith.constant 0 : i32
      %dma_start3A_308 = arith.constant 0 : i32
      %dma_start3A_309 = tpu.memref_slice %arg9[%dma_start3A_306, %dma_start3A_307, %dma_start3A_308] : memref<8x32x128xf32, #tpu.memory_space<vmem>> -> memref<1x32x128xf32, #tpu.memory_space<vmem>>
      %dma_start3A_310 = tpu.memref_squeeze %dma_start3A_309 : memref<1x32x128xf32, #tpu.memory_space<vmem>> -> memref<32x128xf32, #tpu.memory_space<vmem>>
      %dma_start3A_311 = arith.constant 0 : i32
      %dma_start3A_312 = tpu.memref_slice %arg4[%dma_start3A_311, %multiple_of3A_300] : memref<32x1000000xf32, #tpu.memory_space<hbm>> -> memref<32x128xf32, #tpu.memory_space<hbm>>
      %dma_start3A_313 = arith.constant 0 : i32
      %dma_start3A_314 = arith.constant 0 : i32
      %dma_start3A_315 = tpu.memref_slice %arg9[%dma_start3A_306, %dma_start3A_313, %dma_start3A_314] : memref<8x32x128xf32, #tpu.memory_space<vmem>> -> memref<1x32x128xf32, #tpu.memory_space<vmem>>
      %dma_start3A_316 = tpu.memref_squeeze %dma_start3A_315 : memref<1x32x128xf32, #tpu.memory_space<vmem>> -> memref<32x128xf32, #tpu.memory_space<vmem>>
      %dma_start3A_317 = arith.constant 0 : i32
      %dma_start3A_318 = tpu.memref_slice %arg4[%dma_start3A_317, %multiple_of3A_300] : memref<32x1000000xf32, #tpu.memory_space<hbm>> -> memref<32x128xf32, #tpu.memory_space<hbm>>
      tpu.enqueue_dma source(%dma_start3A_318 : memref<32x128xf32, #tpu.memory_space<hbm>>) target(%dma_start3A_316 : memref<32x128xf32, #tpu.memory_space<vmem>>) target_semaphore(%arg14 : memref<!tpu.dma_semaphore, #tpu.memory_space<semaphore_mem>>)
      %dma_start3A_319 = arith.constant 7 : i32
      %dma_start3A_320 = arith.constant 0 : i32
      %dma_start3A_321 = arith.constant 0 : i32
      %dma_start3A_322 = tpu.memref_slice %arg10[%dma_start3A_319, %dma_start3A_320, %dma_start3A_321] : memref<8x32x128xf32, #tpu.memory_space<vmem>> -> memref<1x32x128xf32, #tpu.memory_space<vmem>>
      %dma_start3A_323 = tpu.memref_squeeze %dma_start3A_322 : memref<1x32x128xf32, #tpu.memory_space<vmem>> -> memref<32x128xf32, #tpu.memory_space<vmem>>
      %dma_start3A_324 = arith.constant 0 : i32
      %dma_start3A_325 = tpu.memref_slice %arg5[%dma_start3A_324, %multiple_of3A_305] : memref<32x1000000xf32, #tpu.memory_space<hbm>> -> memref<32x128xf32, #tpu.memory_space<hbm>>
      %dma_start3A_326 = arith.constant 0 : i32
      %dma_start3A_327 = arith.constant 0 : i32
      %dma_start3A_328 = tpu.memref_slice %arg10[%dma_start3A_319, %dma_start3A_326, %dma_start3A_327] : memref<8x32x128xf32, #tpu.memory_space<vmem>> -> memref<1x32x128xf32, #tpu.memory_space<vmem>>
      %dma_start3A_329 = tpu.memref_squeeze %dma_start3A_328 : memref<1x32x128xf32, #tpu.memory_space<vmem>> -> memref<32x128xf32, #tpu.memory_space<vmem>>
      %dma_start3A_330 = arith.constant 0 : i32
      %dma_start3A_331 = tpu.memref_slice %arg5[%dma_start3A_330, %multiple_of3A_305] : memref<32x1000000xf32, #tpu.memory_space<hbm>> -> memref<32x128xf32, #tpu.memory_space<hbm>>
      tpu.enqueue_dma source(%dma_start3A_331 : memref<32x128xf32, #tpu.memory_space<hbm>>) target(%dma_start3A_329 : memref<32x128xf32, #tpu.memory_space<vmem>>) target_semaphore(%arg15 : memref<!tpu.dma_semaphore, #tpu.memory_space<semaphore_mem>>)
      %dma_wait3A = arith.constant 0 : i32
      %dma_wait3A_332 = arith.constant 0 : i32
      %dma_wait3A_333 = arith.constant 0 : i32
      %dma_wait3A_334 = tpu.memref_slice %arg9[%dma_wait3A, %dma_wait3A_332, %dma_wait3A_333] : memref<8x32x128xf32, #tpu.memory_space<vmem>> -> memref<1x32x128xf32, #tpu.memory_space<vmem>>
      %dma_wait3A_335 = tpu.memref_squeeze %dma_wait3A_334 : memref<1x32x128xf32, #tpu.memory_space<vmem>> -> memref<32x128xf32, #tpu.memory_space<vmem>>
      %dma_wait3A_336 = arith.constant 0 : i32
      %dma_wait3A_337 = arith.constant 0 : i32
      %dma_wait3A_338 = tpu.memref_slice %arg4[%dma_wait3A_336, %dma_wait3A_337] : memref<32x1000000xf32, #tpu.memory_space<hbm>> -> memref<32x128xf32, #tpu.memory_space<hbm>>
      %dma_wait3A_339 = arith.constant 0 : i32
      %dma_wait3A_340 = arith.constant 0 : i32
      %dma_wait3A_341 = tpu.memref_slice %arg9[%dma_wait3A, %dma_wait3A_339, %dma_wait3A_340] : memref<8x32x128xf32, #tpu.memory_space<vmem>> -> memref<1x32x128xf32, #tpu.memory_space<vmem>>
      %dma_wait3A_342 = tpu.memref_squeeze %dma_wait3A_341 : memref<1x32x128xf32, #tpu.memory_space<vmem>> -> memref<32x128xf32, #tpu.memory_space<vmem>>
      %dma_wait3A_343 = arith.constant 0 : i32
      %dma_wait3A_344 = arith.constant 0 : i32
      %dma_wait3A_345 = tpu.memref_slice %arg4[%dma_wait3A_343, %dma_wait3A_344] : memref<32x1000000xf32, #tpu.memory_space<hbm>> -> memref<32x128xf32, #tpu.memory_space<hbm>>
      tpu.wait_dma2 semaphore(%arg14 : memref<!tpu.dma_semaphore, #tpu.memory_space<semaphore_mem>>) src(%dma_wait3A_345 : memref<32x128xf32, #tpu.memory_space<hbm>>) dst(%dma_wait3A_342 : memref<32x128xf32, #tpu.memory_space<vmem>>)
      %dma_wait3A_346 = arith.constant 0 : i32
      %dma_wait3A_347 = arith.constant 0 : i32
      %dma_wait3A_348 = arith.constant 0 : i32
      %dma_wait3A_349 = tpu.memref_slice %arg10[%dma_wait3A_346, %dma_wait3A_347, %dma_wait3A_348] : memref<8x32x128xf32, #tpu.memory_space<vmem>> -> memref<1x32x128xf32, #tpu.memory_space<vmem>>
      %dma_wait3A_350 = tpu.memref_squeeze %dma_wait3A_349 : memref<1x32x128xf32, #tpu.memory_space<vmem>> -> memref<32x128xf32, #tpu.memory_space<vmem>>
      %dma_wait3A_351 = arith.constant 0 : i32
      %dma_wait3A_352 = arith.constant 0 : i32
      %dma_wait3A_353 = tpu.memref_slice %arg5[%dma_wait3A_351, %dma_wait3A_352] : memref<32x1000000xf32, #tpu.memory_space<hbm>> -> memref<32x128xf32, #tpu.memory_space<hbm>>
      %dma_wait3A_354 = arith.constant 0 : i32
      %dma_wait3A_355 = arith.constant 0 : i32
      %dma_wait3A_356 = tpu.memref_slice %arg10[%dma_wait3A_346, %dma_wait3A_354, %dma_wait3A_355] : memref<8x32x128xf32, #tpu.memory_space<vmem>> -> memref<1x32x128xf32, #tpu.memory_space<vmem>>
      %dma_wait3A_357 = tpu.memref_squeeze %dma_wait3A_356 : memref<1x32x128xf32, #tpu.memory_space<vmem>> -> memref<32x128xf32, #tpu.memory_space<vmem>>
      %dma_wait3A_358 = arith.constant 0 : i32
      %dma_wait3A_359 = arith.constant 0 : i32
      %dma_wait3A_360 = tpu.memref_slice %arg5[%dma_wait3A_358, %dma_wait3A_359] : memref<32x1000000xf32, #tpu.memory_space<hbm>> -> memref<32x128xf32, #tpu.memory_space<hbm>>
      tpu.wait_dma2 semaphore(%arg15 : memref<!tpu.dma_semaphore, #tpu.memory_space<semaphore_mem>>) src(%dma_wait3A_360 : memref<32x128xf32, #tpu.memory_space<hbm>>) dst(%dma_wait3A_357 : memref<32x128xf32, #tpu.memory_space<vmem>>)
      %dma_wait3A_361 = arith.constant 0 : i32
      %dma_wait3A_362 = arith.constant 0 : i32
      %dma_wait3A_363 = arith.constant 0 : i32
      %dma_wait3A_364 = tpu.memref_slice %arg9[%dma_wait3A_361, %dma_wait3A_362, %dma_wait3A_363] : memref<8x32x128xf32, #tpu.memory_space<vmem>> -> memref<1x32x128xf32, #tpu.memory_space<vmem>>
      %dma_wait3A_365 = tpu.memref_squeeze %dma_wait3A_364 : memref<1x32x128xf32, #tpu.memory_space<vmem>> -> memref<32x128xf32, #tpu.memory_space<vmem>>
      %dma_wait3A_366 = arith.constant 0 : i32
      %dma_wait3A_367 = arith.constant 0 : i32
      %dma_wait3A_368 = tpu.memref_slice %arg4[%dma_wait3A_366, %dma_wait3A_367] : memref<32x1000000xf32, #tpu.memory_space<hbm>> -> memref<32x128xf32, #tpu.memory_space<hbm>>
      %dma_wait3A_369 = arith.constant 0 : i32
      %dma_wait3A_370 = arith.constant 0 : i32
      %dma_wait3A_371 = tpu.memref_slice %arg9[%dma_wait3A_361, %dma_wait3A_369, %dma_wait3A_370] : memref<8x32x128xf32, #tpu.memory_space<vmem>> -> memref<1x32x128xf32, #tpu.memory_space<vmem>>
      %dma_wait3A_372 = tpu.memref_squeeze %dma_wait3A_371 : memref<1x32x128xf32, #tpu.memory_space<vmem>> -> memref<32x128xf32, #tpu.memory_space<vmem>>
      %dma_wait3A_373 = arith.constant 0 : i32
      %dma_wait3A_374 = arith.constant 0 : i32
      %dma_wait3A_375 = tpu.memref_slice %arg4[%dma_wait3A_373, %dma_wait3A_374] : memref<32x1000000xf32, #tpu.memory_space<hbm>> -> memref<32x128xf32, #tpu.memory_space<hbm>>
      tpu.wait_dma2 semaphore(%arg14 : memref<!tpu.dma_semaphore, #tpu.memory_space<semaphore_mem>>) src(%dma_wait3A_375 : memref<32x128xf32, #tpu.memory_space<hbm>>) dst(%dma_wait3A_372 : memref<32x128xf32, #tpu.memory_space<vmem>>)
      %dma_wait3A_376 = arith.constant 0 : i32
      %dma_wait3A_377 = arith.constant 0 : i32
      %dma_wait3A_378 = arith.constant 0 : i32
      %dma_wait3A_379 = tpu.memref_slice %arg10[%dma_wait3A_376, %dma_wait3A_377, %dma_wait3A_378] : memref<8x32x128xf32, #tpu.memory_space<vmem>> -> memref<1x32x128xf32, #tpu.memory_space<vmem>>
      %dma_wait3A_380 = tpu.memref_squeeze %dma_wait3A_379 : memref<1x32x128xf32, #tpu.memory_space<vmem>> -> memref<32x128xf32, #tpu.memory_space<vmem>>
      %dma_wait3A_381 = arith.constant 0 : i32
      %dma_wait3A_382 = arith.constant 0 : i32
      %dma_wait3A_383 = tpu.memref_slice %arg5[%dma_wait3A_381, %dma_wait3A_382] : memref<32x1000000xf32, #tpu.memory_space<hbm>> -> memref<32x128xf32, #tpu.memory_space<hbm>>
      %dma_wait3A_384 = arith.constant 0 : i32
      %dma_wait3A_385 = arith.constant 0 : i32
      %dma_wait3A_386 = tpu.memref_slice %arg10[%dma_wait3A_376, %dma_wait3A_384, %dma_wait3A_385] : memref<8x32x128xf32, #tpu.memory_space<vmem>> -> memref<1x32x128xf32, #tpu.memory_space<vmem>>
      %dma_wait3A_387 = tpu.memref_squeeze %dma_wait3A_386 : memref<1x32x128xf32, #tpu.memory_space<vmem>> -> memref<32x128xf32, #tpu.memory_space<vmem>>
      %dma_wait3A_388 = arith.constant 0 : i32
      %dma_wait3A_389 = arith.constant 0 : i32
      %dma_wait3A_390 = tpu.memref_slice %arg5[%dma_wait3A_388, %dma_wait3A_389] : memref<32x1000000xf32, #tpu.memory_space<hbm>> -> memref<32x128xf32, #tpu.memory_space<hbm>>
      tpu.wait_dma2 semaphore(%arg15 : memref<!tpu.dma_semaphore, #tpu.memory_space<semaphore_mem>>) src(%dma_wait3A_390 : memref<32x128xf32, #tpu.memory_space<hbm>>) dst(%dma_wait3A_387 : memref<32x128xf32, #tpu.memory_space<vmem>>)
      %dma_wait3A_391 = arith.constant 0 : i32
      %dma_wait3A_392 = arith.constant 0 : i32
      %dma_wait3A_393 = arith.constant 0 : i32
      %dma_wait3A_394 = tpu.memref_slice %arg9[%dma_wait3A_391, %dma_wait3A_392, %dma_wait3A_393] : memref<8x32x128xf32, #tpu.memory_space<vmem>> -> memref<1x32x128xf32, #tpu.memory_space<vmem>>
      %dma_wait3A_395 = tpu.memref_squeeze %dma_wait3A_394 : memref<1x32x128xf32, #tpu.memory_space<vmem>> -> memref<32x128xf32, #tpu.memory_space<vmem>>
      %dma_wait3A_396 = arith.constant 0 : i32
      %dma_wait3A_397 = arith.constant 0 : i32
      %dma_wait3A_398 = tpu.memref_slice %arg4[%dma_wait3A_396, %dma_wait3A_397] : memref<32x1000000xf32, #tpu.memory_space<hbm>> -> memref<32x128xf32, #tpu.memory_space<hbm>>
      %dma_wait3A_399 = arith.constant 0 : i32
      %dma_wait3A_400 = arith.constant 0 : i32
      %dma_wait3A_401 = tpu.memref_slice %arg9[%dma_wait3A_391, %dma_wait3A_399, %dma_wait3A_400] : memref<8x32x128xf32, #tpu.memory_space<vmem>> -> memref<1x32x128xf32, #tpu.memory_space<vmem>>
      %dma_wait3A_402 = tpu.memref_squeeze %dma_wait3A_401 : memref<1x32x128xf32, #tpu.memory_space<vmem>> -> memref<32x128xf32, #tpu.memory_space<vmem>>
      %dma_wait3A_403 = arith.constant 0 : i32
      %dma_wait3A_404 = arith.constant 0 : i32
      %dma_wait3A_405 = tpu.memref_slice %arg4[%dma_wait3A_403, %dma_wait3A_404] : memref<32x1000000xf32, #tpu.memory_space<hbm>> -> memref<32x128xf32, #tpu.memory_space<hbm>>
      tpu.wait_dma2 semaphore(%arg14 : memref<!tpu.dma_semaphore, #tpu.memory_space<semaphore_mem>>) src(%dma_wait3A_405 : memref<32x128xf32, #tpu.memory_space<hbm>>) dst(%dma_wait3A_402 : memref<32x128xf32, #tpu.memory_space<vmem>>)
      %dma_wait3A_406 = arith.constant 0 : i32
      %dma_wait3A_407 = arith.constant 0 : i32
      %dma_wait3A_408 = arith.constant 0 : i32
      %dma_wait3A_409 = tpu.memref_slice %arg10[%dma_wait3A_406, %dma_wait3A_407, %dma_wait3A_408] : memref<8x32x128xf32, #tpu.memory_space<vmem>> -> memref<1x32x128xf32, #tpu.memory_space<vmem>>
      %dma_wait3A_410 = tpu.memref_squeeze %dma_wait3A_409 : memref<1x32x128xf32, #tpu.memory_space<vmem>> -> memref<32x128xf32, #tpu.memory_space<vmem>>
      %dma_wait3A_411 = arith.constant 0 : i32
      %dma_wait3A_412 = arith.constant 0 : i32
      %dma_wait3A_413 = tpu.memref_slice %arg5[%dma_wait3A_411, %dma_wait3A_412] : memref<32x1000000xf32, #tpu.memory_space<hbm>> -> memref<32x128xf32, #tpu.memory_space<hbm>>
      %dma_wait3A_414 = arith.constant 0 : i32
      %dma_wait3A_415 = arith.constant 0 : i32
      %dma_wait3A_416 = tpu.memref_slice %arg10[%dma_wait3A_406, %dma_wait3A_414, %dma_wait3A_415] : memref<8x32x128xf32, #tpu.memory_space<vmem>> -> memref<1x32x128xf32, #tpu.memory_space<vmem>>
      %dma_wait3A_417 = tpu.memref_squeeze %dma_wait3A_416 : memref<1x32x128xf32, #tpu.memory_space<vmem>> -> memref<32x128xf32, #tpu.memory_space<vmem>>
      %dma_wait3A_418 = arith.constant 0 : i32
      %dma_wait3A_419 = arith.constant 0 : i32
      %dma_wait3A_420 = tpu.memref_slice %arg5[%dma_wait3A_418, %dma_wait3A_419] : memref<32x1000000xf32, #tpu.memory_space<hbm>> -> memref<32x128xf32, #tpu.memory_space<hbm>>
      tpu.wait_dma2 semaphore(%arg15 : memref<!tpu.dma_semaphore, #tpu.memory_space<semaphore_mem>>) src(%dma_wait3A_420 : memref<32x128xf32, #tpu.memory_space<hbm>>) dst(%dma_wait3A_417 : memref<32x128xf32, #tpu.memory_space<vmem>>)
      %dma_wait3A_421 = arith.constant 0 : i32
      %dma_wait3A_422 = arith.constant 0 : i32
      %dma_wait3A_423 = arith.constant 0 : i32
      %dma_wait3A_424 = tpu.memref_slice %arg9[%dma_wait3A_421, %dma_wait3A_422, %dma_wait3A_423] : memref<8x32x128xf32, #tpu.memory_space<vmem>> -> memref<1x32x128xf32, #tpu.memory_space<vmem>>
      %dma_wait3A_425 = tpu.memref_squeeze %dma_wait3A_424 : memref<1x32x128xf32, #tpu.memory_space<vmem>> -> memref<32x128xf32, #tpu.memory_space<vmem>>
      %dma_wait3A_426 = arith.constant 0 : i32
      %dma_wait3A_427 = arith.constant 0 : i32
      %dma_wait3A_428 = tpu.memref_slice %arg4[%dma_wait3A_426, %dma_wait3A_427] : memref<32x1000000xf32, #tpu.memory_space<hbm>> -> memref<32x128xf32, #tpu.memory_space<hbm>>
      %dma_wait3A_429 = arith.constant 0 : i32
      %dma_wait3A_430 = arith.constant 0 : i32
      %dma_wait3A_431 = tpu.memref_slice %arg9[%dma_wait3A_421, %dma_wait3A_429, %dma_wait3A_430] : memref<8x32x128xf32, #tpu.memory_space<vmem>> -> memref<1x32x128xf32, #tpu.memory_space<vmem>>
      %dma_wait3A_432 = tpu.memref_squeeze %dma_wait3A_431 : memref<1x32x128xf32, #tpu.memory_space<vmem>> -> memref<32x128xf32, #tpu.memory_space<vmem>>
      %dma_wait3A_433 = arith.constant 0 : i32
      %dma_wait3A_434 = arith.constant 0 : i32
      %dma_wait3A_435 = tpu.memref_slice %arg4[%dma_wait3A_433, %dma_wait3A_434] : memref<32x1000000xf32, #tpu.memory_space<hbm>> -> memref<32x128xf32, #tpu.memory_space<hbm>>
      tpu.wait_dma2 semaphore(%arg14 : memref<!tpu.dma_semaphore, #tpu.memory_space<semaphore_mem>>) src(%dma_wait3A_435 : memref<32x128xf32, #tpu.memory_space<hbm>>) dst(%dma_wait3A_432 : memref<32x128xf32, #tpu.memory_space<vmem>>)
      %dma_wait3A_436 = arith.constant 0 : i32
      %dma_wait3A_437 = arith.constant 0 : i32
      %dma_wait3A_438 = arith.constant 0 : i32
      %dma_wait3A_439 = tpu.memref_slice %arg10[%dma_wait3A_436, %dma_wait3A_437, %dma_wait3A_438] : memref<8x32x128xf32, #tpu.memory_space<vmem>> -> memref<1x32x128xf32, #tpu.memory_space<vmem>>
      %dma_wait3A_440 = tpu.memref_squeeze %dma_wait3A_439 : memref<1x32x128xf32, #tpu.memory_space<vmem>> -> memref<32x128xf32, #tpu.memory_space<vmem>>
      %dma_wait3A_441 = arith.constant 0 : i32
      %dma_wait3A_442 = arith.constant 0 : i32
      %dma_wait3A_443 = tpu.memref_slice %arg5[%dma_wait3A_441, %dma_wait3A_442] : memref<32x1000000xf32, #tpu.memory_space<hbm>> -> memref<32x128xf32, #tpu.memory_space<hbm>>
      %dma_wait3A_444 = arith.constant 0 : i32
      %dma_wait3A_445 = arith.constant 0 : i32
      %dma_wait3A_446 = tpu.memref_slice %arg10[%dma_wait3A_436, %dma_wait3A_444, %dma_wait3A_445] : memref<8x32x128xf32, #tpu.memory_space<vmem>> -> memref<1x32x128xf32, #tpu.memory_space<vmem>>
      %dma_wait3A_447 = tpu.memref_squeeze %dma_wait3A_446 : memref<1x32x128xf32, #tpu.memory_space<vmem>> -> memref<32x128xf32, #tpu.memory_space<vmem>>
      %dma_wait3A_448 = arith.constant 0 : i32
      %dma_wait3A_449 = arith.constant 0 : i32
      %dma_wait3A_450 = tpu.memref_slice %arg5[%dma_wait3A_448, %dma_wait3A_449] : memref<32x1000000xf32, #tpu.memory_space<hbm>> -> memref<32x128xf32, #tpu.memory_space<hbm>>
      tpu.wait_dma2 semaphore(%arg15 : memref<!tpu.dma_semaphore, #tpu.memory_space<semaphore_mem>>) src(%dma_wait3A_450 : memref<32x128xf32, #tpu.memory_space<hbm>>) dst(%dma_wait3A_447 : memref<32x128xf32, #tpu.memory_space<vmem>>)
      %dma_wait3A_451 = arith.constant 0 : i32
      %dma_wait3A_452 = arith.constant 0 : i32
      %dma_wait3A_453 = arith.constant 0 : i32
      %dma_wait3A_454 = tpu.memref_slice %arg9[%dma_wait3A_451, %dma_wait3A_452, %dma_wait3A_453] : memref<8x32x128xf32, #tpu.memory_space<vmem>> -> memref<1x32x128xf32, #tpu.memory_space<vmem>>
      %dma_wait3A_455 = tpu.memref_squeeze %dma_wait3A_454 : memref<1x32x128xf32, #tpu.memory_space<vmem>> -> memref<32x128xf32, #tpu.memory_space<vmem>>
      %dma_wait3A_456 = arith.constant 0 : i32
      %dma_wait3A_457 = arith.constant 0 : i32
      %dma_wait3A_458 = tpu.memref_slice %arg4[%dma_wait3A_456, %dma_wait3A_457] : memref<32x1000000xf32, #tpu.memory_space<hbm>> -> memref<32x128xf32, #tpu.memory_space<hbm>>
      %dma_wait3A_459 = arith.constant 0 : i32
      %dma_wait3A_460 = arith.constant 0 : i32
      %dma_wait3A_461 = tpu.memref_slice %arg9[%dma_wait3A_451, %dma_wait3A_459, %dma_wait3A_460] : memref<8x32x128xf32, #tpu.memory_space<vmem>> -> memref<1x32x128xf32, #tpu.memory_space<vmem>>
      %dma_wait3A_462 = tpu.memref_squeeze %dma_wait3A_461 : memref<1x32x128xf32, #tpu.memory_space<vmem>> -> memref<32x128xf32, #tpu.memory_space<vmem>>
      %dma_wait3A_463 = arith.constant 0 : i32
      %dma_wait3A_464 = arith.constant 0 : i32
      %dma_wait3A_465 = tpu.memref_slice %arg4[%dma_wait3A_463, %dma_wait3A_464] : memref<32x1000000xf32, #tpu.memory_space<hbm>> -> memref<32x128xf32, #tpu.memory_space<hbm>>
      tpu.wait_dma2 semaphore(%arg14 : memref<!tpu.dma_semaphore, #tpu.memory_space<semaphore_mem>>) src(%dma_wait3A_465 : memref<32x128xf32, #tpu.memory_space<hbm>>) dst(%dma_wait3A_462 : memref<32x128xf32, #tpu.memory_space<vmem>>)
      %dma_wait3A_466 = arith.constant 0 : i32
      %dma_wait3A_467 = arith.constant 0 : i32
      %dma_wait3A_468 = arith.constant 0 : i32
      %dma_wait3A_469 = tpu.memref_slice %arg10[%dma_wait3A_466, %dma_wait3A_467, %dma_wait3A_468] : memref<8x32x128xf32, #tpu.memory_space<vmem>> -> memref<1x32x128xf32, #tpu.memory_space<vmem>>
      %dma_wait3A_470 = tpu.memref_squeeze %dma_wait3A_469 : memref<1x32x128xf32, #tpu.memory_space<vmem>> -> memref<32x128xf32, #tpu.memory_space<vmem>>
      %dma_wait3A_471 = arith.constant 0 : i32
      %dma_wait3A_472 = arith.constant 0 : i32
      %dma_wait3A_473 = tpu.memref_slice %arg5[%dma_wait3A_471, %dma_wait3A_472] : memref<32x1000000xf32, #tpu.memory_space<hbm>> -> memref<32x128xf32, #tpu.memory_space<hbm>>
      %dma_wait3A_474 = arith.constant 0 : i32
      %dma_wait3A_475 = arith.constant 0 : i32
      %dma_wait3A_476 = tpu.memref_slice %arg10[%dma_wait3A_466, %dma_wait3A_474, %dma_wait3A_475] : memref<8x32x128xf32, #tpu.memory_space<vmem>> -> memref<1x32x128xf32, #tpu.memory_space<vmem>>
      %dma_wait3A_477 = tpu.memref_squeeze %dma_wait3A_476 : memref<1x32x128xf32, #tpu.memory_space<vmem>> -> memref<32x128xf32, #tpu.memory_space<vmem>>
      %dma_wait3A_478 = arith.constant 0 : i32
      %dma_wait3A_479 = arith.constant 0 : i32
      %dma_wait3A_480 = tpu.memref_slice %arg5[%dma_wait3A_478, %dma_wait3A_479] : memref<32x1000000xf32, #tpu.memory_space<hbm>> -> memref<32x128xf32, #tpu.memory_space<hbm>>
      tpu.wait_dma2 semaphore(%arg15 : memref<!tpu.dma_semaphore, #tpu.memory_space<semaphore_mem>>) src(%dma_wait3A_480 : memref<32x128xf32, #tpu.memory_space<hbm>>) dst(%dma_wait3A_477 : memref<32x128xf32, #tpu.memory_space<vmem>>)
      %dma_wait3A_481 = arith.constant 0 : i32
      %dma_wait3A_482 = arith.constant 0 : i32
      %dma_wait3A_483 = arith.constant 0 : i32
      %dma_wait3A_484 = tpu.memref_slice %arg9[%dma_wait3A_481, %dma_wait3A_482, %dma_wait3A_483] : memref<8x32x128xf32, #tpu.memory_space<vmem>> -> memref<1x32x128xf32, #tpu.memory_space<vmem>>
      %dma_wait3A_485 = tpu.memref_squeeze %dma_wait3A_484 : memref<1x32x128xf32, #tpu.memory_space<vmem>> -> memref<32x128xf32, #tpu.memory_space<vmem>>
      %dma_wait3A_486 = arith.constant 0 : i32
      %dma_wait3A_487 = arith.constant 0 : i32
      %dma_wait3A_488 = tpu.memref_slice %arg4[%dma_wait3A_486, %dma_wait3A_487] : memref<32x1000000xf32, #tpu.memory_space<hbm>> -> memref<32x128xf32, #tpu.memory_space<hbm>>
      %dma_wait3A_489 = arith.constant 0 : i32
      %dma_wait3A_490 = arith.constant 0 : i32
      %dma_wait3A_491 = tpu.memref_slice %arg9[%dma_wait3A_481, %dma_wait3A_489, %dma_wait3A_490] : memref<8x32x128xf32, #tpu.memory_space<vmem>> -> memref<1x32x128xf32, #tpu.memory_space<vmem>>
      %dma_wait3A_492 = tpu.memref_squeeze %dma_wait3A_491 : memref<1x32x128xf32, #tpu.memory_space<vmem>> -> memref<32x128xf32, #tpu.memory_space<vmem>>
      %dma_wait3A_493 = arith.constant 0 : i32
      %dma_wait3A_494 = arith.constant 0 : i32
      %dma_wait3A_495 = tpu.memref_slice %arg4[%dma_wait3A_493, %dma_wait3A_494] : memref<32x1000000xf32, #tpu.memory_space<hbm>> -> memref<32x128xf32, #tpu.memory_space<hbm>>
      tpu.wait_dma2 semaphore(%arg14 : memref<!tpu.dma_semaphore, #tpu.memory_space<semaphore_mem>>) src(%dma_wait3A_495 : memref<32x128xf32, #tpu.memory_space<hbm>>) dst(%dma_wait3A_492 : memref<32x128xf32, #tpu.memory_space<vmem>>)
      %dma_wait3A_496 = arith.constant 0 : i32
      %dma_wait3A_497 = arith.constant 0 : i32
      %dma_wait3A_498 = arith.constant 0 : i32
      %dma_wait3A_499 = tpu.memref_slice %arg10[%dma_wait3A_496, %dma_wait3A_497, %dma_wait3A_498] : memref<8x32x128xf32, #tpu.memory_space<vmem>> -> memref<1x32x128xf32, #tpu.memory_space<vmem>>
      %dma_wait3A_500 = tpu.memref_squeeze %dma_wait3A_499 : memref<1x32x128xf32, #tpu.memory_space<vmem>> -> memref<32x128xf32, #tpu.memory_space<vmem>>
      %dma_wait3A_501 = arith.constant 0 : i32
      %dma_wait3A_502 = arith.constant 0 : i32
      %dma_wait3A_503 = tpu.memref_slice %arg5[%dma_wait3A_501, %dma_wait3A_502] : memref<32x1000000xf32, #tpu.memory_space<hbm>> -> memref<32x128xf32, #tpu.memory_space<hbm>>
      %dma_wait3A_504 = arith.constant 0 : i32
      %dma_wait3A_505 = arith.constant 0 : i32
      %dma_wait3A_506 = tpu.memref_slice %arg10[%dma_wait3A_496, %dma_wait3A_504, %dma_wait3A_505] : memref<8x32x128xf32, #tpu.memory_space<vmem>> -> memref<1x32x128xf32, #tpu.memory_space<vmem>>
      %dma_wait3A_507 = tpu.memref_squeeze %dma_wait3A_506 : memref<1x32x128xf32, #tpu.memory_space<vmem>> -> memref<32x128xf32, #tpu.memory_space<vmem>>
      %dma_wait3A_508 = arith.constant 0 : i32
      %dma_wait3A_509 = arith.constant 0 : i32
      %dma_wait3A_510 = tpu.memref_slice %arg5[%dma_wait3A_508, %dma_wait3A_509] : memref<32x1000000xf32, #tpu.memory_space<hbm>> -> memref<32x128xf32, #tpu.memory_space<hbm>>
      tpu.wait_dma2 semaphore(%arg15 : memref<!tpu.dma_semaphore, #tpu.memory_space<semaphore_mem>>) src(%dma_wait3A_510 : memref<32x128xf32, #tpu.memory_space<hbm>>) dst(%dma_wait3A_507 : memref<32x128xf32, #tpu.memory_space<vmem>>)
      %dma_wait3A_511 = arith.constant 0 : i32
      %dma_wait3A_512 = arith.constant 0 : i32
      %dma_wait3A_513 = arith.constant 0 : i32
      %dma_wait3A_514 = tpu.memref_slice %arg9[%dma_wait3A_511, %dma_wait3A_512, %dma_wait3A_513] : memref<8x32x128xf32, #tpu.memory_space<vmem>> -> memref<1x32x128xf32, #tpu.memory_space<vmem>>
      %dma_wait3A_515 = tpu.memref_squeeze %dma_wait3A_514 : memref<1x32x128xf32, #tpu.memory_space<vmem>> -> memref<32x128xf32, #tpu.memory_space<vmem>>
      %dma_wait3A_516 = arith.constant 0 : i32
      %dma_wait3A_517 = arith.constant 0 : i32
      %dma_wait3A_518 = tpu.memref_slice %arg4[%dma_wait3A_516, %dma_wait3A_517] : memref<32x1000000xf32, #tpu.memory_space<hbm>> -> memref<32x128xf32, #tpu.memory_space<hbm>>
      %dma_wait3A_519 = arith.constant 0 : i32
      %dma_wait3A_520 = arith.constant 0 : i32
      %dma_wait3A_521 = tpu.memref_slice %arg9[%dma_wait3A_511, %dma_wait3A_519, %dma_wait3A_520] : memref<8x32x128xf32, #tpu.memory_space<vmem>> -> memref<1x32x128xf32, #tpu.memory_space<vmem>>
      %dma_wait3A_522 = tpu.memref_squeeze %dma_wait3A_521 : memref<1x32x128xf32, #tpu.memory_space<vmem>> -> memref<32x128xf32, #tpu.memory_space<vmem>>
      %dma_wait3A_523 = arith.constant 0 : i32
      %dma_wait3A_524 = arith.constant 0 : i32
      %dma_wait3A_525 = tpu.memref_slice %arg4[%dma_wait3A_523, %dma_wait3A_524] : memref<32x1000000xf32, #tpu.memory_space<hbm>> -> memref<32x128xf32, #tpu.memory_space<hbm>>
      tpu.wait_dma2 semaphore(%arg14 : memref<!tpu.dma_semaphore, #tpu.memory_space<semaphore_mem>>) src(%dma_wait3A_525 : memref<32x128xf32, #tpu.memory_space<hbm>>) dst(%dma_wait3A_522 : memref<32x128xf32, #tpu.memory_space<vmem>>)
      %dma_wait3A_526 = arith.constant 0 : i32
      %dma_wait3A_527 = arith.constant 0 : i32
      %dma_wait3A_528 = arith.constant 0 : i32
      %dma_wait3A_529 = tpu.memref_slice %arg10[%dma_wait3A_526, %dma_wait3A_527, %dma_wait3A_528] : memref<8x32x128xf32, #tpu.memory_space<vmem>> -> memref<1x32x128xf32, #tpu.memory_space<vmem>>
      %dma_wait3A_530 = tpu.memref_squeeze %dma_wait3A_529 : memref<1x32x128xf32, #tpu.memory_space<vmem>> -> memref<32x128xf32, #tpu.memory_space<vmem>>
      %dma_wait3A_531 = arith.constant 0 : i32
      %dma_wait3A_532 = arith.constant 0 : i32
      %dma_wait3A_533 = tpu.memref_slice %arg5[%dma_wait3A_531, %dma_wait3A_532] : memref<32x1000000xf32, #tpu.memory_space<hbm>> -> memref<32x128xf32, #tpu.memory_space<hbm>>
      %dma_wait3A_534 = arith.constant 0 : i32
      %dma_wait3A_535 = arith.constant 0 : i32
      %dma_wait3A_536 = tpu.memref_slice %arg10[%dma_wait3A_526, %dma_wait3A_534, %dma_wait3A_535] : memref<8x32x128xf32, #tpu.memory_space<vmem>> -> memref<1x32x128xf32, #tpu.memory_space<vmem>>
      %dma_wait3A_537 = tpu.memref_squeeze %dma_wait3A_536 : memref<1x32x128xf32, #tpu.memory_space<vmem>> -> memref<32x128xf32, #tpu.memory_space<vmem>>
      %dma_wait3A_538 = arith.constant 0 : i32
      %dma_wait3A_539 = arith.constant 0 : i32
      %dma_wait3A_540 = tpu.memref_slice %arg5[%dma_wait3A_538, %dma_wait3A_539] : memref<32x1000000xf32, #tpu.memory_space<hbm>> -> memref<32x128xf32, #tpu.memory_space<hbm>>
      tpu.wait_dma2 semaphore(%arg15 : memref<!tpu.dma_semaphore, #tpu.memory_space<semaphore_mem>>) src(%dma_wait3A_540 : memref<32x128xf32, #tpu.memory_space<hbm>>) dst(%dma_wait3A_537 : memref<32x128xf32, #tpu.memory_space<vmem>>)
      %dma_wait3A_541 = arith.constant 0 : i32
      %dma_wait3A_542 = arith.constant 0 : i32
      %dma_wait3A_543 = arith.constant 0 : i32
      %dma_wait3A_544 = tpu.memref_slice %arg9[%dma_wait3A_541, %dma_wait3A_542, %dma_wait3A_543] : memref<8x32x128xf32, #tpu.memory_space<vmem>> -> memref<1x32x128xf32, #tpu.memory_space<vmem>>
      %dma_wait3A_545 = tpu.memref_squeeze %dma_wait3A_544 : memref<1x32x128xf32, #tpu.memory_space<vmem>> -> memref<32x128xf32, #tpu.memory_space<vmem>>
      %dma_wait3A_546 = arith.constant 0 : i32
      %dma_wait3A_547 = arith.constant 0 : i32
      %dma_wait3A_548 = tpu.memref_slice %arg4[%dma_wait3A_546, %dma_wait3A_547] : memref<32x1000000xf32, #tpu.memory_space<hbm>> -> memref<32x128xf32, #tpu.memory_space<hbm>>
      %dma_wait3A_549 = arith.constant 0 : i32
      %dma_wait3A_550 = arith.constant 0 : i32
      %dma_wait3A_551 = tpu.memref_slice %arg9[%dma_wait3A_541, %dma_wait3A_549, %dma_wait3A_550] : memref<8x32x128xf32, #tpu.memory_space<vmem>> -> memref<1x32x128xf32, #tpu.memory_space<vmem>>
      %dma_wait3A_552 = tpu.memref_squeeze %dma_wait3A_551 : memref<1x32x128xf32, #tpu.memory_space<vmem>> -> memref<32x128xf32, #tpu.memory_space<vmem>>
      %dma_wait3A_553 = arith.constant 0 : i32
      %dma_wait3A_554 = arith.constant 0 : i32
      %dma_wait3A_555 = tpu.memref_slice %arg4[%dma_wait3A_553, %dma_wait3A_554] : memref<32x1000000xf32, #tpu.memory_space<hbm>> -> memref<32x128xf32, #tpu.memory_space<hbm>>
      tpu.wait_dma2 semaphore(%arg14 : memref<!tpu.dma_semaphore, #tpu.memory_space<semaphore_mem>>) src(%dma_wait3A_555 : memref<32x128xf32, #tpu.memory_space<hbm>>) dst(%dma_wait3A_552 : memref<32x128xf32, #tpu.memory_space<vmem>>)
      %dma_wait3A_556 = arith.constant 0 : i32
      %dma_wait3A_557 = arith.constant 0 : i32
      %dma_wait3A_558 = arith.constant 0 : i32
      %dma_wait3A_559 = tpu.memref_slice %arg10[%dma_wait3A_556, %dma_wait3A_557, %dma_wait3A_558] : memref<8x32x128xf32, #tpu.memory_space<vmem>> -> memref<1x32x128xf32, #tpu.memory_space<vmem>>
      %dma_wait3A_560 = tpu.memref_squeeze %dma_wait3A_559 : memref<1x32x128xf32, #tpu.memory_space<vmem>> -> memref<32x128xf32, #tpu.memory_space<vmem>>
      %dma_wait3A_561 = arith.constant 0 : i32
      %dma_wait3A_562 = arith.constant 0 : i32
      %dma_wait3A_563 = tpu.memref_slice %arg5[%dma_wait3A_561, %dma_wait3A_562] : memref<32x1000000xf32, #tpu.memory_space<hbm>> -> memref<32x128xf32, #tpu.memory_space<hbm>>
      %dma_wait3A_564 = arith.constant 0 : i32
      %dma_wait3A_565 = arith.constant 0 : i32
      %dma_wait3A_566 = tpu.memref_slice %arg10[%dma_wait3A_556, %dma_wait3A_564, %dma_wait3A_565] : memref<8x32x128xf32, #tpu.memory_space<vmem>> -> memref<1x32x128xf32, #tpu.memory_space<vmem>>
      %dma_wait3A_567 = tpu.memref_squeeze %dma_wait3A_566 : memref<1x32x128xf32, #tpu.memory_space<vmem>> -> memref<32x128xf32, #tpu.memory_space<vmem>>
      %dma_wait3A_568 = arith.constant 0 : i32
      %dma_wait3A_569 = arith.constant 0 : i32
      %dma_wait3A_570 = tpu.memref_slice %arg5[%dma_wait3A_568, %dma_wait3A_569] : memref<32x1000000xf32, #tpu.memory_space<hbm>> -> memref<32x128xf32, #tpu.memory_space<hbm>>
      tpu.wait_dma2 semaphore(%arg15 : memref<!tpu.dma_semaphore, #tpu.memory_space<semaphore_mem>>) src(%dma_wait3A_570 : memref<32x128xf32, #tpu.memory_space<hbm>>) dst(%dma_wait3A_567 : memref<32x128xf32, #tpu.memory_space<vmem>>)
      %slice3A_571 = vector.extract_strided_slice %get3A_14 {offsets = [0], sizes = [1], strides = [1]} : vector<16xi32> to vector<1xi32>
      %squeeze3A_572 = vector.extract %slice3A_571[0] : i32 from vector<1xi32>
      %and3A = arith.constant 127 : i32
      %and3A_573 = arith.andi %squeeze3A_572, %and3A : i32
      %broadcast_in_dim3A = vector.broadcast %and3A_573 : i32 to vector<16xi32>
      %slice3A_574 = vector.extract_strided_slice %get3A_16 {offsets = [0], sizes = [1], strides = [1]} : vector<16xi32> to vector<1xi32>
      %squeeze3A_575 = vector.extract %slice3A_574[0] : i32 from vector<1xi32>
      %and3A_576 = arith.constant 127 : i32
      %and3A_577 = arith.andi %squeeze3A_575, %and3A_576 : i32
      %broadcast_in_dim3A_578 = vector.broadcast %and3A_577 : i32 to vector<16xi32>
      %broadcast_in_dim3A_579 = arith.constant 0 : i32
      %broadcast_in_dim3A_580 = vector.broadcast %broadcast_in_dim3A_579 : i32 to vector<16xi32>
      %gather3A = tpu.vector_load_idx %arg9[%broadcast_in_dim3A_580, %iota3A, %broadcast_in_dim3A] : memref<8x32x128xf32, #tpu.memory_space<vmem>>[vector<16xi32>, vector<16xi32>, vector<16xi32>], vector<16xf32>,
      %swap3A = arith.constant 0 : i32
      %swap3A_581 = arith.index_cast %swap3A : i32 to index
      %swap3A_582 = arith.constant 0 : index
      %swap3A_583 = tpu.vector_load %arg11[%swap3A_581, %swap3A_582] {strides = array<i32>} : memref<16x128xf32, #tpu.memory_space<vmem>>, vector<16xf32>,
      tpu.vector_store %arg11[%swap3A_581, %swap3A_582], %gather3A {strides = array<i32>} : memref<16x128xf32, #tpu.memory_space<vmem>>, vector<16xf32>,
      %gather3A_584 = tpu.vector_load_idx %arg9[%broadcast_in_dim3A_580, %add3A_5, %broadcast_in_dim3A] : memref<8x32x128xf32, #tpu.memory_space<vmem>>[vector<16xi32>, vector<16xi32>, vector<16xi32>], vector<16xf32>,
      %swap3A_585 = arith.constant 0 : i32
      %swap3A_586 = arith.index_cast %swap3A_585 : i32 to index
      %swap3A_587 = arith.constant 16 : index
      %swap3A_588 = tpu.vector_load %arg11[%swap3A_586, %swap3A_587] {strides = array<i32>} : memref<16x128xf32, #tpu.memory_space<vmem>>, vector<16xf32>,
      tpu.vector_store %arg11[%swap3A_586, %swap3A_587], %gather3A_584 {strides = array<i32>} : memref<16x128xf32, #tpu.memory_space<vmem>>, vector<16xf32>,
      %gather3A_589 = tpu.vector_load_idx %arg10[%broadcast_in_dim3A_580, %iota3A, %broadcast_in_dim3A_578] : memref<8x32x128xf32, #tpu.memory_space<vmem>>[vector<16xi32>, vector<16xi32>, vector<16xi32>], vector<16xf32>,
      %swap3A_590 = arith.constant 0 : i32
      %swap3A_591 = arith.index_cast %swap3A_590 : i32 to index
      %swap3A_592 = arith.constant 0 : index
      %swap3A_593 = tpu.vector_load %arg12[%swap3A_591, %swap3A_592] {strides = array<i32>} : memref<16x128xf32, #tpu.memory_space<vmem>>, vector<16xf32>,
      tpu.vector_store %arg12[%swap3A_591, %swap3A_592], %gather3A_589 {strides = array<i32>} : memref<16x128xf32, #tpu.memory_space<vmem>>, vector<16xf32>,
      %gather3A_594 = tpu.vector_load_idx %arg10[%broadcast_in_dim3A_580, %add3A_5, %broadcast_in_dim3A_578] : memref<8x32x128xf32, #tpu.memory_space<vmem>>[vector<16xi32>, vector<16xi32>, vector<16xi32>], vector<16xf32>,
      %swap3A_595 = arith.constant 0 : i32
      %swap3A_596 = arith.index_cast %swap3A_595 : i32 to index
      %swap3A_597 = arith.constant 16 : index
      %swap3A_598 = tpu.vector_load %arg12[%swap3A_596, %swap3A_597] {strides = array<i32>} : memref<16x128xf32, #tpu.memory_space<vmem>>, vector<16xf32>,
      tpu.vector_store %arg12[%swap3A_596, %swap3A_597], %gather3A_594 {strides = array<i32>} : memref<16x128xf32, #tpu.memory_space<vmem>>, vector<16xf32>,
      %slice3A_599 = vector.extract_strided_slice %get3A_14 {offsets = [1], sizes = [1], strides = [1]} : vector<16xi32> to vector<1xi32>
      %squeeze3A_600 = vector.extract %slice3A_599[0] : i32 from vector<1xi32>
      %and3A_601 = arith.constant 127 : i32
      %and3A_602 = arith.andi %squeeze3A_600, %and3A_601 : i32
      %broadcast_in_dim3A_603 = vector.broadcast %and3A_602 : i32 to vector<16xi32>
      %slice3A_604 = vector.extract_strided_slice %get3A_16 {offsets = [1], sizes = [1], strides = [1]} : vector<16xi32> to vector<1xi32>
      %squeeze3A_605 = vector.extract %slice3A_604[0] : i32 from vector<1xi32>
      %and3A_606 = arith.constant 127 : i32
      %and3A_607 = arith.andi %squeeze3A_605, %and3A_606 : i32
      %broadcast_in_dim3A_608 = vector.broadcast %and3A_607 : i32 to vector<16xi32>
      %broadcast_in_dim3A_609 = arith.constant 1 : i32
      %broadcast_in_dim3A_610 = vector.broadcast %broadcast_in_dim3A_609 : i32 to vector<16xi32>
      %gather3A_611 = tpu.vector_load_idx %arg9[%broadcast_in_dim3A_610, %iota3A, %broadcast_in_dim3A_603] : memref<8x32x128xf32, #tpu.memory_space<vmem>>[vector<16xi32>, vector<16xi32>, vector<16xi32>], vector<16xf32>,
      %swap3A_612 = arith.constant 1 : i32
      %swap3A_613 = arith.index_cast %swap3A_612 : i32 to index
      %swap3A_614 = arith.constant 0 : index
      %swap3A_615 = tpu.vector_load %arg11[%swap3A_613, %swap3A_614] {strides = array<i32>} : memref<16x128xf32, #tpu.memory_space<vmem>>, vector<16xf32>,
      tpu.vector_store %arg11[%swap3A_613, %swap3A_614], %gather3A_611 {strides = array<i32>} : memref<16x128xf32, #tpu.memory_space<vmem>>, vector<16xf32>,
      %gather3A_616 = tpu.vector_load_idx %arg9[%broadcast_in_dim3A_610, %add3A_5, %broadcast_in_dim3A_603] : memref<8x32x128xf32, #tpu.memory_space<vmem>>[vector<16xi32>, vector<16xi32>, vector<16xi32>], vector<16xf32>,
      %swap3A_617 = arith.constant 1 : i32
      %swap3A_618 = arith.index_cast %swap3A_617 : i32 to index
      %swap3A_619 = arith.constant 16 : index
      %swap3A_620 = tpu.vector_load %arg11[%swap3A_618, %swap3A_619] {strides = array<i32>} : memref<16x128xf32, #tpu.memory_space<vmem>>, vector<16xf32>,
      tpu.vector_store %arg11[%swap3A_618, %swap3A_619], %gather3A_616 {strides = array<i32>} : memref<16x128xf32, #tpu.memory_space<vmem>>, vector<16xf32>,
      %gather3A_621 = tpu.vector_load_idx %arg10[%broadcast_in_dim3A_610, %iota3A, %broadcast_in_dim3A_608] : memref<8x32x128xf32, #tpu.memory_space<vmem>>[vector<16xi32>, vector<16xi32>, vector<16xi32>], vector<16xf32>,
      %swap3A_622 = arith.constant 1 : i32
      %swap3A_623 = arith.index_cast %swap3A_622 : i32 to index
      %swap3A_624 = arith.constant 0 : index
      %swap3A_625 = tpu.vector_load %arg12[%swap3A_623, %swap3A_624] {strides = array<i32>} : memref<16x128xf32, #tpu.memory_space<vmem>>, vector<16xf32>,
      tpu.vector_store %arg12[%swap3A_623, %swap3A_624], %gather3A_621 {strides = array<i32>} : memref<16x128xf32, #tpu.memory_space<vmem>>, vector<16xf32>,
      %gather3A_626 = tpu.vector_load_idx %arg10[%broadcast_in_dim3A_610, %add3A_5, %broadcast_in_dim3A_608] : memref<8x32x128xf32, #tpu.memory_space<vmem>>[vector<16xi32>, vector<16xi32>, vector<16xi32>], vector<16xf32>,
      %swap3A_627 = arith.constant 1 : i32
      %swap3A_628 = arith.index_cast %swap3A_627 : i32 to index
      %swap3A_629 = arith.constant 16 : index
      %swap3A_630 = tpu.vector_load %arg12[%swap3A_628, %swap3A_629] {strides = array<i32>} : memref<16x128xf32, #tpu.memory_space<vmem>>, vector<16xf32>,
      tpu.vector_store %arg12[%swap3A_628, %swap3A_629], %gather3A_626 {strides = array<i32>} : memref<16x128xf32, #tpu.memory_space<vmem>>, vector<16xf32>,
      %slice3A_631 = vector.extract_strided_slice %get3A_14 {offsets = [2], sizes = [1], strides = [1]} : vector<16xi32> to vector<1xi32>
      %squeeze3A_632 = vector.extract %slice3A_631[0] : i32 from vector<1xi32>
      %and3A_633 = arith.constant 127 : i32
      %and3A_634 = arith.andi %squeeze3A_632, %and3A_633 : i32
      %broadcast_in_dim3A_635 = vector.broadcast %and3A_634 : i32 to vector<16xi32>
      %slice3A_636 = vector.extract_strided_slice %get3A_16 {offsets = [2], sizes = [1], strides = [1]} : vector<16xi32> to vector<1xi32>
      %squeeze3A_637 = vector.extract %slice3A_636[0] : i32 from vector<1xi32>
      %and3A_638 = arith.constant 127 : i32
      %and3A_639 = arith.andi %squeeze3A_637, %and3A_638 : i32
      %broadcast_in_dim3A_640 = vector.broadcast %and3A_639 : i32 to vector<16xi32>
      %broadcast_in_dim3A_641 = arith.constant 2 : i32
      %broadcast_in_dim3A_642 = vector.broadcast %broadcast_in_dim3A_641 : i32 to vector<16xi32>
      %gather3A_643 = tpu.vector_load_idx %arg9[%broadcast_in_dim3A_642, %iota3A, %broadcast_in_dim3A_635] : memref<8x32x128xf32, #tpu.memory_space<vmem>>[vector<16xi32>, vector<16xi32>, vector<16xi32>], vector<16xf32>,
      %swap3A_644 = arith.constant 2 : i32
      %swap3A_645 = arith.index_cast %swap3A_644 : i32 to index
      %swap3A_646 = arith.constant 0 : index
      %swap3A_647 = tpu.vector_load %arg11[%swap3A_645, %swap3A_646] {strides = array<i32>} : memref<16x128xf32, #tpu.memory_space<vmem>>, vector<16xf32>,
      tpu.vector_store %arg11[%swap3A_645, %swap3A_646], %gather3A_643 {strides = array<i32>} : memref<16x128xf32, #tpu.memory_space<vmem>>, vector<16xf32>,
      %gather3A_648 = tpu.vector_load_idx %arg9[%broadcast_in_dim3A_642, %add3A_5, %broadcast_in_dim3A_635] : memref<8x32x128xf32, #tpu.memory_space<vmem>>[vector<16xi32>, vector<16xi32>, vector<16xi32>], vector<16xf32>,
      %swap3A_649 = arith.constant 2 : i32
      %swap3A_650 = arith.index_cast %swap3A_649 : i32 to index
      %swap3A_651 = arith.constant 16 : index
      %swap3A_652 = tpu.vector_load %arg11[%swap3A_650, %swap3A_651] {strides = array<i32>} : memref<16x128xf32, #tpu.memory_space<vmem>>, vector<16xf32>,
      tpu.vector_store %arg11[%swap3A_650, %swap3A_651], %gather3A_648 {strides = array<i32>} : memref<16x128xf32, #tpu.memory_space<vmem>>, vector<16xf32>,
      %gather3A_653 = tpu.vector_load_idx %arg10[%broadcast_in_dim3A_642, %iota3A, %broadcast_in_dim3A_640] : memref<8x32x128xf32, #tpu.memory_space<vmem>>[vector<16xi32>, vector<16xi32>, vector<16xi32>], vector<16xf32>,
      %swap3A_654 = arith.constant 2 : i32
      %swap3A_655 = arith.index_cast %swap3A_654 : i32 to index
      %swap3A_656 = arith.constant 0 : index
      %swap3A_657 = tpu.vector_load %arg12[%swap3A_655, %swap3A_656] {strides = array<i32>} : memref<16x128xf32, #tpu.memory_space<vmem>>, vector<16xf32>,
      tpu.vector_store %arg12[%swap3A_655, %swap3A_656], %gather3A_653 {strides = array<i32>} : memref<16x128xf32, #tpu.memory_space<vmem>>, vector<16xf32>,
      %gather3A_658 = tpu.vector_load_idx %arg10[%broadcast_in_dim3A_642, %add3A_5, %broadcast_in_dim3A_640] : memref<8x32x128xf32, #tpu.memory_space<vmem>>[vector<16xi32>, vector<16xi32>, vector<16xi32>], vector<16xf32>,
      %swap3A_659 = arith.constant 2 : i32
      %swap3A_660 = arith.index_cast %swap3A_659 : i32 to index
      %swap3A_661 = arith.constant 16 : index
      %swap3A_662 = tpu.vector_load %arg12[%swap3A_660, %swap3A_661] {strides = array<i32>} : memref<16x128xf32, #tpu.memory_space<vmem>>, vector<16xf32>,
      tpu.vector_store %arg12[%swap3A_660, %swap3A_661], %gather3A_658 {strides = array<i32>} : memref<16x128xf32, #tpu.memory_space<vmem>>, vector<16xf32>,
      %slice3A_663 = vector.extract_strided_slice %get3A_14 {offsets = [3], sizes = [1], strides = [1]} : vector<16xi32> to vector<1xi32>
      %squeeze3A_664 = vector.extract %slice3A_663[0] : i32 from vector<1xi32>
      %and3A_665 = arith.constant 127 : i32
      %and3A_666 = arith.andi %squeeze3A_664, %and3A_665 : i32
      %broadcast_in_dim3A_667 = vector.broadcast %and3A_666 : i32 to vector<16xi32>
      %slice3A_668 = vector.extract_strided_slice %get3A_16 {offsets = [3], sizes = [1], strides = [1]} : vector<16xi32> to vector<1xi32>
      %squeeze3A_669 = vector.extract %slice3A_668[0] : i32 from vector<1xi32>
      %and3A_670 = arith.constant 127 : i32
      %and3A_671 = arith.andi %squeeze3A_669, %and3A_670 : i32
      %broadcast_in_dim3A_672 = vector.broadcast %and3A_671 : i32 to vector<16xi32>
      %broadcast_in_dim3A_673 = arith.constant 3 : i32
      %broadcast_in_dim3A_674 = vector.broadcast %broadcast_in_dim3A_673 : i32 to vector<16xi32>
      %gather3A_675 = tpu.vector_load_idx %arg9[%broadcast_in_dim3A_674, %iota3A, %broadcast_in_dim3A_667] : memref<8x32x128xf32, #tpu.memory_space<vmem>>[vector<16xi32>, vector<16xi32>, vector<16xi32>], vector<16xf32>,
      %swap3A_676 = arith.constant 3 : i32
      %swap3A_677 = arith.index_cast %swap3A_676 : i32 to index
      %swap3A_678 = arith.constant 0 : index
      %swap3A_679 = tpu.vector_load %arg11[%swap3A_677, %swap3A_678] {strides = array<i32>} : memref<16x128xf32, #tpu.memory_space<vmem>>, vector<16xf32>,
      tpu.vector_store %arg11[%swap3A_677, %swap3A_678], %gather3A_675 {strides = array<i32>} : memref<16x128xf32, #tpu.memory_space<vmem>>, vector<16xf32>,
      %gather3A_680 = tpu.vector_load_idx %arg9[%broadcast_in_dim3A_674, %add3A_5, %broadcast_in_dim3A_667] : memref<8x32x128xf32, #tpu.memory_space<vmem>>[vector<16xi32>, vector<16xi32>, vector<16xi32>], vector<16xf32>,
      %swap3A_681 = arith.constant 3 : i32
      %swap3A_682 = arith.index_cast %swap3A_681 : i32 to index
      %swap3A_683 = arith.constant 16 : index
      %swap3A_684 = tpu.vector_load %arg11[%swap3A_682, %swap3A_683] {strides = array<i32>} : memref<16x128xf32, #tpu.memory_space<vmem>>, vector<16xf32>,
      tpu.vector_store %arg11[%swap3A_682, %swap3A_683], %gather3A_680 {strides = array<i32>} : memref<16x128xf32, #tpu.memory_space<vmem>>, vector<16xf32>,
      %gather3A_685 = tpu.vector_load_idx %arg10[%broadcast_in_dim3A_674, %iota3A, %broadcast_in_dim3A_672] : memref<8x32x128xf32, #tpu.memory_space<vmem>>[vector<16xi32>, vector<16xi32>, vector<16xi32>], vector<16xf32>,
      %swap3A_686 = arith.constant 3 : i32
      %swap3A_687 = arith.index_cast %swap3A_686 : i32 to index
      %swap3A_688 = arith.constant 0 : index
      %swap3A_689 = tpu.vector_load %arg12[%swap3A_687, %swap3A_688] {strides = array<i32>} : memref<16x128xf32, #tpu.memory_space<vmem>>, vector<16xf32>,
      tpu.vector_store %arg12[%swap3A_687, %swap3A_688], %gather3A_685 {strides = array<i32>} : memref<16x128xf32, #tpu.memory_space<vmem>>, vector<16xf32>,
      %gather3A_690 = tpu.vector_load_idx %arg10[%broadcast_in_dim3A_674, %add3A_5, %broadcast_in_dim3A_672] : memref<8x32x128xf32, #tpu.memory_space<vmem>>[vector<16xi32>, vector<16xi32>, vector<16xi32>], vector<16xf32>,
      %swap3A_691 = arith.constant 3 : i32
      %swap3A_692 = arith.index_cast %swap3A_691 : i32 to index
      %swap3A_693 = arith.constant 16 : index
      %swap3A_694 = tpu.vector_load %arg12[%swap3A_692, %swap3A_693] {strides = array<i32>} : memref<16x128xf32, #tpu.memory_space<vmem>>, vector<16xf32>,
      tpu.vector_store %arg12[%swap3A_692, %swap3A_693], %gather3A_690 {strides = array<i32>} : memref<16x128xf32, #tpu.memory_space<vmem>>, vector<16xf32>,
      %slice3A_695 = vector.extract_strided_slice %get3A_14 {offsets = [4], sizes = [1], strides = [1]} : vector<16xi32> to vector<1xi32>
      %squeeze3A_696 = vector.extract %slice3A_695[0] : i32 from vector<1xi32>
      %and3A_697 = arith.constant 127 : i32
      %and3A_698 = arith.andi %squeeze3A_696, %and3A_697 : i32
      %broadcast_in_dim3A_699 = vector.broadcast %and3A_698 : i32 to vector<16xi32>
      %slice3A_700 = vector.extract_strided_slice %get3A_16 {offsets = [4], sizes = [1], strides = [1]} : vector<16xi32> to vector<1xi32>
      %squeeze3A_701 = vector.extract %slice3A_700[0] : i32 from vector<1xi32>
      %and3A_702 = arith.constant 127 : i32
      %and3A_703 = arith.andi %squeeze3A_701, %and3A_702 : i32
      %broadcast_in_dim3A_704 = vector.broadcast %and3A_703 : i32 to vector<16xi32>
      %broadcast_in_dim3A_705 = arith.constant 4 : i32
      %broadcast_in_dim3A_706 = vector.broadcast %broadcast_in_dim3A_705 : i32 to vector<16xi32>
      %gather3A_707 = tpu.vector_load_idx %arg9[%broadcast_in_dim3A_706, %iota3A, %broadcast_in_dim3A_699] : memref<8x32x128xf32, #tpu.memory_space<vmem>>[vector<16xi32>, vector<16xi32>, vector<16xi32>], vector<16xf32>,
      %swap3A_708 = arith.constant 4 : i32
      %swap3A_709 = arith.index_cast %swap3A_708 : i32 to index
      %swap3A_710 = arith.constant 0 : index
      %swap3A_711 = tpu.vector_load %arg11[%swap3A_709, %swap3A_710] {strides = array<i32>} : memref<16x128xf32, #tpu.memory_space<vmem>>, vector<16xf32>,
      tpu.vector_store %arg11[%swap3A_709, %swap3A_710], %gather3A_707 {strides = array<i32>} : memref<16x128xf32, #tpu.memory_space<vmem>>, vector<16xf32>,
      %gather3A_712 = tpu.vector_load_idx %arg9[%broadcast_in_dim3A_706, %add3A_5, %broadcast_in_dim3A_699] : memref<8x32x128xf32, #tpu.memory_space<vmem>>[vector<16xi32>, vector<16xi32>, vector<16xi32>], vector<16xf32>,
      %swap3A_713 = arith.constant 4 : i32
      %swap3A_714 = arith.index_cast %swap3A_713 : i32 to index
      %swap3A_715 = arith.constant 16 : index
      %swap3A_716 = tpu.vector_load %arg11[%swap3A_714, %swap3A_715] {strides = array<i32>} : memref<16x128xf32, #tpu.memory_space<vmem>>, vector<16xf32>,
      tpu.vector_store %arg11[%swap3A_714, %swap3A_715], %gather3A_712 {strides = array<i32>} : memref<16x128xf32, #tpu.memory_space<vmem>>, vector<16xf32>,
      %gather3A_717 = tpu.vector_load_idx %arg10[%broadcast_in_dim3A_706, %iota3A, %broadcast_in_dim3A_704] : memref<8x32x128xf32, #tpu.memory_space<vmem>>[vector<16xi32>, vector<16xi32>, vector<16xi32>], vector<16xf32>,
      %swap3A_718 = arith.constant 4 : i32
      %swap3A_719 = arith.index_cast %swap3A_718 : i32 to index
      %swap3A_720 = arith.constant 0 : index
      %swap3A_721 = tpu.vector_load %arg12[%swap3A_719, %swap3A_720] {strides = array<i32>} : memref<16x128xf32, #tpu.memory_space<vmem>>, vector<16xf32>,
      tpu.vector_store %arg12[%swap3A_719, %swap3A_720], %gather3A_717 {strides = array<i32>} : memref<16x128xf32, #tpu.memory_space<vmem>>, vector<16xf32>,
      %gather3A_722 = tpu.vector_load_idx %arg10[%broadcast_in_dim3A_706, %add3A_5, %broadcast_in_dim3A_704] : memref<8x32x128xf32, #tpu.memory_space<vmem>>[vector<16xi32>, vector<16xi32>, vector<16xi32>], vector<16xf32>,
      %swap3A_723 = arith.constant 4 : i32
      %swap3A_724 = arith.index_cast %swap3A_723 : i32 to index
      %swap3A_725 = arith.constant 16 : index
      %swap3A_726 = tpu.vector_load %arg12[%swap3A_724, %swap3A_725] {strides = array<i32>} : memref<16x128xf32, #tpu.memory_space<vmem>>, vector<16xf32>,
      tpu.vector_store %arg12[%swap3A_724, %swap3A_725], %gather3A_722 {strides = array<i32>} : memref<16x128xf32, #tpu.memory_space<vmem>>, vector<16xf32>,
      %slice3A_727 = vector.extract_strided_slice %get3A_14 {offsets = [5], sizes = [1], strides = [1]} : vector<16xi32> to vector<1xi32>
      %squeeze3A_728 = vector.extract %slice3A_727[0] : i32 from vector<1xi32>
      %and3A_729 = arith.constant 127 : i32
      %and3A_730 = arith.andi %squeeze3A_728, %and3A_729 : i32
      %broadcast_in_dim3A_731 = vector.broadcast %and3A_730 : i32 to vector<16xi32>
      %slice3A_732 = vector.extract_strided_slice %get3A_16 {offsets = [5], sizes = [1], strides = [1]} : vector<16xi32> to vector<1xi32>
      %squeeze3A_733 = vector.extract %slice3A_732[0] : i32 from vector<1xi32>
      %and3A_734 = arith.constant 127 : i32
      %and3A_735 = arith.andi %squeeze3A_733, %and3A_734 : i32
      %broadcast_in_dim3A_736 = vector.broadcast %and3A_735 : i32 to vector<16xi32>
      %broadcast_in_dim3A_737 = arith.constant 5 : i32
      %broadcast_in_dim3A_738 = vector.broadcast %broadcast_in_dim3A_737 : i32 to vector<16xi32>
      %gather3A_739 = tpu.vector_load_idx %arg9[%broadcast_in_dim3A_738, %iota3A, %broadcast_in_dim3A_731] : memref<8x32x128xf32, #tpu.memory_space<vmem>>[vector<16xi32>, vector<16xi32>, vector<16xi32>], vector<16xf32>,
      %swap3A_740 = arith.constant 5 : i32
      %swap3A_741 = arith.index_cast %swap3A_740 : i32 to index
      %swap3A_742 = arith.constant 0 : index
      %swap3A_743 = tpu.vector_load %arg11[%swap3A_741, %swap3A_742] {strides = array<i32>} : memref<16x128xf32, #tpu.memory_space<vmem>>, vector<16xf32>,
      tpu.vector_store %arg11[%swap3A_741, %swap3A_742], %gather3A_739 {strides = array<i32>} : memref<16x128xf32, #tpu.memory_space<vmem>>, vector<16xf32>,
      %gather3A_744 = tpu.vector_load_idx %arg9[%broadcast_in_dim3A_738, %add3A_5, %broadcast_in_dim3A_731] : memref<8x32x128xf32, #tpu.memory_space<vmem>>[vector<16xi32>, vector<16xi32>, vector<16xi32>], vector<16xf32>,
      %swap3A_745 = arith.constant 5 : i32
      %swap3A_746 = arith.index_cast %swap3A_745 : i32 to index
      %swap3A_747 = arith.constant 16 : index
      %swap3A_748 = tpu.vector_load %arg11[%swap3A_746, %swap3A_747] {strides = array<i32>} : memref<16x128xf32, #tpu.memory_space<vmem>>, vector<16xf32>,
      tpu.vector_store %arg11[%swap3A_746, %swap3A_747], %gather3A_744 {strides = array<i32>} : memref<16x128xf32, #tpu.memory_space<vmem>>, vector<16xf32>,
      %gather3A_749 = tpu.vector_load_idx %arg10[%broadcast_in_dim3A_738, %iota3A, %broadcast_in_dim3A_736] : memref<8x32x128xf32, #tpu.memory_space<vmem>>[vector<16xi32>, vector<16xi32>, vector<16xi32>], vector<16xf32>,
      %swap3A_750 = arith.constant 5 : i32
      %swap3A_751 = arith.index_cast %swap3A_750 : i32 to index
      %swap3A_752 = arith.constant 0 : index
      %swap3A_753 = tpu.vector_load %arg12[%swap3A_751, %swap3A_752] {strides = array<i32>} : memref<16x128xf32, #tpu.memory_space<vmem>>, vector<16xf32>,
      tpu.vector_store %arg12[%swap3A_751, %swap3A_752], %gather3A_749 {strides = array<i32>} : memref<16x128xf32, #tpu.memory_space<vmem>>, vector<16xf32>,
      %gather3A_754 = tpu.vector_load_idx %arg10[%broadcast_in_dim3A_738, %add3A_5, %broadcast_in_dim3A_736] : memref<8x32x128xf32, #tpu.memory_space<vmem>>[vector<16xi32>, vector<16xi32>, vector<16xi32>], vector<16xf32>,
      %swap3A_755 = arith.constant 5 : i32
      %swap3A_756 = arith.index_cast %swap3A_755 : i32 to index
      %swap3A_757 = arith.constant 16 : index
      %swap3A_758 = tpu.vector_load %arg12[%swap3A_756, %swap3A_757] {strides = array<i32>} : memref<16x128xf32, #tpu.memory_space<vmem>>, vector<16xf32>,
      tpu.vector_store %arg12[%swap3A_756, %swap3A_757], %gather3A_754 {strides = array<i32>} : memref<16x128xf32, #tpu.memory_space<vmem>>, vector<16xf32>,
      %slice3A_759 = vector.extract_strided_slice %get3A_14 {offsets = [6], sizes = [1], strides = [1]} : vector<16xi32> to vector<1xi32>
      %squeeze3A_760 = vector.extract %slice3A_759[0] : i32 from vector<1xi32>
      %and3A_761 = arith.constant 127 : i32
      %and3A_762 = arith.andi %squeeze3A_760, %and3A_761 : i32
      %broadcast_in_dim3A_763 = vector.broadcast %and3A_762 : i32 to vector<16xi32>
      %slice3A_764 = vector.extract_strided_slice %get3A_16 {offsets = [6], sizes = [1], strides = [1]} : vector<16xi32> to vector<1xi32>
      %squeeze3A_765 = vector.extract %slice3A_764[0] : i32 from vector<1xi32>
      %and3A_766 = arith.constant 127 : i32
      %and3A_767 = arith.andi %squeeze3A_765, %and3A_766 : i32
      %broadcast_in_dim3A_768 = vector.broadcast %and3A_767 : i32 to vector<16xi32>
      %broadcast_in_dim3A_769 = arith.constant 6 : i32
      %broadcast_in_dim3A_770 = vector.broadcast %broadcast_in_dim3A_769 : i32 to vector<16xi32>
      %gather3A_771 = tpu.vector_load_idx %arg9[%broadcast_in_dim3A_770, %iota3A, %broadcast_in_dim3A_763] : memref<8x32x128xf32, #tpu.memory_space<vmem>>[vector<16xi32>, vector<16xi32>, vector<16xi32>], vector<16xf32>,
      %swap3A_772 = arith.constant 6 : i32
      %swap3A_773 = arith.index_cast %swap3A_772 : i32 to index
      %swap3A_774 = arith.constant 0 : index
      %swap3A_775 = tpu.vector_load %arg11[%swap3A_773, %swap3A_774] {strides = array<i32>} : memref<16x128xf32, #tpu.memory_space<vmem>>, vector<16xf32>,
      tpu.vector_store %arg11[%swap3A_773, %swap3A_774], %gather3A_771 {strides = array<i32>} : memref<16x128xf32, #tpu.memory_space<vmem>>, vector<16xf32>,
      %gather3A_776 = tpu.vector_load_idx %arg9[%broadcast_in_dim3A_770, %add3A_5, %broadcast_in_dim3A_763] : memref<8x32x128xf32, #tpu.memory_space<vmem>>[vector<16xi32>, vector<16xi32>, vector<16xi32>], vector<16xf32>,
      %swap3A_777 = arith.constant 6 : i32
      %swap3A_778 = arith.index_cast %swap3A_777 : i32 to index
      %swap3A_779 = arith.constant 16 : index
      %swap3A_780 = tpu.vector_load %arg11[%swap3A_778, %swap3A_779] {strides = array<i32>} : memref<16x128xf32, #tpu.memory_space<vmem>>, vector<16xf32>,
      tpu.vector_store %arg11[%swap3A_778, %swap3A_779], %gather3A_776 {strides = array<i32>} : memref<16x128xf32, #tpu.memory_space<vmem>>, vector<16xf32>,
      %gather3A_781 = tpu.vector_load_idx %arg10[%broadcast_in_dim3A_770, %iota3A, %broadcast_in_dim3A_768] : memref<8x32x128xf32, #tpu.memory_space<vmem>>[vector<16xi32>, vector<16xi32>, vector<16xi32>], vector<16xf32>,
      %swap3A_782 = arith.constant 6 : i32
      %swap3A_783 = arith.index_cast %swap3A_782 : i32 to index
      %swap3A_784 = arith.constant 0 : index
      %swap3A_785 = tpu.vector_load %arg12[%swap3A_783, %swap3A_784] {strides = array<i32>} : memref<16x128xf32, #tpu.memory_space<vmem>>, vector<16xf32>,
      tpu.vector_store %arg12[%swap3A_783, %swap3A_784], %gather3A_781 {strides = array<i32>} : memref<16x128xf32, #tpu.memory_space<vmem>>, vector<16xf32>,
      %gather3A_786 = tpu.vector_load_idx %arg10[%broadcast_in_dim3A_770, %add3A_5, %broadcast_in_dim3A_768] : memref<8x32x128xf32, #tpu.memory_space<vmem>>[vector<16xi32>, vector<16xi32>, vector<16xi32>], vector<16xf32>,
      %swap3A_787 = arith.constant 6 : i32
      %swap3A_788 = arith.index_cast %swap3A_787 : i32 to index
      %swap3A_789 = arith.constant 16 : index
      %swap3A_790 = tpu.vector_load %arg12[%swap3A_788, %swap3A_789] {strides = array<i32>} : memref<16x128xf32, #tpu.memory_space<vmem>>, vector<16xf32>,
      tpu.vector_store %arg12[%swap3A_788, %swap3A_789], %gather3A_786 {strides = array<i32>} : memref<16x128xf32, #tpu.memory_space<vmem>>, vector<16xf32>,
      %slice3A_791 = vector.extract_strided_slice %get3A_14 {offsets = [7], sizes = [1], strides = [1]} : vector<16xi32> to vector<1xi32>
      %squeeze3A_792 = vector.extract %slice3A_791[0] : i32 from vector<1xi32>
      %and3A_793 = arith.constant 127 : i32
      %and3A_794 = arith.andi %squeeze3A_792, %and3A_793 : i32
      %broadcast_in_dim3A_795 = vector.broadcast %and3A_794 : i32 to vector<16xi32>
      %slice3A_796 = vector.extract_strided_slice %get3A_16 {offsets = [7], sizes = [1], strides = [1]} : vector<16xi32> to vector<1xi32>
      %squeeze3A_797 = vector.extract %slice3A_796[0] : i32 from vector<1xi32>
      %and3A_798 = arith.constant 127 : i32
      %and3A_799 = arith.andi %squeeze3A_797, %and3A_798 : i32
      %broadcast_in_dim3A_800 = vector.broadcast %and3A_799 : i32 to vector<16xi32>
      %broadcast_in_dim3A_801 = arith.constant 7 : i32
      %broadcast_in_dim3A_802 = vector.broadcast %broadcast_in_dim3A_801 : i32 to vector<16xi32>
      %gather3A_803 = tpu.vector_load_idx %arg9[%broadcast_in_dim3A_802, %iota3A, %broadcast_in_dim3A_795] : memref<8x32x128xf32, #tpu.memory_space<vmem>>[vector<16xi32>, vector<16xi32>, vector<16xi32>], vector<16xf32>,
      %swap3A_804 = arith.constant 7 : i32
      %swap3A_805 = arith.index_cast %swap3A_804 : i32 to index
      %swap3A_806 = arith.constant 0 : index
      %swap3A_807 = tpu.vector_load %arg11[%swap3A_805, %swap3A_806] {strides = array<i32>} : memref<16x128xf32, #tpu.memory_space<vmem>>, vector<16xf32>,
      tpu.vector_store %arg11[%swap3A_805, %swap3A_806], %gather3A_803 {strides = array<i32>} : memref<16x128xf32, #tpu.memory_space<vmem>>, vector<16xf32>,
      %gather3A_808 = tpu.vector_load_idx %arg9[%broadcast_in_dim3A_802, %add3A_5, %broadcast_in_dim3A_795] : memref<8x32x128xf32, #tpu.memory_space<vmem>>[vector<16xi32>, vector<16xi32>, vector<16xi32>], vector<16xf32>,
      %swap3A_809 = arith.constant 7 : i32
      %swap3A_810 = arith.index_cast %swap3A_809 : i32 to index
      %swap3A_811 = arith.constant 16 : index
      %swap3A_812 = tpu.vector_load %arg11[%swap3A_810, %swap3A_811] {strides = array<i32>} : memref<16x128xf32, #tpu.memory_space<vmem>>, vector<16xf32>,
      tpu.vector_store %arg11[%swap3A_810, %swap3A_811], %gather3A_808 {strides = array<i32>} : memref<16x128xf32, #tpu.memory_space<vmem>>, vector<16xf32>,
      %gather3A_813 = tpu.vector_load_idx %arg10[%broadcast_in_dim3A_802, %iota3A, %broadcast_in_dim3A_800] : memref<8x32x128xf32, #tpu.memory_space<vmem>>[vector<16xi32>, vector<16xi32>, vector<16xi32>], vector<16xf32>,
      %swap3A_814 = arith.constant 7 : i32
      %swap3A_815 = arith.index_cast %swap3A_814 : i32 to index
      %swap3A_816 = arith.constant 0 : index
      %swap3A_817 = tpu.vector_load %arg12[%swap3A_815, %swap3A_816] {strides = array<i32>} : memref<16x128xf32, #tpu.memory_space<vmem>>, vector<16xf32>,
      tpu.vector_store %arg12[%swap3A_815, %swap3A_816], %gather3A_813 {strides = array<i32>} : memref<16x128xf32, #tpu.memory_space<vmem>>, vector<16xf32>,
      %gather3A_818 = tpu.vector_load_idx %arg10[%broadcast_in_dim3A_802, %add3A_5, %broadcast_in_dim3A_800] : memref<8x32x128xf32, #tpu.memory_space<vmem>>[vector<16xi32>, vector<16xi32>, vector<16xi32>], vector<16xf32>,
      %swap3A_819 = arith.constant 7 : i32
      %swap3A_820 = arith.index_cast %swap3A_819 : i32 to index
      %swap3A_821 = arith.constant 16 : index
      %swap3A_822 = tpu.vector_load %arg12[%swap3A_820, %swap3A_821] {strides = array<i32>} : memref<16x128xf32, #tpu.memory_space<vmem>>, vector<16xf32>,
      tpu.vector_store %arg12[%swap3A_820, %swap3A_821], %gather3A_818 {strides = array<i32>} : memref<16x128xf32, #tpu.memory_space<vmem>>, vector<16xf32>,
      %slice3A_823 = vector.extract_strided_slice %get3A_14 {offsets = [8], sizes = [1], strides = [1]} : vector<16xi32> to vector<1xi32>
      %squeeze3A_824 = vector.extract %slice3A_823[0] : i32 from vector<1xi32>
      %slice3A_825 = vector.extract_strided_slice %get3A_16 {offsets = [8], sizes = [1], strides = [1]} : vector<16xi32> to vector<1xi32>
      %squeeze3A_826 = vector.extract %slice3A_825[0] : i32 from vector<1xi32>
      %shift_right_arithmetic3A_827 = arith.constant 7 : i32
      %shift_right_arithmetic3A_828 = arith.shrsi %squeeze3A_824, %shift_right_arithmetic3A_827 : i32
      %mul3A_829 = arith.constant 128 : i32
      %mul3A_830 = arith.muli %shift_right_arithmetic3A_828, %mul3A_829 : i32
      %multiple_of3A_831 = tpu.assume_multiple %mul3A_830, 128 : i32
      %shift_right_arithmetic3A_832 = arith.constant 7 : i32
      %shift_right_arithmetic3A_833 = arith.shrsi %squeeze3A_826, %shift_right_arithmetic3A_832 : i32
      %mul3A_834 = arith.constant 128 : i32
      %mul3A_835 = arith.muli %shift_right_arithmetic3A_833, %mul3A_834 : i32
      %multiple_of3A_836 = tpu.assume_multiple %mul3A_835, 128 : i32
      %dma_start3A_837 = arith.constant 0 : i32
      %dma_start3A_838 = arith.constant 0 : i32
      %dma_start3A_839 = arith.constant 0 : i32
      %dma_start3A_840 = tpu.memref_slice %arg9[%dma_start3A_837, %dma_start3A_838, %dma_start3A_839] : memref<8x32x128xf32, #tpu.memory_space<vmem>> -> memref<1x32x128xf32, #tpu.memory_space<vmem>>
      %dma_start3A_841 = tpu.memref_squeeze %dma_start3A_840 : memref<1x32x128xf32, #tpu.memory_space<vmem>> -> memref<32x128xf32, #tpu.memory_space<vmem>>
      %dma_start3A_842 = arith.constant 0 : i32
      %dma_start3A_843 = tpu.memref_slice %arg4[%dma_start3A_842, %multiple_of3A_831] : memref<32x1000000xf32, #tpu.memory_space<hbm>> -> memref<32x128xf32, #tpu.memory_space<hbm>>
      %dma_start3A_844 = arith.constant 0 : i32
      %dma_start3A_845 = arith.constant 0 : i32
      %dma_start3A_846 = tpu.memref_slice %arg9[%dma_start3A_837, %dma_start3A_844, %dma_start3A_845] : memref<8x32x128xf32, #tpu.memory_space<vmem>> -> memref<1x32x128xf32, #tpu.memory_space<vmem>>
      %dma_start3A_847 = tpu.memref_squeeze %dma_start3A_846 : memref<1x32x128xf32, #tpu.memory_space<vmem>> -> memref<32x128xf32, #tpu.memory_space<vmem>>
      %dma_start3A_848 = arith.constant 0 : i32
      %dma_start3A_849 = tpu.memref_slice %arg4[%dma_start3A_848, %multiple_of3A_831] : memref<32x1000000xf32, #tpu.memory_space<hbm>> -> memref<32x128xf32, #tpu.memory_space<hbm>>
      tpu.enqueue_dma source(%dma_start3A_849 : memref<32x128xf32, #tpu.memory_space<hbm>>) target(%dma_start3A_847 : memref<32x128xf32, #tpu.memory_space<vmem>>) target_semaphore(%arg14 : memref<!tpu.dma_semaphore, #tpu.memory_space<semaphore_mem>>)
      %dma_start3A_850 = arith.constant 0 : i32
      %dma_start3A_851 = arith.constant 0 : i32
      %dma_start3A_852 = arith.constant 0 : i32
      %dma_start3A_853 = tpu.memref_slice %arg10[%dma_start3A_850, %dma_start3A_851, %dma_start3A_852] : memref<8x32x128xf32, #tpu.memory_space<vmem>> -> memref<1x32x128xf32, #tpu.memory_space<vmem>>
      %dma_start3A_854 = tpu.memref_squeeze %dma_start3A_853 : memref<1x32x128xf32, #tpu.memory_space<vmem>> -> memref<32x128xf32, #tpu.memory_space<vmem>>
      %dma_start3A_855 = arith.constant 0 : i32
      %dma_start3A_856 = tpu.memref_slice %arg5[%dma_start3A_855, %multiple_of3A_836] : memref<32x1000000xf32, #tpu.memory_space<hbm>> -> memref<32x128xf32, #tpu.memory_space<hbm>>
      %dma_start3A_857 = arith.constant 0 : i32
      %dma_start3A_858 = arith.constant 0 : i32
      %dma_start3A_859 = tpu.memref_slice %arg10[%dma_start3A_850, %dma_start3A_857, %dma_start3A_858] : memref<8x32x128xf32, #tpu.memory_space<vmem>> -> memref<1x32x128xf32, #tpu.memory_space<vmem>>
      %dma_start3A_860 = tpu.memref_squeeze %dma_start3A_859 : memref<1x32x128xf32, #tpu.memory_space<vmem>> -> memref<32x128xf32, #tpu.memory_space<vmem>>
      %dma_start3A_861 = arith.constant 0 : i32
      %dma_start3A_862 = tpu.memref_slice %arg5[%dma_start3A_861, %multiple_of3A_836] : memref<32x1000000xf32, #tpu.memory_space<hbm>> -> memref<32x128xf32, #tpu.memory_space<hbm>>
      tpu.enqueue_dma source(%dma_start3A_862 : memref<32x128xf32, #tpu.memory_space<hbm>>) target(%dma_start3A_860 : memref<32x128xf32, #tpu.memory_space<vmem>>) target_semaphore(%arg15 : memref<!tpu.dma_semaphore, #tpu.memory_space<semaphore_mem>>)
      %slice3A_863 = vector.extract_strided_slice %get3A_14 {offsets = [9], sizes = [1], strides = [1]} : vector<16xi32> to vector<1xi32>
      %squeeze3A_864 = vector.extract %slice3A_863[0] : i32 from vector<1xi32>
      %slice3A_865 = vector.extract_strided_slice %get3A_16 {offsets = [9], sizes = [1], strides = [1]} : vector<16xi32> to vector<1xi32>
      %squeeze3A_866 = vector.extract %slice3A_865[0] : i32 from vector<1xi32>
      %shift_right_arithmetic3A_867 = arith.constant 7 : i32
      %shift_right_arithmetic3A_868 = arith.shrsi %squeeze3A_864, %shift_right_arithmetic3A_867 : i32
      %mul3A_869 = arith.constant 128 : i32
      %mul3A_870 = arith.muli %shift_right_arithmetic3A_868, %mul3A_869 : i32
      %multiple_of3A_871 = tpu.assume_multiple %mul3A_870, 128 : i32
      %shift_right_arithmetic3A_872 = arith.constant 7 : i32
      %shift_right_arithmetic3A_873 = arith.shrsi %squeeze3A_866, %shift_right_arithmetic3A_872 : i32
      %mul3A_874 = arith.constant 128 : i32
      %mul3A_875 = arith.muli %shift_right_arithmetic3A_873, %mul3A_874 : i32
      %multiple_of3A_876 = tpu.assume_multiple %mul3A_875, 128 : i32
      %dma_start3A_877 = arith.constant 1 : i32
      %dma_start3A_878 = arith.constant 0 : i32
      %dma_start3A_879 = arith.constant 0 : i32
      %dma_start3A_880 = tpu.memref_slice %arg9[%dma_start3A_877, %dma_start3A_878, %dma_start3A_879] : memref<8x32x128xf32, #tpu.memory_space<vmem>> -> memref<1x32x128xf32, #tpu.memory_space<vmem>>
      %dma_start3A_881 = tpu.memref_squeeze %dma_start3A_880 : memref<1x32x128xf32, #tpu.memory_space<vmem>> -> memref<32x128xf32, #tpu.memory_space<vmem>>
      %dma_start3A_882 = arith.constant 0 : i32
      %dma_start3A_883 = tpu.memref_slice %arg4[%dma_start3A_882, %multiple_of3A_871] : memref<32x1000000xf32, #tpu.memory_space<hbm>> -> memref<32x128xf32, #tpu.memory_space<hbm>>
      %dma_start3A_884 = arith.constant 0 : i32
      %dma_start3A_885 = arith.constant 0 : i32
      %dma_start3A_886 = tpu.memref_slice %arg9[%dma_start3A_877, %dma_start3A_884, %dma_start3A_885] : memref<8x32x128xf32, #tpu.memory_space<vmem>> -> memref<1x32x128xf32, #tpu.memory_space<vmem>>
      %dma_start3A_887 = tpu.memref_squeeze %dma_start3A_886 : memref<1x32x128xf32, #tpu.memory_space<vmem>> -> memref<32x128xf32, #tpu.memory_space<vmem>>
      %dma_start3A_888 = arith.constant 0 : i32
      %dma_start3A_889 = tpu.memref_slice %arg4[%dma_start3A_888, %multiple_of3A_871] : memref<32x1000000xf32, #tpu.memory_space<hbm>> -> memref<32x128xf32, #tpu.memory_space<hbm>>
      tpu.enqueue_dma source(%dma_start3A_889 : memref<32x128xf32, #tpu.memory_space<hbm>>) target(%dma_start3A_887 : memref<32x128xf32, #tpu.memory_space<vmem>>) target_semaphore(%arg14 : memref<!tpu.dma_semaphore, #tpu.memory_space<semaphore_mem>>)
      %dma_start3A_890 = arith.constant 1 : i32
      %dma_start3A_891 = arith.constant 0 : i32
      %dma_start3A_892 = arith.constant 0 : i32
      %dma_start3A_893 = tpu.memref_slice %arg10[%dma_start3A_890, %dma_start3A_891, %dma_start3A_892] : memref<8x32x128xf32, #tpu.memory_space<vmem>> -> memref<1x32x128xf32, #tpu.memory_space<vmem>>
      %dma_start3A_894 = tpu.memref_squeeze %dma_start3A_893 : memref<1x32x128xf32, #tpu.memory_space<vmem>> -> memref<32x128xf32, #tpu.memory_space<vmem>>
      %dma_start3A_895 = arith.constant 0 : i32
      %dma_start3A_896 = tpu.memref_slice %arg5[%dma_start3A_895, %multiple_of3A_876] : memref<32x1000000xf32, #tpu.memory_space<hbm>> -> memref<32x128xf32, #tpu.memory_space<hbm>>
      %dma_start3A_897 = arith.constant 0 : i32
      %dma_start3A_898 = arith.constant 0 : i32
      %dma_start3A_899 = tpu.memref_slice %arg10[%dma_start3A_890, %dma_start3A_897, %dma_start3A_898] : memref<8x32x128xf32, #tpu.memory_space<vmem>> -> memref<1x32x128xf32, #tpu.memory_space<vmem>>
      %dma_start3A_900 = tpu.memref_squeeze %dma_start3A_899 : memref<1x32x128xf32, #tpu.memory_space<vmem>> -> memref<32x128xf32, #tpu.memory_space<vmem>>
      %dma_start3A_901 = arith.constant 0 : i32
      %dma_start3A_902 = tpu.memref_slice %arg5[%dma_start3A_901, %multiple_of3A_876] : memref<32x1000000xf32, #tpu.memory_space<hbm>> -> memref<32x128xf32, #tpu.memory_space<hbm>>
      tpu.enqueue_dma source(%dma_start3A_902 : memref<32x128xf32, #tpu.memory_space<hbm>>) target(%dma_start3A_900 : memref<32x128xf32, #tpu.memory_space<vmem>>) target_semaphore(%arg15 : memref<!tpu.dma_semaphore, #tpu.memory_space<semaphore_mem>>)
      %slice3A_903 = vector.extract_strided_slice %get3A_14 {offsets = [10], sizes = [1], strides = [1]} : vector<16xi32> to vector<1xi32>
      %squeeze3A_904 = vector.extract %slice3A_903[0] : i32 from vector<1xi32>
      %slice3A_905 = vector.extract_strided_slice %get3A_16 {offsets = [10], sizes = [1], strides = [1]} : vector<16xi32> to vector<1xi32>
      %squeeze3A_906 = vector.extract %slice3A_905[0] : i32 from vector<1xi32>
      %shift_right_arithmetic3A_907 = arith.constant 7 : i32
      %shift_right_arithmetic3A_908 = arith.shrsi %squeeze3A_904, %shift_right_arithmetic3A_907 : i32
      %mul3A_909 = arith.constant 128 : i32
      %mul3A_910 = arith.muli %shift_right_arithmetic3A_908, %mul3A_909 : i32
      %multiple_of3A_911 = tpu.assume_multiple %mul3A_910, 128 : i32
      %shift_right_arithmetic3A_912 = arith.constant 7 : i32
      %shift_right_arithmetic3A_913 = arith.shrsi %squeeze3A_906, %shift_right_arithmetic3A_912 : i32
      %mul3A_914 = arith.constant 128 : i32
      %mul3A_915 = arith.muli %shift_right_arithmetic3A_913, %mul3A_914 : i32
      %multiple_of3A_916 = tpu.assume_multiple %mul3A_915, 128 : i32
      %dma_start3A_917 = arith.constant 2 : i32
      %dma_start3A_918 = arith.constant 0 : i32
      %dma_start3A_919 = arith.constant 0 : i32
      %dma_start3A_920 = tpu.memref_slice %arg9[%dma_start3A_917, %dma_start3A_918, %dma_start3A_919] : memref<8x32x128xf32, #tpu.memory_space<vmem>> -> memref<1x32x128xf32, #tpu.memory_space<vmem>>
      %dma_start3A_921 = tpu.memref_squeeze %dma_start3A_920 : memref<1x32x128xf32, #tpu.memory_space<vmem>> -> memref<32x128xf32, #tpu.memory_space<vmem>>
      %dma_start3A_922 = arith.constant 0 : i32
      %dma_start3A_923 = tpu.memref_slice %arg4[%dma_start3A_922, %multiple_of3A_911] : memref<32x1000000xf32, #tpu.memory_space<hbm>> -> memref<32x128xf32, #tpu.memory_space<hbm>>
      %dma_start3A_924 = arith.constant 0 : i32
      %dma_start3A_925 = arith.constant 0 : i32
      %dma_start3A_926 = tpu.memref_slice %arg9[%dma_start3A_917, %dma_start3A_924, %dma_start3A_925] : memref<8x32x128xf32, #tpu.memory_space<vmem>> -> memref<1x32x128xf32, #tpu.memory_space<vmem>>
      %dma_start3A_927 = tpu.memref_squeeze %dma_start3A_926 : memref<1x32x128xf32, #tpu.memory_space<vmem>> -> memref<32x128xf32, #tpu.memory_space<vmem>>
      %dma_start3A_928 = arith.constant 0 : i32
      %dma_start3A_929 = tpu.memref_slice %arg4[%dma_start3A_928, %multiple_of3A_911] : memref<32x1000000xf32, #tpu.memory_space<hbm>> -> memref<32x128xf32, #tpu.memory_space<hbm>>
      tpu.enqueue_dma source(%dma_start3A_929 : memref<32x128xf32, #tpu.memory_space<hbm>>) target(%dma_start3A_927 : memref<32x128xf32, #tpu.memory_space<vmem>>) target_semaphore(%arg14 : memref<!tpu.dma_semaphore, #tpu.memory_space<semaphore_mem>>)
      %dma_start3A_930 = arith.constant 2 : i32
      %dma_start3A_931 = arith.constant 0 : i32
      %dma_start3A_932 = arith.constant 0 : i32
      %dma_start3A_933 = tpu.memref_slice %arg10[%dma_start3A_930, %dma_start3A_931, %dma_start3A_932] : memref<8x32x128xf32, #tpu.memory_space<vmem>> -> memref<1x32x128xf32, #tpu.memory_space<vmem>>
      %dma_start3A_934 = tpu.memref_squeeze %dma_start3A_933 : memref<1x32x128xf32, #tpu.memory_space<vmem>> -> memref<32x128xf32, #tpu.memory_space<vmem>>
      %dma_start3A_935 = arith.constant 0 : i32
      %dma_start3A_936 = tpu.memref_slice %arg5[%dma_start3A_935, %multiple_of3A_916] : memref<32x1000000xf32, #tpu.memory_space<hbm>> -> memref<32x128xf32, #tpu.memory_space<hbm>>
      %dma_start3A_937 = arith.constant 0 : i32
      %dma_start3A_938 = arith.constant 0 : i32
      %dma_start3A_939 = tpu.memref_slice %arg10[%dma_start3A_930, %dma_start3A_937, %dma_start3A_938] : memref<8x32x128xf32, #tpu.memory_space<vmem>> -> memref<1x32x128xf32, #tpu.memory_space<vmem>>
      %dma_start3A_940 = tpu.memref_squeeze %dma_start3A_939 : memref<1x32x128xf32, #tpu.memory_space<vmem>> -> memref<32x128xf32, #tpu.memory_space<vmem>>
      %dma_start3A_941 = arith.constant 0 : i32
      %dma_start3A_942 = tpu.memref_slice %arg5[%dma_start3A_941, %multiple_of3A_916] : memref<32x1000000xf32, #tpu.memory_space<hbm>> -> memref<32x128xf32, #tpu.memory_space<hbm>>
      tpu.enqueue_dma source(%dma_start3A_942 : memref<32x128xf32, #tpu.memory_space<hbm>>) target(%dma_start3A_940 : memref<32x128xf32, #tpu.memory_space<vmem>>) target_semaphore(%arg15 : memref<!tpu.dma_semaphore, #tpu.memory_space<semaphore_mem>>)
      %slice3A_943 = vector.extract_strided_slice %get3A_14 {offsets = [11], sizes = [1], strides = [1]} : vector<16xi32> to vector<1xi32>
      %squeeze3A_944 = vector.extract %slice3A_943[0] : i32 from vector<1xi32>
      %slice3A_945 = vector.extract_strided_slice %get3A_16 {offsets = [11], sizes = [1], strides = [1]} : vector<16xi32> to vector<1xi32>
      %squeeze3A_946 = vector.extract %slice3A_945[0] : i32 from vector<1xi32>
      %shift_right_arithmetic3A_947 = arith.constant 7 : i32
      %shift_right_arithmetic3A_948 = arith.shrsi %squeeze3A_944, %shift_right_arithmetic3A_947 : i32
      %mul3A_949 = arith.constant 128 : i32
      %mul3A_950 = arith.muli %shift_right_arithmetic3A_948, %mul3A_949 : i32
      %multiple_of3A_951 = tpu.assume_multiple %mul3A_950, 128 : i32
      %shift_right_arithmetic3A_952 = arith.constant 7 : i32
      %shift_right_arithmetic3A_953 = arith.shrsi %squeeze3A_946, %shift_right_arithmetic3A_952 : i32
      %mul3A_954 = arith.constant 128 : i32
      %mul3A_955 = arith.muli %shift_right_arithmetic3A_953, %mul3A_954 : i32
      %multiple_of3A_956 = tpu.assume_multiple %mul3A_955, 128 : i32
      %dma_start3A_957 = arith.constant 3 : i32
      %dma_start3A_958 = arith.constant 0 : i32
      %dma_start3A_959 = arith.constant 0 : i32
      %dma_start3A_960 = tpu.memref_slice %arg9[%dma_start3A_957, %dma_start3A_958, %dma_start3A_959] : memref<8x32x128xf32, #tpu.memory_space<vmem>> -> memref<1x32x128xf32, #tpu.memory_space<vmem>>
      %dma_start3A_961 = tpu.memref_squeeze %dma_start3A_960 : memref<1x32x128xf32, #tpu.memory_space<vmem>> -> memref<32x128xf32, #tpu.memory_space<vmem>>
      %dma_start3A_962 = arith.constant 0 : i32
      %dma_start3A_963 = tpu.memref_slice %arg4[%dma_start3A_962, %multiple_of3A_951] : memref<32x1000000xf32, #tpu.memory_space<hbm>> -> memref<32x128xf32, #tpu.memory_space<hbm>>
      %dma_start3A_964 = arith.constant 0 : i32
      %dma_start3A_965 = arith.constant 0 : i32
      %dma_start3A_966 = tpu.memref_slice %arg9[%dma_start3A_957, %dma_start3A_964, %dma_start3A_965] : memref<8x32x128xf32, #tpu.memory_space<vmem>> -> memref<1x32x128xf32, #tpu.memory_space<vmem>>
      %dma_start3A_967 = tpu.memref_squeeze %dma_start3A_966 : memref<1x32x128xf32, #tpu.memory_space<vmem>> -> memref<32x128xf32, #tpu.memory_space<vmem>>
      %dma_start3A_968 = arith.constant 0 : i32
      %dma_start3A_969 = tpu.memref_slice %arg4[%dma_start3A_968, %multiple_of3A_951] : memref<32x1000000xf32, #tpu.memory_space<hbm>> -> memref<32x128xf32, #tpu.memory_space<hbm>>
      tpu.enqueue_dma source(%dma_start3A_969 : memref<32x128xf32, #tpu.memory_space<hbm>>) target(%dma_start3A_967 : memref<32x128xf32, #tpu.memory_space<vmem>>) target_semaphore(%arg14 : memref<!tpu.dma_semaphore, #tpu.memory_space<semaphore_mem>>)
      %dma_start3A_970 = arith.constant 3 : i32
      %dma_start3A_971 = arith.constant 0 : i32
      %dma_start3A_972 = arith.constant 0 : i32
      %dma_start3A_973 = tpu.memref_slice %arg10[%dma_start3A_970, %dma_start3A_971, %dma_start3A_972] : memref<8x32x128xf32, #tpu.memory_space<vmem>> -> memref<1x32x128xf32, #tpu.memory_space<vmem>>
      %dma_start3A_974 = tpu.memref_squeeze %dma_start3A_973 : memref<1x32x128xf32, #tpu.memory_space<vmem>> -> memref<32x128xf32, #tpu.memory_space<vmem>>
      %dma_start3A_975 = arith.constant 0 : i32
      %dma_start3A_976 = tpu.memref_slice %arg5[%dma_start3A_975, %multiple_of3A_956] : memref<32x1000000xf32, #tpu.memory_space<hbm>> -> memref<32x128xf32, #tpu.memory_space<hbm>>
      %dma_start3A_977 = arith.constant 0 : i32
      %dma_start3A_978 = arith.constant 0 : i32
      %dma_start3A_979 = tpu.memref_slice %arg10[%dma_start3A_970, %dma_start3A_977, %dma_start3A_978] : memref<8x32x128xf32, #tpu.memory_space<vmem>> -> memref<1x32x128xf32, #tpu.memory_space<vmem>>
      %dma_start3A_980 = tpu.memref_squeeze %dma_start3A_979 : memref<1x32x128xf32, #tpu.memory_space<vmem>> -> memref<32x128xf32, #tpu.memory_space<vmem>>
      %dma_start3A_981 = arith.constant 0 : i32
      %dma_start3A_982 = tpu.memref_slice %arg5[%dma_start3A_981, %multiple_of3A_956] : memref<32x1000000xf32, #tpu.memory_space<hbm>> -> memref<32x128xf32, #tpu.memory_space<hbm>>
      tpu.enqueue_dma source(%dma_start3A_982 : memref<32x128xf32, #tpu.memory_space<hbm>>) target(%dma_start3A_980 : memref<32x128xf32, #tpu.memory_space<vmem>>) target_semaphore(%arg15 : memref<!tpu.dma_semaphore, #tpu.memory_space<semaphore_mem>>)
      %slice3A_983 = vector.extract_strided_slice %get3A_14 {offsets = [12], sizes = [1], strides = [1]} : vector<16xi32> to vector<1xi32>
      %squeeze3A_984 = vector.extract %slice3A_983[0] : i32 from vector<1xi32>
      %slice3A_985 = vector.extract_strided_slice %get3A_16 {offsets = [12], sizes = [1], strides = [1]} : vector<16xi32> to vector<1xi32>
      %squeeze3A_986 = vector.extract %slice3A_985[0] : i32 from vector<1xi32>
      %shift_right_arithmetic3A_987 = arith.constant 7 : i32
      %shift_right_arithmetic3A_988 = arith.shrsi %squeeze3A_984, %shift_right_arithmetic3A_987 : i32
      %mul3A_989 = arith.constant 128 : i32
      %mul3A_990 = arith.muli %shift_right_arithmetic3A_988, %mul3A_989 : i32
      %multiple_of3A_991 = tpu.assume_multiple %mul3A_990, 128 : i32
      %shift_right_arithmetic3A_992 = arith.constant 7 : i32
      %shift_right_arithmetic3A_993 = arith.shrsi %squeeze3A_986, %shift_right_arithmetic3A_992 : i32
      %mul3A_994 = arith.constant 128 : i32
      %mul3A_995 = arith.muli %shift_right_arithmetic3A_993, %mul3A_994 : i32
      %multiple_of3A_996 = tpu.assume_multiple %mul3A_995, 128 : i32
      %dma_start3A_997 = arith.constant 4 : i32
      %dma_start3A_998 = arith.constant 0 : i32
      %dma_start3A_999 = arith.constant 0 : i32
      %dma_start3A_1000 = tpu.memref_slice %arg9[%dma_start3A_997, %dma_start3A_998, %dma_start3A_999] : memref<8x32x128xf32, #tpu.memory_space<vmem>> -> memref<1x32x128xf32, #tpu.memory_space<vmem>>
      %dma_start3A_1001 = tpu.memref_squeeze %dma_start3A_1000 : memref<1x32x128xf32, #tpu.memory_space<vmem>> -> memref<32x128xf32, #tpu.memory_space<vmem>>
      %dma_start3A_1002 = arith.constant 0 : i32
      %dma_start3A_1003 = tpu.memref_slice %arg4[%dma_start3A_1002, %multiple_of3A_991] : memref<32x1000000xf32, #tpu.memory_space<hbm>> -> memref<32x128xf32, #tpu.memory_space<hbm>>
      %dma_start3A_1004 = arith.constant 0 : i32
      %dma_start3A_1005 = arith.constant 0 : i32
      %dma_start3A_1006 = tpu.memref_slice %arg9[%dma_start3A_997, %dma_start3A_1004, %dma_start3A_1005] : memref<8x32x128xf32, #tpu.memory_space<vmem>> -> memref<1x32x128xf32, #tpu.memory_space<vmem>>
      %dma_start3A_1007 = tpu.memref_squeeze %dma_start3A_1006 : memref<1x32x128xf32, #tpu.memory_space<vmem>> -> memref<32x128xf32, #tpu.memory_space<vmem>>
      %dma_start3A_1008 = arith.constant 0 : i32
      %dma_start3A_1009 = tpu.memref_slice %arg4[%dma_start3A_1008, %multiple_of3A_991] : memref<32x1000000xf32, #tpu.memory_space<hbm>> -> memref<32x128xf32, #tpu.memory_space<hbm>>
      tpu.enqueue_dma source(%dma_start3A_1009 : memref<32x128xf32, #tpu.memory_space<hbm>>) target(%dma_start3A_1007 : memref<32x128xf32, #tpu.memory_space<vmem>>) target_semaphore(%arg14 : memref<!tpu.dma_semaphore, #tpu.memory_space<semaphore_mem>>)
      %dma_start3A_1010 = arith.constant 4 : i32
      %dma_start3A_1011 = arith.constant 0 : i32
      %dma_start3A_1012 = arith.constant 0 : i32
      %dma_start3A_1013 = tpu.memref_slice %arg10[%dma_start3A_1010, %dma_start3A_1011, %dma_start3A_1012] : memref<8x32x128xf32, #tpu.memory_space<vmem>> -> memref<1x32x128xf32, #tpu.memory_space<vmem>>
      %dma_start3A_1014 = tpu.memref_squeeze %dma_start3A_1013 : memref<1x32x128xf32, #tpu.memory_space<vmem>> -> memref<32x128xf32, #tpu.memory_space<vmem>>
      %dma_start3A_1015 = arith.constant 0 : i32
      %dma_start3A_1016 = tpu.memref_slice %arg5[%dma_start3A_1015, %multiple_of3A_996] : memref<32x1000000xf32, #tpu.memory_space<hbm>> -> memref<32x128xf32, #tpu.memory_space<hbm>>
      %dma_start3A_1017 = arith.constant 0 : i32
      %dma_start3A_1018 = arith.constant 0 : i32
      %dma_start3A_1019 = tpu.memref_slice %arg10[%dma_start3A_1010, %dma_start3A_1017, %dma_start3A_1018] : memref<8x32x128xf32, #tpu.memory_space<vmem>> -> memref<1x32x128xf32, #tpu.memory_space<vmem>>
      %dma_start3A_1020 = tpu.memref_squeeze %dma_start3A_1019 : memref<1x32x128xf32, #tpu.memory_space<vmem>> -> memref<32x128xf32, #tpu.memory_space<vmem>>
      %dma_start3A_1021 = arith.constant 0 : i32
      %dma_start3A_1022 = tpu.memref_slice %arg5[%dma_start3A_1021, %multiple_of3A_996] : memref<32x1000000xf32, #tpu.memory_space<hbm>> -> memref<32x128xf32, #tpu.memory_space<hbm>>
      tpu.enqueue_dma source(%dma_start3A_1022 : memref<32x128xf32, #tpu.memory_space<hbm>>) target(%dma_start3A_1020 : memref<32x128xf32, #tpu.memory_space<vmem>>) target_semaphore(%arg15 : memref<!tpu.dma_semaphore, #tpu.memory_space<semaphore_mem>>)
      %slice3A_1023 = vector.extract_strided_slice %get3A_14 {offsets = [13], sizes = [1], strides = [1]} : vector<16xi32> to vector<1xi32>
      %squeeze3A_1024 = vector.extract %slice3A_1023[0] : i32 from vector<1xi32>
      %slice3A_1025 = vector.extract_strided_slice %get3A_16 {offsets = [13], sizes = [1], strides = [1]} : vector<16xi32> to vector<1xi32>
      %squeeze3A_1026 = vector.extract %slice3A_1025[0] : i32 from vector<1xi32>
      %shift_right_arithmetic3A_1027 = arith.constant 7 : i32
      %shift_right_arithmetic3A_1028 = arith.shrsi %squeeze3A_1024, %shift_right_arithmetic3A_1027 : i32
      %mul3A_1029 = arith.constant 128 : i32
      %mul3A_1030 = arith.muli %shift_right_arithmetic3A_1028, %mul3A_1029 : i32
      %multiple_of3A_1031 = tpu.assume_multiple %mul3A_1030, 128 : i32
      %shift_right_arithmetic3A_1032 = arith.constant 7 : i32
      %shift_right_arithmetic3A_1033 = arith.shrsi %squeeze3A_1026, %shift_right_arithmetic3A_1032 : i32
      %mul3A_1034 = arith.constant 128 : i32
      %mul3A_1035 = arith.muli %shift_right_arithmetic3A_1033, %mul3A_1034 : i32
      %multiple_of3A_1036 = tpu.assume_multiple %mul3A_1035, 128 : i32
      %dma_start3A_1037 = arith.constant 5 : i32
      %dma_start3A_1038 = arith.constant 0 : i32
      %dma_start3A_1039 = arith.constant 0 : i32
      %dma_start3A_1040 = tpu.memref_slice %arg9[%dma_start3A_1037, %dma_start3A_1038, %dma_start3A_1039] : memref<8x32x128xf32, #tpu.memory_space<vmem>> -> memref<1x32x128xf32, #tpu.memory_space<vmem>>
      %dma_start3A_1041 = tpu.memref_squeeze %dma_start3A_1040 : memref<1x32x128xf32, #tpu.memory_space<vmem>> -> memref<32x128xf32, #tpu.memory_space<vmem>>
      %dma_start3A_1042 = arith.constant 0 : i32
      %dma_start3A_1043 = tpu.memref_slice %arg4[%dma_start3A_1042, %multiple_of3A_1031] : memref<32x1000000xf32, #tpu.memory_space<hbm>> -> memref<32x128xf32, #tpu.memory_space<hbm>>
      %dma_start3A_1044 = arith.constant 0 : i32
      %dma_start3A_1045 = arith.constant 0 : i32
      %dma_start3A_1046 = tpu.memref_slice %arg9[%dma_start3A_1037, %dma_start3A_1044, %dma_start3A_1045] : memref<8x32x128xf32, #tpu.memory_space<vmem>> -> memref<1x32x128xf32, #tpu.memory_space<vmem>>
      %dma_start3A_1047 = tpu.memref_squeeze %dma_start3A_1046 : memref<1x32x128xf32, #tpu.memory_space<vmem>> -> memref<32x128xf32, #tpu.memory_space<vmem>>
      %dma_start3A_1048 = arith.constant 0 : i32
      %dma_start3A_1049 = tpu.memref_slice %arg4[%dma_start3A_1048, %multiple_of3A_1031] : memref<32x1000000xf32, #tpu.memory_space<hbm>> -> memref<32x128xf32, #tpu.memory_space<hbm>>
      tpu.enqueue_dma source(%dma_start3A_1049 : memref<32x128xf32, #tpu.memory_space<hbm>>) target(%dma_start3A_1047 : memref<32x128xf32, #tpu.memory_space<vmem>>) target_semaphore(%arg14 : memref<!tpu.dma_semaphore, #tpu.memory_space<semaphore_mem>>)
      %dma_start3A_1050 = arith.constant 5 : i32
      %dma_start3A_1051 = arith.constant 0 : i32
      %dma_start3A_1052 = arith.constant 0 : i32
      %dma_start3A_1053 = tpu.memref_slice %arg10[%dma_start3A_1050, %dma_start3A_1051, %dma_start3A_1052] : memref<8x32x128xf32, #tpu.memory_space<vmem>> -> memref<1x32x128xf32, #tpu.memory_space<vmem>>
      %dma_start3A_1054 = tpu.memref_squeeze %dma_start3A_1053 : memref<1x32x128xf32, #tpu.memory_space<vmem>> -> memref<32x128xf32, #tpu.memory_space<vmem>>
      %dma_start3A_1055 = arith.constant 0 : i32
      %dma_start3A_1056 = tpu.memref_slice %arg5[%dma_start3A_1055, %multiple_of3A_1036] : memref<32x1000000xf32, #tpu.memory_space<hbm>> -> memref<32x128xf32, #tpu.memory_space<hbm>>
      %dma_start3A_1057 = arith.constant 0 : i32
      %dma_start3A_1058 = arith.constant 0 : i32
      %dma_start3A_1059 = tpu.memref_slice %arg10[%dma_start3A_1050, %dma_start3A_1057, %dma_start3A_1058] : memref<8x32x128xf32, #tpu.memory_space<vmem>> -> memref<1x32x128xf32, #tpu.memory_space<vmem>>
      %dma_start3A_1060 = tpu.memref_squeeze %dma_start3A_1059 : memref<1x32x128xf32, #tpu.memory_space<vmem>> -> memref<32x128xf32, #tpu.memory_space<vmem>>
      %dma_start3A_1061 = arith.constant 0 : i32
      %dma_start3A_1062 = tpu.memref_slice %arg5[%dma_start3A_1061, %multiple_of3A_1036] : memref<32x1000000xf32, #tpu.memory_space<hbm>> -> memref<32x128xf32, #tpu.memory_space<hbm>>
      tpu.enqueue_dma source(%dma_start3A_1062 : memref<32x128xf32, #tpu.memory_space<hbm>>) target(%dma_start3A_1060 : memref<32x128xf32, #tpu.memory_space<vmem>>) target_semaphore(%arg15 : memref<!tpu.dma_semaphore, #tpu.memory_space<semaphore_mem>>)
      %slice3A_1063 = vector.extract_strided_slice %get3A_14 {offsets = [14], sizes = [1], strides = [1]} : vector<16xi32> to vector<1xi32>
      %squeeze3A_1064 = vector.extract %slice3A_1063[0] : i32 from vector<1xi32>
      %slice3A_1065 = vector.extract_strided_slice %get3A_16 {offsets = [14], sizes = [1], strides = [1]} : vector<16xi32> to vector<1xi32>
      %squeeze3A_1066 = vector.extract %slice3A_1065[0] : i32 from vector<1xi32>
      %shift_right_arithmetic3A_1067 = arith.constant 7 : i32
      %shift_right_arithmetic3A_1068 = arith.shrsi %squeeze3A_1064, %shift_right_arithmetic3A_1067 : i32
      %mul3A_1069 = arith.constant 128 : i32
      %mul3A_1070 = arith.muli %shift_right_arithmetic3A_1068, %mul3A_1069 : i32
      %multiple_of3A_1071 = tpu.assume_multiple %mul3A_1070, 128 : i32
      %shift_right_arithmetic3A_1072 = arith.constant 7 : i32
      %shift_right_arithmetic3A_1073 = arith.shrsi %squeeze3A_1066, %shift_right_arithmetic3A_1072 : i32
      %mul3A_1074 = arith.constant 128 : i32
      %mul3A_1075 = arith.muli %shift_right_arithmetic3A_1073, %mul3A_1074 : i32
      %multiple_of3A_1076 = tpu.assume_multiple %mul3A_1075, 128 : i32
      %dma_start3A_1077 = arith.constant 6 : i32
      %dma_start3A_1078 = arith.constant 0 : i32
      %dma_start3A_1079 = arith.constant 0 : i32
      %dma_start3A_1080 = tpu.memref_slice %arg9[%dma_start3A_1077, %dma_start3A_1078, %dma_start3A_1079] : memref<8x32x128xf32, #tpu.memory_space<vmem>> -> memref<1x32x128xf32, #tpu.memory_space<vmem>>
      %dma_start3A_1081 = tpu.memref_squeeze %dma_start3A_1080 : memref<1x32x128xf32, #tpu.memory_space<vmem>> -> memref<32x128xf32, #tpu.memory_space<vmem>>
      %dma_start3A_1082 = arith.constant 0 : i32
      %dma_start3A_1083 = tpu.memref_slice %arg4[%dma_start3A_1082, %multiple_of3A_1071] : memref<32x1000000xf32, #tpu.memory_space<hbm>> -> memref<32x128xf32, #tpu.memory_space<hbm>>
      %dma_start3A_1084 = arith.constant 0 : i32
      %dma_start3A_1085 = arith.constant 0 : i32
      %dma_start3A_1086 = tpu.memref_slice %arg9[%dma_start3A_1077, %dma_start3A_1084, %dma_start3A_1085] : memref<8x32x128xf32, #tpu.memory_space<vmem>> -> memref<1x32x128xf32, #tpu.memory_space<vmem>>
      %dma_start3A_1087 = tpu.memref_squeeze %dma_start3A_1086 : memref<1x32x128xf32, #tpu.memory_space<vmem>> -> memref<32x128xf32, #tpu.memory_space<vmem>>
      %dma_start3A_1088 = arith.constant 0 : i32
      %dma_start3A_1089 = tpu.memref_slice %arg4[%dma_start3A_1088, %multiple_of3A_1071] : memref<32x1000000xf32, #tpu.memory_space<hbm>> -> memref<32x128xf32, #tpu.memory_space<hbm>>
      tpu.enqueue_dma source(%dma_start3A_1089 : memref<32x128xf32, #tpu.memory_space<hbm>>) target(%dma_start3A_1087 : memref<32x128xf32, #tpu.memory_space<vmem>>) target_semaphore(%arg14 : memref<!tpu.dma_semaphore, #tpu.memory_space<semaphore_mem>>)
      %dma_start3A_1090 = arith.constant 6 : i32
      %dma_start3A_1091 = arith.constant 0 : i32
      %dma_start3A_1092 = arith.constant 0 : i32
      %dma_start3A_1093 = tpu.memref_slice %arg10[%dma_start3A_1090, %dma_start3A_1091, %dma_start3A_1092] : memref<8x32x128xf32, #tpu.memory_space<vmem>> -> memref<1x32x128xf32, #tpu.memory_space<vmem>>
      %dma_start3A_1094 = tpu.memref_squeeze %dma_start3A_1093 : memref<1x32x128xf32, #tpu.memory_space<vmem>> -> memref<32x128xf32, #tpu.memory_space<vmem>>
      %dma_start3A_1095 = arith.constant 0 : i32
      %dma_start3A_1096 = tpu.memref_slice %arg5[%dma_start3A_1095, %multiple_of3A_1076] : memref<32x1000000xf32, #tpu.memory_space<hbm>> -> memref<32x128xf32, #tpu.memory_space<hbm>>
      %dma_start3A_1097 = arith.constant 0 : i32
      %dma_start3A_1098 = arith.constant 0 : i32
      %dma_start3A_1099 = tpu.memref_slice %arg10[%dma_start3A_1090, %dma_start3A_1097, %dma_start3A_1098] : memref<8x32x128xf32, #tpu.memory_space<vmem>> -> memref<1x32x128xf32, #tpu.memory_space<vmem>>
      %dma_start3A_1100 = tpu.memref_squeeze %dma_start3A_1099 : memref<1x32x128xf32, #tpu.memory_space<vmem>> -> memref<32x128xf32, #tpu.memory_space<vmem>>
      %dma_start3A_1101 = arith.constant 0 : i32
      %dma_start3A_1102 = tpu.memref_slice %arg5[%dma_start3A_1101, %multiple_of3A_1076] : memref<32x1000000xf32, #tpu.memory_space<hbm>> -> memref<32x128xf32, #tpu.memory_space<hbm>>
      tpu.enqueue_dma source(%dma_start3A_1102 : memref<32x128xf32, #tpu.memory_space<hbm>>) target(%dma_start3A_1100 : memref<32x128xf32, #tpu.memory_space<vmem>>) target_semaphore(%arg15 : memref<!tpu.dma_semaphore, #tpu.memory_space<semaphore_mem>>)
      %slice3A_1103 = vector.extract_strided_slice %get3A_14 {offsets = [15], sizes = [1], strides = [1]} : vector<16xi32> to vector<1xi32>
      %squeeze3A_1104 = vector.extract %slice3A_1103[0] : i32 from vector<1xi32>
      %slice3A_1105 = vector.extract_strided_slice %get3A_16 {offsets = [15], sizes = [1], strides = [1]} : vector<16xi32> to vector<1xi32>
      %squeeze3A_1106 = vector.extract %slice3A_1105[0] : i32 from vector<1xi32>
      %shift_right_arithmetic3A_1107 = arith.constant 7 : i32
      %shift_right_arithmetic3A_1108 = arith.shrsi %squeeze3A_1104, %shift_right_arithmetic3A_1107 : i32
      %mul3A_1109 = arith.constant 128 : i32
      %mul3A_1110 = arith.muli %shift_right_arithmetic3A_1108, %mul3A_1109 : i32
      %multiple_of3A_1111 = tpu.assume_multiple %mul3A_1110, 128 : i32
      %shift_right_arithmetic3A_1112 = arith.constant 7 : i32
      %shift_right_arithmetic3A_1113 = arith.shrsi %squeeze3A_1106, %shift_right_arithmetic3A_1112 : i32
      %mul3A_1114 = arith.constant 128 : i32
      %mul3A_1115 = arith.muli %shift_right_arithmetic3A_1113, %mul3A_1114 : i32
      %multiple_of3A_1116 = tpu.assume_multiple %mul3A_1115, 128 : i32
      %dma_start3A_1117 = arith.constant 7 : i32
      %dma_start3A_1118 = arith.constant 0 : i32
      %dma_start3A_1119 = arith.constant 0 : i32
      %dma_start3A_1120 = tpu.memref_slice %arg9[%dma_start3A_1117, %dma_start3A_1118, %dma_start3A_1119] : memref<8x32x128xf32, #tpu.memory_space<vmem>> -> memref<1x32x128xf32, #tpu.memory_space<vmem>>
      %dma_start3A_1121 = tpu.memref_squeeze %dma_start3A_1120 : memref<1x32x128xf32, #tpu.memory_space<vmem>> -> memref<32x128xf32, #tpu.memory_space<vmem>>
      %dma_start3A_1122 = arith.constant 0 : i32
      %dma_start3A_1123 = tpu.memref_slice %arg4[%dma_start3A_1122, %multiple_of3A_1111] : memref<32x1000000xf32, #tpu.memory_space<hbm>> -> memref<32x128xf32, #tpu.memory_space<hbm>>
      %dma_start3A_1124 = arith.constant 0 : i32
      %dma_start3A_1125 = arith.constant 0 : i32
      %dma_start3A_1126 = tpu.memref_slice %arg9[%dma_start3A_1117, %dma_start3A_1124, %dma_start3A_1125] : memref<8x32x128xf32, #tpu.memory_space<vmem>> -> memref<1x32x128xf32, #tpu.memory_space<vmem>>
      %dma_start3A_1127 = tpu.memref_squeeze %dma_start3A_1126 : memref<1x32x128xf32, #tpu.memory_space<vmem>> -> memref<32x128xf32, #tpu.memory_space<vmem>>
      %dma_start3A_1128 = arith.constant 0 : i32
      %dma_start3A_1129 = tpu.memref_slice %arg4[%dma_start3A_1128, %multiple_of3A_1111] : memref<32x1000000xf32, #tpu.memory_space<hbm>> -> memref<32x128xf32, #tpu.memory_space<hbm>>
      tpu.enqueue_dma source(%dma_start3A_1129 : memref<32x128xf32, #tpu.memory_space<hbm>>) target(%dma_start3A_1127 : memref<32x128xf32, #tpu.memory_space<vmem>>) target_semaphore(%arg14 : memref<!tpu.dma_semaphore, #tpu.memory_space<semaphore_mem>>)
      %dma_start3A_1130 = arith.constant 7 : i32
      %dma_start3A_1131 = arith.constant 0 : i32
      %dma_start3A_1132 = arith.constant 0 : i32
      %dma_start3A_1133 = tpu.memref_slice %arg10[%dma_start3A_1130, %dma_start3A_1131, %dma_start3A_1132] : memref<8x32x128xf32, #tpu.memory_space<vmem>> -> memref<1x32x128xf32, #tpu.memory_space<vmem>>
      %dma_start3A_1134 = tpu.memref_squeeze %dma_start3A_1133 : memref<1x32x128xf32, #tpu.memory_space<vmem>> -> memref<32x128xf32, #tpu.memory_space<vmem>>
      %dma_start3A_1135 = arith.constant 0 : i32
      %dma_start3A_1136 = tpu.memref_slice %arg5[%dma_start3A_1135, %multiple_of3A_1116] : memref<32x1000000xf32, #tpu.memory_space<hbm>> -> memref<32x128xf32, #tpu.memory_space<hbm>>
      %dma_start3A_1137 = arith.constant 0 : i32
      %dma_start3A_1138 = arith.constant 0 : i32
      %dma_start3A_1139 = tpu.memref_slice %arg10[%dma_start3A_1130, %dma_start3A_1137, %dma_start3A_1138] : memref<8x32x128xf32, #tpu.memory_space<vmem>> -> memref<1x32x128xf32, #tpu.memory_space<vmem>>
      %dma_start3A_1140 = tpu.memref_squeeze %dma_start3A_1139 : memref<1x32x128xf32, #tpu.memory_space<vmem>> -> memref<32x128xf32, #tpu.memory_space<vmem>>
      %dma_start3A_1141 = arith.constant 0 : i32
      %dma_start3A_1142 = tpu.memref_slice %arg5[%dma_start3A_1141, %multiple_of3A_1116] : memref<32x1000000xf32, #tpu.memory_space<hbm>> -> memref<32x128xf32, #tpu.memory_space<hbm>>
      tpu.enqueue_dma source(%dma_start3A_1142 : memref<32x128xf32, #tpu.memory_space<hbm>>) target(%dma_start3A_1140 : memref<32x128xf32, #tpu.memory_space<vmem>>) target_semaphore(%arg15 : memref<!tpu.dma_semaphore, #tpu.memory_space<semaphore_mem>>)
      %dma_wait3A_1143 = arith.constant 0 : i32
      %dma_wait3A_1144 = arith.constant 0 : i32
      %dma_wait3A_1145 = arith.constant 0 : i32
      %dma_wait3A_1146 = tpu.memref_slice %arg9[%dma_wait3A_1143, %dma_wait3A_1144, %dma_wait3A_1145] : memref<8x32x128xf32, #tpu.memory_space<vmem>> -> memref<1x32x128xf32, #tpu.memory_space<vmem>>
      %dma_wait3A_1147 = tpu.memref_squeeze %dma_wait3A_1146 : memref<1x32x128xf32, #tpu.memory_space<vmem>> -> memref<32x128xf32, #tpu.memory_space<vmem>>
      %dma_wait3A_1148 = arith.constant 0 : i32
      %dma_wait3A_1149 = arith.constant 0 : i32
      %dma_wait3A_1150 = tpu.memref_slice %arg4[%dma_wait3A_1148, %dma_wait3A_1149] : memref<32x1000000xf32, #tpu.memory_space<hbm>> -> memref<32x128xf32, #tpu.memory_space<hbm>>
      %dma_wait3A_1151 = arith.constant 0 : i32
      %dma_wait3A_1152 = arith.constant 0 : i32
      %dma_wait3A_1153 = tpu.memref_slice %arg9[%dma_wait3A_1143, %dma_wait3A_1151, %dma_wait3A_1152] : memref<8x32x128xf32, #tpu.memory_space<vmem>> -> memref<1x32x128xf32, #tpu.memory_space<vmem>>
      %dma_wait3A_1154 = tpu.memref_squeeze %dma_wait3A_1153 : memref<1x32x128xf32, #tpu.memory_space<vmem>> -> memref<32x128xf32, #tpu.memory_space<vmem>>
      %dma_wait3A_1155 = arith.constant 0 : i32
      %dma_wait3A_1156 = arith.constant 0 : i32
      %dma_wait3A_1157 = tpu.memref_slice %arg4[%dma_wait3A_1155, %dma_wait3A_1156] : memref<32x1000000xf32, #tpu.memory_space<hbm>> -> memref<32x128xf32, #tpu.memory_space<hbm>>
      tpu.wait_dma2 semaphore(%arg14 : memref<!tpu.dma_semaphore, #tpu.memory_space<semaphore_mem>>) src(%dma_wait3A_1157 : memref<32x128xf32, #tpu.memory_space<hbm>>) dst(%dma_wait3A_1154 : memref<32x128xf32, #tpu.memory_space<vmem>>)
      %dma_wait3A_1158 = arith.constant 0 : i32
      %dma_wait3A_1159 = arith.constant 0 : i32
      %dma_wait3A_1160 = arith.constant 0 : i32
      %dma_wait3A_1161 = tpu.memref_slice %arg10[%dma_wait3A_1158, %dma_wait3A_1159, %dma_wait3A_1160] : memref<8x32x128xf32, #tpu.memory_space<vmem>> -> memref<1x32x128xf32, #tpu.memory_space<vmem>>
      %dma_wait3A_1162 = tpu.memref_squeeze %dma_wait3A_1161 : memref<1x32x128xf32, #tpu.memory_space<vmem>> -> memref<32x128xf32, #tpu.memory_space<vmem>>
      %dma_wait3A_1163 = arith.constant 0 : i32
      %dma_wait3A_1164 = arith.constant 0 : i32
      %dma_wait3A_1165 = tpu.memref_slice %arg5[%dma_wait3A_1163, %dma_wait3A_1164] : memref<32x1000000xf32, #tpu.memory_space<hbm>> -> memref<32x128xf32, #tpu.memory_space<hbm>>
      %dma_wait3A_1166 = arith.constant 0 : i32
      %dma_wait3A_1167 = arith.constant 0 : i32
      %dma_wait3A_1168 = tpu.memref_slice %arg10[%dma_wait3A_1158, %dma_wait3A_1166, %dma_wait3A_1167] : memref<8x32x128xf32, #tpu.memory_space<vmem>> -> memref<1x32x128xf32, #tpu.memory_space<vmem>>
      %dma_wait3A_1169 = tpu.memref_squeeze %dma_wait3A_1168 : memref<1x32x128xf32, #tpu.memory_space<vmem>> -> memref<32x128xf32, #tpu.memory_space<vmem>>
      %dma_wait3A_1170 = arith.constant 0 : i32
      %dma_wait3A_1171 = arith.constant 0 : i32
      %dma_wait3A_1172 = tpu.memref_slice %arg5[%dma_wait3A_1170, %dma_wait3A_1171] : memref<32x1000000xf32, #tpu.memory_space<hbm>> -> memref<32x128xf32, #tpu.memory_space<hbm>>
      tpu.wait_dma2 semaphore(%arg15 : memref<!tpu.dma_semaphore, #tpu.memory_space<semaphore_mem>>) src(%dma_wait3A_1172 : memref<32x128xf32, #tpu.memory_space<hbm>>) dst(%dma_wait3A_1169 : memref<32x128xf32, #tpu.memory_space<vmem>>)
      %dma_wait3A_1173 = arith.constant 0 : i32
      %dma_wait3A_1174 = arith.constant 0 : i32
      %dma_wait3A_1175 = arith.constant 0 : i32
      %dma_wait3A_1176 = tpu.memref_slice %arg9[%dma_wait3A_1173, %dma_wait3A_1174, %dma_wait3A_1175] : memref<8x32x128xf32, #tpu.memory_space<vmem>> -> memref<1x32x128xf32, #tpu.memory_space<vmem>>
      %dma_wait3A_1177 = tpu.memref_squeeze %dma_wait3A_1176 : memref<1x32x128xf32, #tpu.memory_space<vmem>> -> memref<32x128xf32, #tpu.memory_space<vmem>>
      %dma_wait3A_1178 = arith.constant 0 : i32
      %dma_wait3A_1179 = arith.constant 0 : i32
      %dma_wait3A_1180 = tpu.memref_slice %arg4[%dma_wait3A_1178, %dma_wait3A_1179] : memref<32x1000000xf32, #tpu.memory_space<hbm>> -> memref<32x128xf32, #tpu.memory_space<hbm>>
      %dma_wait3A_1181 = arith.constant 0 : i32
      %dma_wait3A_1182 = arith.constant 0 : i32
      %dma_wait3A_1183 = tpu.memref_slice %arg9[%dma_wait3A_1173, %dma_wait3A_1181, %dma_wait3A_1182] : memref<8x32x128xf32, #tpu.memory_space<vmem>> -> memref<1x32x128xf32, #tpu.memory_space<vmem>>
      %dma_wait3A_1184 = tpu.memref_squeeze %dma_wait3A_1183 : memref<1x32x128xf32, #tpu.memory_space<vmem>> -> memref<32x128xf32, #tpu.memory_space<vmem>>
      %dma_wait3A_1185 = arith.constant 0 : i32
      %dma_wait3A_1186 = arith.constant 0 : i32
      %dma_wait3A_1187 = tpu.memref_slice %arg4[%dma_wait3A_1185, %dma_wait3A_1186] : memref<32x1000000xf32, #tpu.memory_space<hbm>> -> memref<32x128xf32, #tpu.memory_space<hbm>>
      tpu.wait_dma2 semaphore(%arg14 : memref<!tpu.dma_semaphore, #tpu.memory_space<semaphore_mem>>) src(%dma_wait3A_1187 : memref<32x128xf32, #tpu.memory_space<hbm>>) dst(%dma_wait3A_1184 : memref<32x128xf32, #tpu.memory_space<vmem>>)
      %dma_wait3A_1188 = arith.constant 0 : i32
      %dma_wait3A_1189 = arith.constant 0 : i32
      %dma_wait3A_1190 = arith.constant 0 : i32
      %dma_wait3A_1191 = tpu.memref_slice %arg10[%dma_wait3A_1188, %dma_wait3A_1189, %dma_wait3A_1190] : memref<8x32x128xf32, #tpu.memory_space<vmem>> -> memref<1x32x128xf32, #tpu.memory_space<vmem>>
      %dma_wait3A_1192 = tpu.memref_squeeze %dma_wait3A_1191 : memref<1x32x128xf32, #tpu.memory_space<vmem>> -> memref<32x128xf32, #tpu.memory_space<vmem>>
      %dma_wait3A_1193 = arith.constant 0 : i32
      %dma_wait3A_1194 = arith.constant 0 : i32
      %dma_wait3A_1195 = tpu.memref_slice %arg5[%dma_wait3A_1193, %dma_wait3A_1194] : memref<32x1000000xf32, #tpu.memory_space<hbm>> -> memref<32x128xf32, #tpu.memory_space<hbm>>
      %dma_wait3A_1196 = arith.constant 0 : i32
      %dma_wait3A_1197 = arith.constant 0 : i32
      %dma_wait3A_1198 = tpu.memref_slice %arg10[%dma_wait3A_1188, %dma_wait3A_1196, %dma_wait3A_1197] : memref<8x32x128xf32, #tpu.memory_space<vmem>> -> memref<1x32x128xf32, #tpu.memory_space<vmem>>
      %dma_wait3A_1199 = tpu.memref_squeeze %dma_wait3A_1198 : memref<1x32x128xf32, #tpu.memory_space<vmem>> -> memref<32x128xf32, #tpu.memory_space<vmem>>
      %dma_wait3A_1200 = arith.constant 0 : i32
      %dma_wait3A_1201 = arith.constant 0 : i32
      %dma_wait3A_1202 = tpu.memref_slice %arg5[%dma_wait3A_1200, %dma_wait3A_1201] : memref<32x1000000xf32, #tpu.memory_space<hbm>> -> memref<32x128xf32, #tpu.memory_space<hbm>>
      tpu.wait_dma2 semaphore(%arg15 : memref<!tpu.dma_semaphore, #tpu.memory_space<semaphore_mem>>) src(%dma_wait3A_1202 : memref<32x128xf32, #tpu.memory_space<hbm>>) dst(%dma_wait3A_1199 : memref<32x128xf32, #tpu.memory_space<vmem>>)
      %dma_wait3A_1203 = arith.constant 0 : i32
      %dma_wait3A_1204 = arith.constant 0 : i32
      %dma_wait3A_1205 = arith.constant 0 : i32
      %dma_wait3A_1206 = tpu.memref_slice %arg9[%dma_wait3A_1203, %dma_wait3A_1204, %dma_wait3A_1205] : memref<8x32x128xf32, #tpu.memory_space<vmem>> -> memref<1x32x128xf32, #tpu.memory_space<vmem>>
      %dma_wait3A_1207 = tpu.memref_squeeze %dma_wait3A_1206 : memref<1x32x128xf32, #tpu.memory_space<vmem>> -> memref<32x128xf32, #tpu.memory_space<vmem>>
      %dma_wait3A_1208 = arith.constant 0 : i32
      %dma_wait3A_1209 = arith.constant 0 : i32
      %dma_wait3A_1210 = tpu.memref_slice %arg4[%dma_wait3A_1208, %dma_wait3A_1209] : memref<32x1000000xf32, #tpu.memory_space<hbm>> -> memref<32x128xf32, #tpu.memory_space<hbm>>
      %dma_wait3A_1211 = arith.constant 0 : i32
      %dma_wait3A_1212 = arith.constant 0 : i32
      %dma_wait3A_1213 = tpu.memref_slice %arg9[%dma_wait3A_1203, %dma_wait3A_1211, %dma_wait3A_1212] : memref<8x32x128xf32, #tpu.memory_space<vmem>> -> memref<1x32x128xf32, #tpu.memory_space<vmem>>
      %dma_wait3A_1214 = tpu.memref_squeeze %dma_wait3A_1213 : memref<1x32x128xf32, #tpu.memory_space<vmem>> -> memref<32x128xf32, #tpu.memory_space<vmem>>
      %dma_wait3A_1215 = arith.constant 0 : i32
      %dma_wait3A_1216 = arith.constant 0 : i32
      %dma_wait3A_1217 = tpu.memref_slice %arg4[%dma_wait3A_1215, %dma_wait3A_1216] : memref<32x1000000xf32, #tpu.memory_space<hbm>> -> memref<32x128xf32, #tpu.memory_space<hbm>>
      tpu.wait_dma2 semaphore(%arg14 : memref<!tpu.dma_semaphore, #tpu.memory_space<semaphore_mem>>) src(%dma_wait3A_1217 : memref<32x128xf32, #tpu.memory_space<hbm>>) dst(%dma_wait3A_1214 : memref<32x128xf32, #tpu.memory_space<vmem>>)
      %dma_wait3A_1218 = arith.constant 0 : i32
      %dma_wait3A_1219 = arith.constant 0 : i32
      %dma_wait3A_1220 = arith.constant 0 : i32
      %dma_wait3A_1221 = tpu.memref_slice %arg10[%dma_wait3A_1218, %dma_wait3A_1219, %dma_wait3A_1220] : memref<8x32x128xf32, #tpu.memory_space<vmem>> -> memref<1x32x128xf32, #tpu.memory_space<vmem>>
      %dma_wait3A_1222 = tpu.memref_squeeze %dma_wait3A_1221 : memref<1x32x128xf32, #tpu.memory_space<vmem>> -> memref<32x128xf32, #tpu.memory_space<vmem>>
      %dma_wait3A_1223 = arith.constant 0 : i32
      %dma_wait3A_1224 = arith.constant 0 : i32
      %dma_wait3A_1225 = tpu.memref_slice %arg5[%dma_wait3A_1223, %dma_wait3A_1224] : memref<32x1000000xf32, #tpu.memory_space<hbm>> -> memref<32x128xf32, #tpu.memory_space<hbm>>
      %dma_wait3A_1226 = arith.constant 0 : i32
      %dma_wait3A_1227 = arith.constant 0 : i32
      %dma_wait3A_1228 = tpu.memref_slice %arg10[%dma_wait3A_1218, %dma_wait3A_1226, %dma_wait3A_1227] : memref<8x32x128xf32, #tpu.memory_space<vmem>> -> memref<1x32x128xf32, #tpu.memory_space<vmem>>
      %dma_wait3A_1229 = tpu.memref_squeeze %dma_wait3A_1228 : memref<1x32x128xf32, #tpu.memory_space<vmem>> -> memref<32x128xf32, #tpu.memory_space<vmem>>
      %dma_wait3A_1230 = arith.constant 0 : i32
      %dma_wait3A_1231 = arith.constant 0 : i32
      %dma_wait3A_1232 = tpu.memref_slice %arg5[%dma_wait3A_1230, %dma_wait3A_1231] : memref<32x1000000xf32, #tpu.memory_space<hbm>> -> memref<32x128xf32, #tpu.memory_space<hbm>>
      tpu.wait_dma2 semaphore(%arg15 : memref<!tpu.dma_semaphore, #tpu.memory_space<semaphore_mem>>) src(%dma_wait3A_1232 : memref<32x128xf32, #tpu.memory_space<hbm>>) dst(%dma_wait3A_1229 : memref<32x128xf32, #tpu.memory_space<vmem>>)
      %dma_wait3A_1233 = arith.constant 0 : i32
      %dma_wait3A_1234 = arith.constant 0 : i32
      %dma_wait3A_1235 = arith.constant 0 : i32
      %dma_wait3A_1236 = tpu.memref_slice %arg9[%dma_wait3A_1233, %dma_wait3A_1234, %dma_wait3A_1235] : memref<8x32x128xf32, #tpu.memory_space<vmem>> -> memref<1x32x128xf32, #tpu.memory_space<vmem>>
      %dma_wait3A_1237 = tpu.memref_squeeze %dma_wait3A_1236 : memref<1x32x128xf32, #tpu.memory_space<vmem>> -> memref<32x128xf32, #tpu.memory_space<vmem>>
      %dma_wait3A_1238 = arith.constant 0 : i32
      %dma_wait3A_1239 = arith.constant 0 : i32
      %dma_wait3A_1240 = tpu.memref_slice %arg4[%dma_wait3A_1238, %dma_wait3A_1239] : memref<32x1000000xf32, #tpu.memory_space<hbm>> -> memref<32x128xf32, #tpu.memory_space<hbm>>
      %dma_wait3A_1241 = arith.constant 0 : i32
      %dma_wait3A_1242 = arith.constant 0 : i32
      %dma_wait3A_1243 = tpu.memref_slice %arg9[%dma_wait3A_1233, %dma_wait3A_1241, %dma_wait3A_1242] : memref<8x32x128xf32, #tpu.memory_space<vmem>> -> memref<1x32x128xf32, #tpu.memory_space<vmem>>
      %dma_wait3A_1244 = tpu.memref_squeeze %dma_wait3A_1243 : memref<1x32x128xf32, #tpu.memory_space<vmem>> -> memref<32x128xf32, #tpu.memory_space<vmem>>
      %dma_wait3A_1245 = arith.constant 0 : i32
      %dma_wait3A_1246 = arith.constant 0 : i32
      %dma_wait3A_1247 = tpu.memref_slice %arg4[%dma_wait3A_1245, %dma_wait3A_1246] : memref<32x1000000xf32, #tpu.memory_space<hbm>> -> memref<32x128xf32, #tpu.memory_space<hbm>>
      tpu.wait_dma2 semaphore(%arg14 : memref<!tpu.dma_semaphore, #tpu.memory_space<semaphore_mem>>) src(%dma_wait3A_1247 : memref<32x128xf32, #tpu.memory_space<hbm>>) dst(%dma_wait3A_1244 : memref<32x128xf32, #tpu.memory_space<vmem>>)
      %dma_wait3A_1248 = arith.constant 0 : i32
      %dma_wait3A_1249 = arith.constant 0 : i32
      %dma_wait3A_1250 = arith.constant 0 : i32
      %dma_wait3A_1251 = tpu.memref_slice %arg10[%dma_wait3A_1248, %dma_wait3A_1249, %dma_wait3A_1250] : memref<8x32x128xf32, #tpu.memory_space<vmem>> -> memref<1x32x128xf32, #tpu.memory_space<vmem>>
      %dma_wait3A_1252 = tpu.memref_squeeze %dma_wait3A_1251 : memref<1x32x128xf32, #tpu.memory_space<vmem>> -> memref<32x128xf32, #tpu.memory_space<vmem>>
      %dma_wait3A_1253 = arith.constant 0 : i32
      %dma_wait3A_1254 = arith.constant 0 : i32
      %dma_wait3A_1255 = tpu.memref_slice %arg5[%dma_wait3A_1253, %dma_wait3A_1254] : memref<32x1000000xf32, #tpu.memory_space<hbm>> -> memref<32x128xf32, #tpu.memory_space<hbm>>
      %dma_wait3A_1256 = arith.constant 0 : i32
      %dma_wait3A_1257 = arith.constant 0 : i32
      %dma_wait3A_1258 = tpu.memref_slice %arg10[%dma_wait3A_1248, %dma_wait3A_1256, %dma_wait3A_1257] : memref<8x32x128xf32, #tpu.memory_space<vmem>> -> memref<1x32x128xf32, #tpu.memory_space<vmem>>
      %dma_wait3A_1259 = tpu.memref_squeeze %dma_wait3A_1258 : memref<1x32x128xf32, #tpu.memory_space<vmem>> -> memref<32x128xf32, #tpu.memory_space<vmem>>
      %dma_wait3A_1260 = arith.constant 0 : i32
      %dma_wait3A_1261 = arith.constant 0 : i32
      %dma_wait3A_1262 = tpu.memref_slice %arg5[%dma_wait3A_1260, %dma_wait3A_1261] : memref<32x1000000xf32, #tpu.memory_space<hbm>> -> memref<32x128xf32, #tpu.memory_space<hbm>>
      tpu.wait_dma2 semaphore(%arg15 : memref<!tpu.dma_semaphore, #tpu.memory_space<semaphore_mem>>) src(%dma_wait3A_1262 : memref<32x128xf32, #tpu.memory_space<hbm>>) dst(%dma_wait3A_1259 : memref<32x128xf32, #tpu.memory_space<vmem>>)
      %dma_wait3A_1263 = arith.constant 0 : i32
      %dma_wait3A_1264 = arith.constant 0 : i32
      %dma_wait3A_1265 = arith.constant 0 : i32
      %dma_wait3A_1266 = tpu.memref_slice %arg9[%dma_wait3A_1263, %dma_wait3A_1264, %dma_wait3A_1265] : memref<8x32x128xf32, #tpu.memory_space<vmem>> -> memref<1x32x128xf32, #tpu.memory_space<vmem>>
      %dma_wait3A_1267 = tpu.memref_squeeze %dma_wait3A_1266 : memref<1x32x128xf32, #tpu.memory_space<vmem>> -> memref<32x128xf32, #tpu.memory_space<vmem>>
      %dma_wait3A_1268 = arith.constant 0 : i32
      %dma_wait3A_1269 = arith.constant 0 : i32
      %dma_wait3A_1270 = tpu.memref_slice %arg4[%dma_wait3A_1268, %dma_wait3A_1269] : memref<32x1000000xf32, #tpu.memory_space<hbm>> -> memref<32x128xf32, #tpu.memory_space<hbm>>
      %dma_wait3A_1271 = arith.constant 0 : i32
      %dma_wait3A_1272 = arith.constant 0 : i32
      %dma_wait3A_1273 = tpu.memref_slice %arg9[%dma_wait3A_1263, %dma_wait3A_1271, %dma_wait3A_1272] : memref<8x32x128xf32, #tpu.memory_space<vmem>> -> memref<1x32x128xf32, #tpu.memory_space<vmem>>
      %dma_wait3A_1274 = tpu.memref_squeeze %dma_wait3A_1273 : memref<1x32x128xf32, #tpu.memory_space<vmem>> -> memref<32x128xf32, #tpu.memory_space<vmem>>
      %dma_wait3A_1275 = arith.constant 0 : i32
      %dma_wait3A_1276 = arith.constant 0 : i32
      %dma_wait3A_1277 = tpu.memref_slice %arg4[%dma_wait3A_1275, %dma_wait3A_1276] : memref<32x1000000xf32, #tpu.memory_space<hbm>> -> memref<32x128xf32, #tpu.memory_space<hbm>>
      tpu.wait_dma2 semaphore(%arg14 : memref<!tpu.dma_semaphore, #tpu.memory_space<semaphore_mem>>) src(%dma_wait3A_1277 : memref<32x128xf32, #tpu.memory_space<hbm>>) dst(%dma_wait3A_1274 : memref<32x128xf32, #tpu.memory_space<vmem>>)
      %dma_wait3A_1278 = arith.constant 0 : i32
      %dma_wait3A_1279 = arith.constant 0 : i32
      %dma_wait3A_1280 = arith.constant 0 : i32
      %dma_wait3A_1281 = tpu.memref_slice %arg10[%dma_wait3A_1278, %dma_wait3A_1279, %dma_wait3A_1280] : memref<8x32x128xf32, #tpu.memory_space<vmem>> -> memref<1x32x128xf32, #tpu.memory_space<vmem>>
      %dma_wait3A_1282 = tpu.memref_squeeze %dma_wait3A_1281 : memref<1x32x128xf32, #tpu.memory_space<vmem>> -> memref<32x128xf32, #tpu.memory_space<vmem>>
      %dma_wait3A_1283 = arith.constant 0 : i32
      %dma_wait3A_1284 = arith.constant 0 : i32
      %dma_wait3A_1285 = tpu.memref_slice %arg5[%dma_wait3A_1283, %dma_wait3A_1284] : memref<32x1000000xf32, #tpu.memory_space<hbm>> -> memref<32x128xf32, #tpu.memory_space<hbm>>
      %dma_wait3A_1286 = arith.constant 0 : i32
      %dma_wait3A_1287 = arith.constant 0 : i32
      %dma_wait3A_1288 = tpu.memref_slice %arg10[%dma_wait3A_1278, %dma_wait3A_1286, %dma_wait3A_1287] : memref<8x32x128xf32, #tpu.memory_space<vmem>> -> memref<1x32x128xf32, #tpu.memory_space<vmem>>
      %dma_wait3A_1289 = tpu.memref_squeeze %dma_wait3A_1288 : memref<1x32x128xf32, #tpu.memory_space<vmem>> -> memref<32x128xf32, #tpu.memory_space<vmem>>
      %dma_wait3A_1290 = arith.constant 0 : i32
      %dma_wait3A_1291 = arith.constant 0 : i32
      %dma_wait3A_1292 = tpu.memref_slice %arg5[%dma_wait3A_1290, %dma_wait3A_1291] : memref<32x1000000xf32, #tpu.memory_space<hbm>> -> memref<32x128xf32, #tpu.memory_space<hbm>>
      tpu.wait_dma2 semaphore(%arg15 : memref<!tpu.dma_semaphore, #tpu.memory_space<semaphore_mem>>) src(%dma_wait3A_1292 : memref<32x128xf32, #tpu.memory_space<hbm>>) dst(%dma_wait3A_1289 : memref<32x128xf32, #tpu.memory_space<vmem>>)
      %dma_wait3A_1293 = arith.constant 0 : i32
      %dma_wait3A_1294 = arith.constant 0 : i32
      %dma_wait3A_1295 = arith.constant 0 : i32
      %dma_wait3A_1296 = tpu.memref_slice %arg9[%dma_wait3A_1293, %dma_wait3A_1294, %dma_wait3A_1295] : memref<8x32x128xf32, #tpu.memory_space<vmem>> -> memref<1x32x128xf32, #tpu.memory_space<vmem>>
      %dma_wait3A_1297 = tpu.memref_squeeze %dma_wait3A_1296 : memref<1x32x128xf32, #tpu.memory_space<vmem>> -> memref<32x128xf32, #tpu.memory_space<vmem>>
      %dma_wait3A_1298 = arith.constant 0 : i32
      %dma_wait3A_1299 = arith.constant 0 : i32
      %dma_wait3A_1300 = tpu.memref_slice %arg4[%dma_wait3A_1298, %dma_wait3A_1299] : memref<32x1000000xf32, #tpu.memory_space<hbm>> -> memref<32x128xf32, #tpu.memory_space<hbm>>
      %dma_wait3A_1301 = arith.constant 0 : i32
      %dma_wait3A_1302 = arith.constant 0 : i32
      %dma_wait3A_1303 = tpu.memref_slice %arg9[%dma_wait3A_1293, %dma_wait3A_1301, %dma_wait3A_1302] : memref<8x32x128xf32, #tpu.memory_space<vmem>> -> memref<1x32x128xf32, #tpu.memory_space<vmem>>
      %dma_wait3A_1304 = tpu.memref_squeeze %dma_wait3A_1303 : memref<1x32x128xf32, #tpu.memory_space<vmem>> -> memref<32x128xf32, #tpu.memory_space<vmem>>
      %dma_wait3A_1305 = arith.constant 0 : i32
      %dma_wait3A_1306 = arith.constant 0 : i32
      %dma_wait3A_1307 = tpu.memref_slice %arg4[%dma_wait3A_1305, %dma_wait3A_1306] : memref<32x1000000xf32, #tpu.memory_space<hbm>> -> memref<32x128xf32, #tpu.memory_space<hbm>>
      tpu.wait_dma2 semaphore(%arg14 : memref<!tpu.dma_semaphore, #tpu.memory_space<semaphore_mem>>) src(%dma_wait3A_1307 : memref<32x128xf32, #tpu.memory_space<hbm>>) dst(%dma_wait3A_1304 : memref<32x128xf32, #tpu.memory_space<vmem>>)
      %dma_wait3A_1308 = arith.constant 0 : i32
      %dma_wait3A_1309 = arith.constant 0 : i32
      %dma_wait3A_1310 = arith.constant 0 : i32
      %dma_wait3A_1311 = tpu.memref_slice %arg10[%dma_wait3A_1308, %dma_wait3A_1309, %dma_wait3A_1310] : memref<8x32x128xf32, #tpu.memory_space<vmem>> -> memref<1x32x128xf32, #tpu.memory_space<vmem>>
      %dma_wait3A_1312 = tpu.memref_squeeze %dma_wait3A_1311 : memref<1x32x128xf32, #tpu.memory_space<vmem>> -> memref<32x128xf32, #tpu.memory_space<vmem>>
      %dma_wait3A_1313 = arith.constant 0 : i32
      %dma_wait3A_1314 = arith.constant 0 : i32
      %dma_wait3A_1315 = tpu.memref_slice %arg5[%dma_wait3A_1313, %dma_wait3A_1314] : memref<32x1000000xf32, #tpu.memory_space<hbm>> -> memref<32x128xf32, #tpu.memory_space<hbm>>
      %dma_wait3A_1316 = arith.constant 0 : i32
      %dma_wait3A_1317 = arith.constant 0 : i32
      %dma_wait3A_1318 = tpu.memref_slice %arg10[%dma_wait3A_1308, %dma_wait3A_1316, %dma_wait3A_1317] : memref<8x32x128xf32, #tpu.memory_space<vmem>> -> memref<1x32x128xf32, #tpu.memory_space<vmem>>
      %dma_wait3A_1319 = tpu.memref_squeeze %dma_wait3A_1318 : memref<1x32x128xf32, #tpu.memory_space<vmem>> -> memref<32x128xf32, #tpu.memory_space<vmem>>
      %dma_wait3A_1320 = arith.constant 0 : i32
      %dma_wait3A_1321 = arith.constant 0 : i32
      %dma_wait3A_1322 = tpu.memref_slice %arg5[%dma_wait3A_1320, %dma_wait3A_1321] : memref<32x1000000xf32, #tpu.memory_space<hbm>> -> memref<32x128xf32, #tpu.memory_space<hbm>>
      tpu.wait_dma2 semaphore(%arg15 : memref<!tpu.dma_semaphore, #tpu.memory_space<semaphore_mem>>) src(%dma_wait3A_1322 : memref<32x128xf32, #tpu.memory_space<hbm>>) dst(%dma_wait3A_1319 : memref<32x128xf32, #tpu.memory_space<vmem>>)
      %dma_wait3A_1323 = arith.constant 0 : i32
      %dma_wait3A_1324 = arith.constant 0 : i32
      %dma_wait3A_1325 = arith.constant 0 : i32
      %dma_wait3A_1326 = tpu.memref_slice %arg9[%dma_wait3A_1323, %dma_wait3A_1324, %dma_wait3A_1325] : memref<8x32x128xf32, #tpu.memory_space<vmem>> -> memref<1x32x128xf32, #tpu.memory_space<vmem>>
      %dma_wait3A_1327 = tpu.memref_squeeze %dma_wait3A_1326 : memref<1x32x128xf32, #tpu.memory_space<vmem>> -> memref<32x128xf32, #tpu.memory_space<vmem>>
      %dma_wait3A_1328 = arith.constant 0 : i32
      %dma_wait3A_1329 = arith.constant 0 : i32
      %dma_wait3A_1330 = tpu.memref_slice %arg4[%dma_wait3A_1328, %dma_wait3A_1329] : memref<32x1000000xf32, #tpu.memory_space<hbm>> -> memref<32x128xf32, #tpu.memory_space<hbm>>
      %dma_wait3A_1331 = arith.constant 0 : i32
      %dma_wait3A_1332 = arith.constant 0 : i32
      %dma_wait3A_1333 = tpu.memref_slice %arg9[%dma_wait3A_1323, %dma_wait3A_1331, %dma_wait3A_1332] : memref<8x32x128xf32, #tpu.memory_space<vmem>> -> memref<1x32x128xf32, #tpu.memory_space<vmem>>
      %dma_wait3A_1334 = tpu.memref_squeeze %dma_wait3A_1333 : memref<1x32x128xf32, #tpu.memory_space<vmem>> -> memref<32x128xf32, #tpu.memory_space<vmem>>
      %dma_wait3A_1335 = arith.constant 0 : i32
      %dma_wait3A_1336 = arith.constant 0 : i32
      %dma_wait3A_1337 = tpu.memref_slice %arg4[%dma_wait3A_1335, %dma_wait3A_1336] : memref<32x1000000xf32, #tpu.memory_space<hbm>> -> memref<32x128xf32, #tpu.memory_space<hbm>>
      tpu.wait_dma2 semaphore(%arg14 : memref<!tpu.dma_semaphore, #tpu.memory_space<semaphore_mem>>) src(%dma_wait3A_1337 : memref<32x128xf32, #tpu.memory_space<hbm>>) dst(%dma_wait3A_1334 : memref<32x128xf32, #tpu.memory_space<vmem>>)
      %dma_wait3A_1338 = arith.constant 0 : i32
      %dma_wait3A_1339 = arith.constant 0 : i32
      %dma_wait3A_1340 = arith.constant 0 : i32
      %dma_wait3A_1341 = tpu.memref_slice %arg10[%dma_wait3A_1338, %dma_wait3A_1339, %dma_wait3A_1340] : memref<8x32x128xf32, #tpu.memory_space<vmem>> -> memref<1x32x128xf32, #tpu.memory_space<vmem>>
      %dma_wait3A_1342 = tpu.memref_squeeze %dma_wait3A_1341 : memref<1x32x128xf32, #tpu.memory_space<vmem>> -> memref<32x128xf32, #tpu.memory_space<vmem>>
      %dma_wait3A_1343 = arith.constant 0 : i32
      %dma_wait3A_1344 = arith.constant 0 : i32
      %dma_wait3A_1345 = tpu.memref_slice %arg5[%dma_wait3A_1343, %dma_wait3A_1344] : memref<32x1000000xf32, #tpu.memory_space<hbm>> -> memref<32x128xf32, #tpu.memory_space<hbm>>
      %dma_wait3A_1346 = arith.constant 0 : i32
      %dma_wait3A_1347 = arith.constant 0 : i32
      %dma_wait3A_1348 = tpu.memref_slice %arg10[%dma_wait3A_1338, %dma_wait3A_1346, %dma_wait3A_1347] : memref<8x32x128xf32, #tpu.memory_space<vmem>> -> memref<1x32x128xf32, #tpu.memory_space<vmem>>
      %dma_wait3A_1349 = tpu.memref_squeeze %dma_wait3A_1348 : memref<1x32x128xf32, #tpu.memory_space<vmem>> -> memref<32x128xf32, #tpu.memory_space<vmem>>
      %dma_wait3A_1350 = arith.constant 0 : i32
      %dma_wait3A_1351 = arith.constant 0 : i32
      %dma_wait3A_1352 = tpu.memref_slice %arg5[%dma_wait3A_1350, %dma_wait3A_1351] : memref<32x1000000xf32, #tpu.memory_space<hbm>> -> memref<32x128xf32, #tpu.memory_space<hbm>>
      tpu.wait_dma2 semaphore(%arg15 : memref<!tpu.dma_semaphore, #tpu.memory_space<semaphore_mem>>) src(%dma_wait3A_1352 : memref<32x128xf32, #tpu.memory_space<hbm>>) dst(%dma_wait3A_1349 : memref<32x128xf32, #tpu.memory_space<vmem>>)
      %dma_wait3A_1353 = arith.constant 0 : i32
      %dma_wait3A_1354 = arith.constant 0 : i32
      %dma_wait3A_1355 = arith.constant 0 : i32
      %dma_wait3A_1356 = tpu.memref_slice %arg9[%dma_wait3A_1353, %dma_wait3A_1354, %dma_wait3A_1355] : memref<8x32x128xf32, #tpu.memory_space<vmem>> -> memref<1x32x128xf32, #tpu.memory_space<vmem>>
      %dma_wait3A_1357 = tpu.memref_squeeze %dma_wait3A_1356 : memref<1x32x128xf32, #tpu.memory_space<vmem>> -> memref<32x128xf32, #tpu.memory_space<vmem>>
      %dma_wait3A_1358 = arith.constant 0 : i32
      %dma_wait3A_1359 = arith.constant 0 : i32
      %dma_wait3A_1360 = tpu.memref_slice %arg4[%dma_wait3A_1358, %dma_wait3A_1359] : memref<32x1000000xf32, #tpu.memory_space<hbm>> -> memref<32x128xf32, #tpu.memory_space<hbm>>
      %dma_wait3A_1361 = arith.constant 0 : i32
      %dma_wait3A_1362 = arith.constant 0 : i32
      %dma_wait3A_1363 = tpu.memref_slice %arg9[%dma_wait3A_1353, %dma_wait3A_1361, %dma_wait3A_1362] : memref<8x32x128xf32, #tpu.memory_space<vmem>> -> memref<1x32x128xf32, #tpu.memory_space<vmem>>
      %dma_wait3A_1364 = tpu.memref_squeeze %dma_wait3A_1363 : memref<1x32x128xf32, #tpu.memory_space<vmem>> -> memref<32x128xf32, #tpu.memory_space<vmem>>
      %dma_wait3A_1365 = arith.constant 0 : i32
      %dma_wait3A_1366 = arith.constant 0 : i32
      %dma_wait3A_1367 = tpu.memref_slice %arg4[%dma_wait3A_1365, %dma_wait3A_1366] : memref<32x1000000xf32, #tpu.memory_space<hbm>> -> memref<32x128xf32, #tpu.memory_space<hbm>>
      tpu.wait_dma2 semaphore(%arg14 : memref<!tpu.dma_semaphore, #tpu.memory_space<semaphore_mem>>) src(%dma_wait3A_1367 : memref<32x128xf32, #tpu.memory_space<hbm>>) dst(%dma_wait3A_1364 : memref<32x128xf32, #tpu.memory_space<vmem>>)
      %dma_wait3A_1368 = arith.constant 0 : i32
      %dma_wait3A_1369 = arith.constant 0 : i32
      %dma_wait3A_1370 = arith.constant 0 : i32
      %dma_wait3A_1371 = tpu.memref_slice %arg10[%dma_wait3A_1368, %dma_wait3A_1369, %dma_wait3A_1370] : memref<8x32x128xf32, #tpu.memory_space<vmem>> -> memref<1x32x128xf32, #tpu.memory_space<vmem>>
      %dma_wait3A_1372 = tpu.memref_squeeze %dma_wait3A_1371 : memref<1x32x128xf32, #tpu.memory_space<vmem>> -> memref<32x128xf32, #tpu.memory_space<vmem>>
      %dma_wait3A_1373 = arith.constant 0 : i32
      %dma_wait3A_1374 = arith.constant 0 : i32
      %dma_wait3A_1375 = tpu.memref_slice %arg5[%dma_wait3A_1373, %dma_wait3A_1374] : memref<32x1000000xf32, #tpu.memory_space<hbm>> -> memref<32x128xf32, #tpu.memory_space<hbm>>
      %dma_wait3A_1376 = arith.constant 0 : i32
      %dma_wait3A_1377 = arith.constant 0 : i32
      %dma_wait3A_1378 = tpu.memref_slice %arg10[%dma_wait3A_1368, %dma_wait3A_1376, %dma_wait3A_1377] : memref<8x32x128xf32, #tpu.memory_space<vmem>> -> memref<1x32x128xf32, #tpu.memory_space<vmem>>
      %dma_wait3A_1379 = tpu.memref_squeeze %dma_wait3A_1378 : memref<1x32x128xf32, #tpu.memory_space<vmem>> -> memref<32x128xf32, #tpu.memory_space<vmem>>
      %dma_wait3A_1380 = arith.constant 0 : i32
      %dma_wait3A_1381 = arith.constant 0 : i32
      %dma_wait3A_1382 = tpu.memref_slice %arg5[%dma_wait3A_1380, %dma_wait3A_1381] : memref<32x1000000xf32, #tpu.memory_space<hbm>> -> memref<32x128xf32, #tpu.memory_space<hbm>>
      tpu.wait_dma2 semaphore(%arg15 : memref<!tpu.dma_semaphore, #tpu.memory_space<semaphore_mem>>) src(%dma_wait3A_1382 : memref<32x128xf32, #tpu.memory_space<hbm>>) dst(%dma_wait3A_1379 : memref<32x128xf32, #tpu.memory_space<vmem>>)
      %slice3A_1383 = vector.extract_strided_slice %get3A_14 {offsets = [8], sizes = [1], strides = [1]} : vector<16xi32> to vector<1xi32>
      %squeeze3A_1384 = vector.extract %slice3A_1383[0] : i32 from vector<1xi32>
      %and3A_1385 = arith.constant 127 : i32
      %and3A_1386 = arith.andi %squeeze3A_1384, %and3A_1385 : i32
      %broadcast_in_dim3A_1387 = vector.broadcast %and3A_1386 : i32 to vector<16xi32>
      %slice3A_1388 = vector.extract_strided_slice %get3A_16 {offsets = [8], sizes = [1], strides = [1]} : vector<16xi32> to vector<1xi32>
      %squeeze3A_1389 = vector.extract %slice3A_1388[0] : i32 from vector<1xi32>
      %and3A_1390 = arith.constant 127 : i32
      %and3A_1391 = arith.andi %squeeze3A_1389, %and3A_1390 : i32
      %broadcast_in_dim3A_1392 = vector.broadcast %and3A_1391 : i32 to vector<16xi32>
      %broadcast_in_dim3A_1393 = arith.constant 0 : i32
      %broadcast_in_dim3A_1394 = vector.broadcast %broadcast_in_dim3A_1393 : i32 to vector<16xi32>
      %gather3A_1395 = tpu.vector_load_idx %arg9[%broadcast_in_dim3A_1394, %iota3A, %broadcast_in_dim3A_1387] : memref<8x32x128xf32, #tpu.memory_space<vmem>>[vector<16xi32>, vector<16xi32>, vector<16xi32>], vector<16xf32>,
      %swap3A_1396 = arith.constant 8 : i32
      %swap3A_1397 = arith.index_cast %swap3A_1396 : i32 to index
      %swap3A_1398 = arith.constant 0 : index
      %swap3A_1399 = tpu.vector_load %arg11[%swap3A_1397, %swap3A_1398] {strides = array<i32>} : memref<16x128xf32, #tpu.memory_space<vmem>>, vector<16xf32>,
      tpu.vector_store %arg11[%swap3A_1397, %swap3A_1398], %gather3A_1395 {strides = array<i32>} : memref<16x128xf32, #tpu.memory_space<vmem>>, vector<16xf32>,
      %gather3A_1400 = tpu.vector_load_idx %arg9[%broadcast_in_dim3A_1394, %add3A_5, %broadcast_in_dim3A_1387] : memref<8x32x128xf32, #tpu.memory_space<vmem>>[vector<16xi32>, vector<16xi32>, vector<16xi32>], vector<16xf32>,
      %swap3A_1401 = arith.constant 8 : i32
      %swap3A_1402 = arith.index_cast %swap3A_1401 : i32 to index
      %swap3A_1403 = arith.constant 16 : index
      %swap3A_1404 = tpu.vector_load %arg11[%swap3A_1402, %swap3A_1403] {strides = array<i32>} : memref<16x128xf32, #tpu.memory_space<vmem>>, vector<16xf32>,
      tpu.vector_store %arg11[%swap3A_1402, %swap3A_1403], %gather3A_1400 {strides = array<i32>} : memref<16x128xf32, #tpu.memory_space<vmem>>, vector<16xf32>,
      %gather3A_1405 = tpu.vector_load_idx %arg10[%broadcast_in_dim3A_1394, %iota3A, %broadcast_in_dim3A_1392] : memref<8x32x128xf32, #tpu.memory_space<vmem>>[vector<16xi32>, vector<16xi32>, vector<16xi32>], vector<16xf32>,
      %swap3A_1406 = arith.constant 8 : i32
      %swap3A_1407 = arith.index_cast %swap3A_1406 : i32 to index
      %swap3A_1408 = arith.constant 0 : index
      %swap3A_1409 = tpu.vector_load %arg12[%swap3A_1407, %swap3A_1408] {strides = array<i32>} : memref<16x128xf32, #tpu.memory_space<vmem>>, vector<16xf32>,
      tpu.vector_store %arg12[%swap3A_1407, %swap3A_1408], %gather3A_1405 {strides = array<i32>} : memref<16x128xf32, #tpu.memory_space<vmem>>, vector<16xf32>,
      %gather3A_1410 = tpu.vector_load_idx %arg10[%broadcast_in_dim3A_1394, %add3A_5, %broadcast_in_dim3A_1392] : memref<8x32x128xf32, #tpu.memory_space<vmem>>[vector<16xi32>, vector<16xi32>, vector<16xi32>], vector<16xf32>,
      %swap3A_1411 = arith.constant 8 : i32
      %swap3A_1412 = arith.index_cast %swap3A_1411 : i32 to index
      %swap3A_1413 = arith.constant 16 : index
      %swap3A_1414 = tpu.vector_load %arg12[%swap3A_1412, %swap3A_1413] {strides = array<i32>} : memref<16x128xf32, #tpu.memory_space<vmem>>, vector<16xf32>,
      tpu.vector_store %arg12[%swap3A_1412, %swap3A_1413], %gather3A_1410 {strides = array<i32>} : memref<16x128xf32, #tpu.memory_space<vmem>>, vector<16xf32>,
      %slice3A_1415 = vector.extract_strided_slice %get3A_14 {offsets = [9], sizes = [1], strides = [1]} : vector<16xi32> to vector<1xi32>
      %squeeze3A_1416 = vector.extract %slice3A_1415[0] : i32 from vector<1xi32>
      %and3A_1417 = arith.constant 127 : i32
      %and3A_1418 = arith.andi %squeeze3A_1416, %and3A_1417 : i32
      %broadcast_in_dim3A_1419 = vector.broadcast %and3A_1418 : i32 to vector<16xi32>
      %slice3A_1420 = vector.extract_strided_slice %get3A_16 {offsets = [9], sizes = [1], strides = [1]} : vector<16xi32> to vector<1xi32>
      %squeeze3A_1421 = vector.extract %slice3A_1420[0] : i32 from vector<1xi32>
      %and3A_1422 = arith.constant 127 : i32
      %and3A_1423 = arith.andi %squeeze3A_1421, %and3A_1422 : i32
      %broadcast_in_dim3A_1424 = vector.broadcast %and3A_1423 : i32 to vector<16xi32>
      %broadcast_in_dim3A_1425 = arith.constant 1 : i32
      %broadcast_in_dim3A_1426 = vector.broadcast %broadcast_in_dim3A_1425 : i32 to vector<16xi32>
      %gather3A_1427 = tpu.vector_load_idx %arg9[%broadcast_in_dim3A_1426, %iota3A, %broadcast_in_dim3A_1419] : memref<8x32x128xf32, #tpu.memory_space<vmem>>[vector<16xi32>, vector<16xi32>, vector<16xi32>], vector<16xf32>,
      %swap3A_1428 = arith.constant 9 : i32
      %swap3A_1429 = arith.index_cast %swap3A_1428 : i32 to index
      %swap3A_1430 = arith.constant 0 : index
      %swap3A_1431 = tpu.vector_load %arg11[%swap3A_1429, %swap3A_1430] {strides = array<i32>} : memref<16x128xf32, #tpu.memory_space<vmem>>, vector<16xf32>,
      tpu.vector_store %arg11[%swap3A_1429, %swap3A_1430], %gather3A_1427 {strides = array<i32>} : memref<16x128xf32, #tpu.memory_space<vmem>>, vector<16xf32>,
      %gather3A_1432 = tpu.vector_load_idx %arg9[%broadcast_in_dim3A_1426, %add3A_5, %broadcast_in_dim3A_1419] : memref<8x32x128xf32, #tpu.memory_space<vmem>>[vector<16xi32>, vector<16xi32>, vector<16xi32>], vector<16xf32>,
      %swap3A_1433 = arith.constant 9 : i32
      %swap3A_1434 = arith.index_cast %swap3A_1433 : i32 to index
      %swap3A_1435 = arith.constant 16 : index
      %swap3A_1436 = tpu.vector_load %arg11[%swap3A_1434, %swap3A_1435] {strides = array<i32>} : memref<16x128xf32, #tpu.memory_space<vmem>>, vector<16xf32>,
      tpu.vector_store %arg11[%swap3A_1434, %swap3A_1435], %gather3A_1432 {strides = array<i32>} : memref<16x128xf32, #tpu.memory_space<vmem>>, vector<16xf32>,
      %gather3A_1437 = tpu.vector_load_idx %arg10[%broadcast_in_dim3A_1426, %iota3A, %broadcast_in_dim3A_1424] : memref<8x32x128xf32, #tpu.memory_space<vmem>>[vector<16xi32>, vector<16xi32>, vector<16xi32>], vector<16xf32>,
      %swap3A_1438 = arith.constant 9 : i32
      %swap3A_1439 = arith.index_cast %swap3A_1438 : i32 to index
      %swap3A_1440 = arith.constant 0 : index
      %swap3A_1441 = tpu.vector_load %arg12[%swap3A_1439, %swap3A_1440] {strides = array<i32>} : memref<16x128xf32, #tpu.memory_space<vmem>>, vector<16xf32>,
      tpu.vector_store %arg12[%swap3A_1439, %swap3A_1440], %gather3A_1437 {strides = array<i32>} : memref<16x128xf32, #tpu.memory_space<vmem>>, vector<16xf32>,
      %gather3A_1442 = tpu.vector_load_idx %arg10[%broadcast_in_dim3A_1426, %add3A_5, %broadcast_in_dim3A_1424] : memref<8x32x128xf32, #tpu.memory_space<vmem>>[vector<16xi32>, vector<16xi32>, vector<16xi32>], vector<16xf32>,
      %swap3A_1443 = arith.constant 9 : i32
      %swap3A_1444 = arith.index_cast %swap3A_1443 : i32 to index
      %swap3A_1445 = arith.constant 16 : index
      %swap3A_1446 = tpu.vector_load %arg12[%swap3A_1444, %swap3A_1445] {strides = array<i32>} : memref<16x128xf32, #tpu.memory_space<vmem>>, vector<16xf32>,
      tpu.vector_store %arg12[%swap3A_1444, %swap3A_1445], %gather3A_1442 {strides = array<i32>} : memref<16x128xf32, #tpu.memory_space<vmem>>, vector<16xf32>,
      %slice3A_1447 = vector.extract_strided_slice %get3A_14 {offsets = [10], sizes = [1], strides = [1]} : vector<16xi32> to vector<1xi32>
      %squeeze3A_1448 = vector.extract %slice3A_1447[0] : i32 from vector<1xi32>
      %and3A_1449 = arith.constant 127 : i32
      %and3A_1450 = arith.andi %squeeze3A_1448, %and3A_1449 : i32
      %broadcast_in_dim3A_1451 = vector.broadcast %and3A_1450 : i32 to vector<16xi32>
      %slice3A_1452 = vector.extract_strided_slice %get3A_16 {offsets = [10], sizes = [1], strides = [1]} : vector<16xi32> to vector<1xi32>
      %squeeze3A_1453 = vector.extract %slice3A_1452[0] : i32 from vector<1xi32>
      %and3A_1454 = arith.constant 127 : i32
      %and3A_1455 = arith.andi %squeeze3A_1453, %and3A_1454 : i32
      %broadcast_in_dim3A_1456 = vector.broadcast %and3A_1455 : i32 to vector<16xi32>
      %broadcast_in_dim3A_1457 = arith.constant 2 : i32
      %broadcast_in_dim3A_1458 = vector.broadcast %broadcast_in_dim3A_1457 : i32 to vector<16xi32>
      %gather3A_1459 = tpu.vector_load_idx %arg9[%broadcast_in_dim3A_1458, %iota3A, %broadcast_in_dim3A_1451] : memref<8x32x128xf32, #tpu.memory_space<vmem>>[vector<16xi32>, vector<16xi32>, vector<16xi32>], vector<16xf32>,
      %swap3A_1460 = arith.constant 10 : i32
      %swap3A_1461 = arith.index_cast %swap3A_1460 : i32 to index
      %swap3A_1462 = arith.constant 0 : index
      %swap3A_1463 = tpu.vector_load %arg11[%swap3A_1461, %swap3A_1462] {strides = array<i32>} : memref<16x128xf32, #tpu.memory_space<vmem>>, vector<16xf32>,
      tpu.vector_store %arg11[%swap3A_1461, %swap3A_1462], %gather3A_1459 {strides = array<i32>} : memref<16x128xf32, #tpu.memory_space<vmem>>, vector<16xf32>,
      %gather3A_1464 = tpu.vector_load_idx %arg9[%broadcast_in_dim3A_1458, %add3A_5, %broadcast_in_dim3A_1451] : memref<8x32x128xf32, #tpu.memory_space<vmem>>[vector<16xi32>, vector<16xi32>, vector<16xi32>], vector<16xf32>,
      %swap3A_1465 = arith.constant 10 : i32
      %swap3A_1466 = arith.index_cast %swap3A_1465 : i32 to index
      %swap3A_1467 = arith.constant 16 : index
      %swap3A_1468 = tpu.vector_load %arg11[%swap3A_1466, %swap3A_1467] {strides = array<i32>} : memref<16x128xf32, #tpu.memory_space<vmem>>, vector<16xf32>,
      tpu.vector_store %arg11[%swap3A_1466, %swap3A_1467], %gather3A_1464 {strides = array<i32>} : memref<16x128xf32, #tpu.memory_space<vmem>>, vector<16xf32>,
      %gather3A_1469 = tpu.vector_load_idx %arg10[%broadcast_in_dim3A_1458, %iota3A, %broadcast_in_dim3A_1456] : memref<8x32x128xf32, #tpu.memory_space<vmem>>[vector<16xi32>, vector<16xi32>, vector<16xi32>], vector<16xf32>,
      %swap3A_1470 = arith.constant 10 : i32
      %swap3A_1471 = arith.index_cast %swap3A_1470 : i32 to index
      %swap3A_1472 = arith.constant 0 : index
      %swap3A_1473 = tpu.vector_load %arg12[%swap3A_1471, %swap3A_1472] {strides = array<i32>} : memref<16x128xf32, #tpu.memory_space<vmem>>, vector<16xf32>,
      tpu.vector_store %arg12[%swap3A_1471, %swap3A_1472], %gather3A_1469 {strides = array<i32>} : memref<16x128xf32, #tpu.memory_space<vmem>>, vector<16xf32>,
      %gather3A_1474 = tpu.vector_load_idx %arg10[%broadcast_in_dim3A_1458, %add3A_5, %broadcast_in_dim3A_1456] : memref<8x32x128xf32, #tpu.memory_space<vmem>>[vector<16xi32>, vector<16xi32>, vector<16xi32>], vector<16xf32>,
      %swap3A_1475 = arith.constant 10 : i32
      %swap3A_1476 = arith.index_cast %swap3A_1475 : i32 to index
      %swap3A_1477 = arith.constant 16 : index
      %swap3A_1478 = tpu.vector_load %arg12[%swap3A_1476, %swap3A_1477] {strides = array<i32>} : memref<16x128xf32, #tpu.memory_space<vmem>>, vector<16xf32>,
      tpu.vector_store %arg12[%swap3A_1476, %swap3A_1477], %gather3A_1474 {strides = array<i32>} : memref<16x128xf32, #tpu.memory_space<vmem>>, vector<16xf32>,
      %slice3A_1479 = vector.extract_strided_slice %get3A_14 {offsets = [11], sizes = [1], strides = [1]} : vector<16xi32> to vector<1xi32>
      %squeeze3A_1480 = vector.extract %slice3A_1479[0] : i32 from vector<1xi32>
      %and3A_1481 = arith.constant 127 : i32
      %and3A_1482 = arith.andi %squeeze3A_1480, %and3A_1481 : i32
      %broadcast_in_dim3A_1483 = vector.broadcast %and3A_1482 : i32 to vector<16xi32>
      %slice3A_1484 = vector.extract_strided_slice %get3A_16 {offsets = [11], sizes = [1], strides = [1]} : vector<16xi32> to vector<1xi32>
      %squeeze3A_1485 = vector.extract %slice3A_1484[0] : i32 from vector<1xi32>
      %and3A_1486 = arith.constant 127 : i32
      %and3A_1487 = arith.andi %squeeze3A_1485, %and3A_1486 : i32
      %broadcast_in_dim3A_1488 = vector.broadcast %and3A_1487 : i32 to vector<16xi32>
      %broadcast_in_dim3A_1489 = arith.constant 3 : i32
      %broadcast_in_dim3A_1490 = vector.broadcast %broadcast_in_dim3A_1489 : i32 to vector<16xi32>
      %gather3A_1491 = tpu.vector_load_idx %arg9[%broadcast_in_dim3A_1490, %iota3A, %broadcast_in_dim3A_1483] : memref<8x32x128xf32, #tpu.memory_space<vmem>>[vector<16xi32>, vector<16xi32>, vector<16xi32>], vector<16xf32>,
      %swap3A_1492 = arith.constant 11 : i32
      %swap3A_1493 = arith.index_cast %swap3A_1492 : i32 to index
      %swap3A_1494 = arith.constant 0 : index
      %swap3A_1495 = tpu.vector_load %arg11[%swap3A_1493, %swap3A_1494] {strides = array<i32>} : memref<16x128xf32, #tpu.memory_space<vmem>>, vector<16xf32>,
      tpu.vector_store %arg11[%swap3A_1493, %swap3A_1494], %gather3A_1491 {strides = array<i32>} : memref<16x128xf32, #tpu.memory_space<vmem>>, vector<16xf32>,
      %gather3A_1496 = tpu.vector_load_idx %arg9[%broadcast_in_dim3A_1490, %add3A_5, %broadcast_in_dim3A_1483] : memref<8x32x128xf32, #tpu.memory_space<vmem>>[vector<16xi32>, vector<16xi32>, vector<16xi32>], vector<16xf32>,
      %swap3A_1497 = arith.constant 11 : i32
      %swap3A_1498 = arith.index_cast %swap3A_1497 : i32 to index
      %swap3A_1499 = arith.constant 16 : index
      %swap3A_1500 = tpu.vector_load %arg11[%swap3A_1498, %swap3A_1499] {strides = array<i32>} : memref<16x128xf32, #tpu.memory_space<vmem>>, vector<16xf32>,
      tpu.vector_store %arg11[%swap3A_1498, %swap3A_1499], %gather3A_1496 {strides = array<i32>} : memref<16x128xf32, #tpu.memory_space<vmem>>, vector<16xf32>,
      %gather3A_1501 = tpu.vector_load_idx %arg10[%broadcast_in_dim3A_1490, %iota3A, %broadcast_in_dim3A_1488] : memref<8x32x128xf32, #tpu.memory_space<vmem>>[vector<16xi32>, vector<16xi32>, vector<16xi32>], vector<16xf32>,
      %swap3A_1502 = arith.constant 11 : i32
      %swap3A_1503 = arith.index_cast %swap3A_1502 : i32 to index
      %swap3A_1504 = arith.constant 0 : index
      %swap3A_1505 = tpu.vector_load %arg12[%swap3A_1503, %swap3A_1504] {strides = array<i32>} : memref<16x128xf32, #tpu.memory_space<vmem>>, vector<16xf32>,
      tpu.vector_store %arg12[%swap3A_1503, %swap3A_1504], %gather3A_1501 {strides = array<i32>} : memref<16x128xf32, #tpu.memory_space<vmem>>, vector<16xf32>,
      %gather3A_1506 = tpu.vector_load_idx %arg10[%broadcast_in_dim3A_1490, %add3A_5, %broadcast_in_dim3A_1488] : memref<8x32x128xf32, #tpu.memory_space<vmem>>[vector<16xi32>, vector<16xi32>, vector<16xi32>], vector<16xf32>,
      %swap3A_1507 = arith.constant 11 : i32
      %swap3A_1508 = arith.index_cast %swap3A_1507 : i32 to index
      %swap3A_1509 = arith.constant 16 : index
      %swap3A_1510 = tpu.vector_load %arg12[%swap3A_1508, %swap3A_1509] {strides = array<i32>} : memref<16x128xf32, #tpu.memory_space<vmem>>, vector<16xf32>,
      tpu.vector_store %arg12[%swap3A_1508, %swap3A_1509], %gather3A_1506 {strides = array<i32>} : memref<16x128xf32, #tpu.memory_space<vmem>>, vector<16xf32>,
      %slice3A_1511 = vector.extract_strided_slice %get3A_14 {offsets = [12], sizes = [1], strides = [1]} : vector<16xi32> to vector<1xi32>
      %squeeze3A_1512 = vector.extract %slice3A_1511[0] : i32 from vector<1xi32>
      %and3A_1513 = arith.constant 127 : i32
      %and3A_1514 = arith.andi %squeeze3A_1512, %and3A_1513 : i32
      %broadcast_in_dim3A_1515 = vector.broadcast %and3A_1514 : i32 to vector<16xi32>
      %slice3A_1516 = vector.extract_strided_slice %get3A_16 {offsets = [12], sizes = [1], strides = [1]} : vector<16xi32> to vector<1xi32>
      %squeeze3A_1517 = vector.extract %slice3A_1516[0] : i32 from vector<1xi32>
      %and3A_1518 = arith.constant 127 : i32
      %and3A_1519 = arith.andi %squeeze3A_1517, %and3A_1518 : i32
      %broadcast_in_dim3A_1520 = vector.broadcast %and3A_1519 : i32 to vector<16xi32>
      %broadcast_in_dim3A_1521 = arith.constant 4 : i32
      %broadcast_in_dim3A_1522 = vector.broadcast %broadcast_in_dim3A_1521 : i32 to vector<16xi32>
      %gather3A_1523 = tpu.vector_load_idx %arg9[%broadcast_in_dim3A_1522, %iota3A, %broadcast_in_dim3A_1515] : memref<8x32x128xf32, #tpu.memory_space<vmem>>[vector<16xi32>, vector<16xi32>, vector<16xi32>], vector<16xf32>,
      %swap3A_1524 = arith.constant 12 : i32
      %swap3A_1525 = arith.index_cast %swap3A_1524 : i32 to index
      %swap3A_1526 = arith.constant 0 : index
      %swap3A_1527 = tpu.vector_load %arg11[%swap3A_1525, %swap3A_1526] {strides = array<i32>} : memref<16x128xf32, #tpu.memory_space<vmem>>, vector<16xf32>,
      tpu.vector_store %arg11[%swap3A_1525, %swap3A_1526], %gather3A_1523 {strides = array<i32>} : memref<16x128xf32, #tpu.memory_space<vmem>>, vector<16xf32>,
      %gather3A_1528 = tpu.vector_load_idx %arg9[%broadcast_in_dim3A_1522, %add3A_5, %broadcast_in_dim3A_1515] : memref<8x32x128xf32, #tpu.memory_space<vmem>>[vector<16xi32>, vector<16xi32>, vector<16xi32>], vector<16xf32>,
      %swap3A_1529 = arith.constant 12 : i32
      %swap3A_1530 = arith.index_cast %swap3A_1529 : i32 to index
      %swap3A_1531 = arith.constant 16 : index
      %swap3A_1532 = tpu.vector_load %arg11[%swap3A_1530, %swap3A_1531] {strides = array<i32>} : memref<16x128xf32, #tpu.memory_space<vmem>>, vector<16xf32>,
      tpu.vector_store %arg11[%swap3A_1530, %swap3A_1531], %gather3A_1528 {strides = array<i32>} : memref<16x128xf32, #tpu.memory_space<vmem>>, vector<16xf32>,
      %gather3A_1533 = tpu.vector_load_idx %arg10[%broadcast_in_dim3A_1522, %iota3A, %broadcast_in_dim3A_1520] : memref<8x32x128xf32, #tpu.memory_space<vmem>>[vector<16xi32>, vector<16xi32>, vector<16xi32>], vector<16xf32>,
      %swap3A_1534 = arith.constant 12 : i32
      %swap3A_1535 = arith.index_cast %swap3A_1534 : i32 to index
      %swap3A_1536 = arith.constant 0 : index
      %swap3A_1537 = tpu.vector_load %arg12[%swap3A_1535, %swap3A_1536] {strides = array<i32>} : memref<16x128xf32, #tpu.memory_space<vmem>>, vector<16xf32>,
      tpu.vector_store %arg12[%swap3A_1535, %swap3A_1536], %gather3A_1533 {strides = array<i32>} : memref<16x128xf32, #tpu.memory_space<vmem>>, vector<16xf32>,
      %gather3A_1538 = tpu.vector_load_idx %arg10[%broadcast_in_dim3A_1522, %add3A_5, %broadcast_in_dim3A_1520] : memref<8x32x128xf32, #tpu.memory_space<vmem>>[vector<16xi32>, vector<16xi32>, vector<16xi32>], vector<16xf32>,
      %swap3A_1539 = arith.constant 12 : i32
      %swap3A_1540 = arith.index_cast %swap3A_1539 : i32 to index
      %swap3A_1541 = arith.constant 16 : index
      %swap3A_1542 = tpu.vector_load %arg12[%swap3A_1540, %swap3A_1541] {strides = array<i32>} : memref<16x128xf32, #tpu.memory_space<vmem>>, vector<16xf32>,
      tpu.vector_store %arg12[%swap3A_1540, %swap3A_1541], %gather3A_1538 {strides = array<i32>} : memref<16x128xf32, #tpu.memory_space<vmem>>, vector<16xf32>,
      %slice3A_1543 = vector.extract_strided_slice %get3A_14 {offsets = [13], sizes = [1], strides = [1]} : vector<16xi32> to vector<1xi32>
      %squeeze3A_1544 = vector.extract %slice3A_1543[0] : i32 from vector<1xi32>
      %and3A_1545 = arith.constant 127 : i32
      %and3A_1546 = arith.andi %squeeze3A_1544, %and3A_1545 : i32
      %broadcast_in_dim3A_1547 = vector.broadcast %and3A_1546 : i32 to vector<16xi32>
      %slice3A_1548 = vector.extract_strided_slice %get3A_16 {offsets = [13], sizes = [1], strides = [1]} : vector<16xi32> to vector<1xi32>
      %squeeze3A_1549 = vector.extract %slice3A_1548[0] : i32 from vector<1xi32>
      %and3A_1550 = arith.constant 127 : i32
      %and3A_1551 = arith.andi %squeeze3A_1549, %and3A_1550 : i32
      %broadcast_in_dim3A_1552 = vector.broadcast %and3A_1551 : i32 to vector<16xi32>
      %broadcast_in_dim3A_1553 = arith.constant 5 : i32
      %broadcast_in_dim3A_1554 = vector.broadcast %broadcast_in_dim3A_1553 : i32 to vector<16xi32>
      %gather3A_1555 = tpu.vector_load_idx %arg9[%broadcast_in_dim3A_1554, %iota3A, %broadcast_in_dim3A_1547] : memref<8x32x128xf32, #tpu.memory_space<vmem>>[vector<16xi32>, vector<16xi32>, vector<16xi32>], vector<16xf32>,
      %swap3A_1556 = arith.constant 13 : i32
      %swap3A_1557 = arith.index_cast %swap3A_1556 : i32 to index
      %swap3A_1558 = arith.constant 0 : index
      %swap3A_1559 = tpu.vector_load %arg11[%swap3A_1557, %swap3A_1558] {strides = array<i32>} : memref<16x128xf32, #tpu.memory_space<vmem>>, vector<16xf32>,
      tpu.vector_store %arg11[%swap3A_1557, %swap3A_1558], %gather3A_1555 {strides = array<i32>} : memref<16x128xf32, #tpu.memory_space<vmem>>, vector<16xf32>,
      %gather3A_1560 = tpu.vector_load_idx %arg9[%broadcast_in_dim3A_1554, %add3A_5, %broadcast_in_dim3A_1547] : memref<8x32x128xf32, #tpu.memory_space<vmem>>[vector<16xi32>, vector<16xi32>, vector<16xi32>], vector<16xf32>,
      %swap3A_1561 = arith.constant 13 : i32
      %swap3A_1562 = arith.index_cast %swap3A_1561 : i32 to index
      %swap3A_1563 = arith.constant 16 : index
      %swap3A_1564 = tpu.vector_load %arg11[%swap3A_1562, %swap3A_1563] {strides = array<i32>} : memref<16x128xf32, #tpu.memory_space<vmem>>, vector<16xf32>,
      tpu.vector_store %arg11[%swap3A_1562, %swap3A_1563], %gather3A_1560 {strides = array<i32>} : memref<16x128xf32, #tpu.memory_space<vmem>>, vector<16xf32>,
      %gather3A_1565 = tpu.vector_load_idx %arg10[%broadcast_in_dim3A_1554, %iota3A, %broadcast_in_dim3A_1552] : memref<8x32x128xf32, #tpu.memory_space<vmem>>[vector<16xi32>, vector<16xi32>, vector<16xi32>], vector<16xf32>,
      %swap3A_1566 = arith.constant 13 : i32
      %swap3A_1567 = arith.index_cast %swap3A_1566 : i32 to index
      %swap3A_1568 = arith.constant 0 : index
      %swap3A_1569 = tpu.vector_load %arg12[%swap3A_1567, %swap3A_1568] {strides = array<i32>} : memref<16x128xf32, #tpu.memory_space<vmem>>, vector<16xf32>,
      tpu.vector_store %arg12[%swap3A_1567, %swap3A_1568], %gather3A_1565 {strides = array<i32>} : memref<16x128xf32, #tpu.memory_space<vmem>>, vector<16xf32>,
      %gather3A_1570 = tpu.vector_load_idx %arg10[%broadcast_in_dim3A_1554, %add3A_5, %broadcast_in_dim3A_1552] : memref<8x32x128xf32, #tpu.memory_space<vmem>>[vector<16xi32>, vector<16xi32>, vector<16xi32>], vector<16xf32>,
      %swap3A_1571 = arith.constant 13 : i32
      %swap3A_1572 = arith.index_cast %swap3A_1571 : i32 to index
      %swap3A_1573 = arith.constant 16 : index
      %swap3A_1574 = tpu.vector_load %arg12[%swap3A_1572, %swap3A_1573] {strides = array<i32>} : memref<16x128xf32, #tpu.memory_space<vmem>>, vector<16xf32>,
      tpu.vector_store %arg12[%swap3A_1572, %swap3A_1573], %gather3A_1570 {strides = array<i32>} : memref<16x128xf32, #tpu.memory_space<vmem>>, vector<16xf32>,
      %slice3A_1575 = vector.extract_strided_slice %get3A_14 {offsets = [14], sizes = [1], strides = [1]} : vector<16xi32> to vector<1xi32>
      %squeeze3A_1576 = vector.extract %slice3A_1575[0] : i32 from vector<1xi32>
      %and3A_1577 = arith.constant 127 : i32
      %and3A_1578 = arith.andi %squeeze3A_1576, %and3A_1577 : i32
      %broadcast_in_dim3A_1579 = vector.broadcast %and3A_1578 : i32 to vector<16xi32>
      %slice3A_1580 = vector.extract_strided_slice %get3A_16 {offsets = [14], sizes = [1], strides = [1]} : vector<16xi32> to vector<1xi32>
      %squeeze3A_1581 = vector.extract %slice3A_1580[0] : i32 from vector<1xi32>
      %and3A_1582 = arith.constant 127 : i32
      %and3A_1583 = arith.andi %squeeze3A_1581, %and3A_1582 : i32
      %broadcast_in_dim3A_1584 = vector.broadcast %and3A_1583 : i32 to vector<16xi32>
      %broadcast_in_dim3A_1585 = arith.constant 6 : i32
      %broadcast_in_dim3A_1586 = vector.broadcast %broadcast_in_dim3A_1585 : i32 to vector<16xi32>
      %gather3A_1587 = tpu.vector_load_idx %arg9[%broadcast_in_dim3A_1586, %iota3A, %broadcast_in_dim3A_1579] : memref<8x32x128xf32, #tpu.memory_space<vmem>>[vector<16xi32>, vector<16xi32>, vector<16xi32>], vector<16xf32>,
      %swap3A_1588 = arith.constant 14 : i32
      %swap3A_1589 = arith.index_cast %swap3A_1588 : i32 to index
      %swap3A_1590 = arith.constant 0 : index
      %swap3A_1591 = tpu.vector_load %arg11[%swap3A_1589, %swap3A_1590] {strides = array<i32>} : memref<16x128xf32, #tpu.memory_space<vmem>>, vector<16xf32>,
      tpu.vector_store %arg11[%swap3A_1589, %swap3A_1590], %gather3A_1587 {strides = array<i32>} : memref<16x128xf32, #tpu.memory_space<vmem>>, vector<16xf32>,
      %gather3A_1592 = tpu.vector_load_idx %arg9[%broadcast_in_dim3A_1586, %add3A_5, %broadcast_in_dim3A_1579] : memref<8x32x128xf32, #tpu.memory_space<vmem>>[vector<16xi32>, vector<16xi32>, vector<16xi32>], vector<16xf32>,
      %swap3A_1593 = arith.constant 14 : i32
      %swap3A_1594 = arith.index_cast %swap3A_1593 : i32 to index
      %swap3A_1595 = arith.constant 16 : index
      %swap3A_1596 = tpu.vector_load %arg11[%swap3A_1594, %swap3A_1595] {strides = array<i32>} : memref<16x128xf32, #tpu.memory_space<vmem>>, vector<16xf32>,
      tpu.vector_store %arg11[%swap3A_1594, %swap3A_1595], %gather3A_1592 {strides = array<i32>} : memref<16x128xf32, #tpu.memory_space<vmem>>, vector<16xf32>,
      %gather3A_1597 = tpu.vector_load_idx %arg10[%broadcast_in_dim3A_1586, %iota3A, %broadcast_in_dim3A_1584] : memref<8x32x128xf32, #tpu.memory_space<vmem>>[vector<16xi32>, vector<16xi32>, vector<16xi32>], vector<16xf32>,
      %swap3A_1598 = arith.constant 14 : i32
      %swap3A_1599 = arith.index_cast %swap3A_1598 : i32 to index
      %swap3A_1600 = arith.constant 0 : index
      %swap3A_1601 = tpu.vector_load %arg12[%swap3A_1599, %swap3A_1600] {strides = array<i32>} : memref<16x128xf32, #tpu.memory_space<vmem>>, vector<16xf32>,
      tpu.vector_store %arg12[%swap3A_1599, %swap3A_1600], %gather3A_1597 {strides = array<i32>} : memref<16x128xf32, #tpu.memory_space<vmem>>, vector<16xf32>,
      %gather3A_1602 = tpu.vector_load_idx %arg10[%broadcast_in_dim3A_1586, %add3A_5, %broadcast_in_dim3A_1584] : memref<8x32x128xf32, #tpu.memory_space<vmem>>[vector<16xi32>, vector<16xi32>, vector<16xi32>], vector<16xf32>,
      %swap3A_1603 = arith.constant 14 : i32
      %swap3A_1604 = arith.index_cast %swap3A_1603 : i32 to index
      %swap3A_1605 = arith.constant 16 : index
      %swap3A_1606 = tpu.vector_load %arg12[%swap3A_1604, %swap3A_1605] {strides = array<i32>} : memref<16x128xf32, #tpu.memory_space<vmem>>, vector<16xf32>,
      tpu.vector_store %arg12[%swap3A_1604, %swap3A_1605], %gather3A_1602 {strides = array<i32>} : memref<16x128xf32, #tpu.memory_space<vmem>>, vector<16xf32>,
      %slice3A_1607 = vector.extract_strided_slice %get3A_14 {offsets = [15], sizes = [1], strides = [1]} : vector<16xi32> to vector<1xi32>
      %squeeze3A_1608 = vector.extract %slice3A_1607[0] : i32 from vector<1xi32>
      %and3A_1609 = arith.constant 127 : i32
      %and3A_1610 = arith.andi %squeeze3A_1608, %and3A_1609 : i32
      %broadcast_in_dim3A_1611 = vector.broadcast %and3A_1610 : i32 to vector<16xi32>
      %slice3A_1612 = vector.extract_strided_slice %get3A_16 {offsets = [15], sizes = [1], strides = [1]} : vector<16xi32> to vector<1xi32>
      %squeeze3A_1613 = vector.extract %slice3A_1612[0] : i32 from vector<1xi32>
      %and3A_1614 = arith.constant 127 : i32
      %and3A_1615 = arith.andi %squeeze3A_1613, %and3A_1614 : i32
      %broadcast_in_dim3A_1616 = vector.broadcast %and3A_1615 : i32 to vector<16xi32>
      %broadcast_in_dim3A_1617 = arith.constant 7 : i32
      %broadcast_in_dim3A_1618 = vector.broadcast %broadcast_in_dim3A_1617 : i32 to vector<16xi32>
      %gather3A_1619 = tpu.vector_load_idx %arg9[%broadcast_in_dim3A_1618, %iota3A, %broadcast_in_dim3A_1611] : memref<8x32x128xf32, #tpu.memory_space<vmem>>[vector<16xi32>, vector<16xi32>, vector<16xi32>], vector<16xf32>,
      %swap3A_1620 = arith.constant 15 : i32
      %swap3A_1621 = arith.index_cast %swap3A_1620 : i32 to index
      %swap3A_1622 = arith.constant 0 : index
      %swap3A_1623 = tpu.vector_load %arg11[%swap3A_1621, %swap3A_1622] {strides = array<i32>} : memref<16x128xf32, #tpu.memory_space<vmem>>, vector<16xf32>,
      tpu.vector_store %arg11[%swap3A_1621, %swap3A_1622], %gather3A_1619 {strides = array<i32>} : memref<16x128xf32, #tpu.memory_space<vmem>>, vector<16xf32>,
      %gather3A_1624 = tpu.vector_load_idx %arg9[%broadcast_in_dim3A_1618, %add3A_5, %broadcast_in_dim3A_1611] : memref<8x32x128xf32, #tpu.memory_space<vmem>>[vector<16xi32>, vector<16xi32>, vector<16xi32>], vector<16xf32>,
      %swap3A_1625 = arith.constant 15 : i32
      %swap3A_1626 = arith.index_cast %swap3A_1625 : i32 to index
      %swap3A_1627 = arith.constant 16 : index
      %swap3A_1628 = tpu.vector_load %arg11[%swap3A_1626, %swap3A_1627] {strides = array<i32>} : memref<16x128xf32, #tpu.memory_space<vmem>>, vector<16xf32>,
      tpu.vector_store %arg11[%swap3A_1626, %swap3A_1627], %gather3A_1624 {strides = array<i32>} : memref<16x128xf32, #tpu.memory_space<vmem>>, vector<16xf32>,
      %gather3A_1629 = tpu.vector_load_idx %arg10[%broadcast_in_dim3A_1618, %iota3A, %broadcast_in_dim3A_1616] : memref<8x32x128xf32, #tpu.memory_space<vmem>>[vector<16xi32>, vector<16xi32>, vector<16xi32>], vector<16xf32>,
      %swap3A_1630 = arith.constant 15 : i32
      %swap3A_1631 = arith.index_cast %swap3A_1630 : i32 to index
      %swap3A_1632 = arith.constant 0 : index
      %swap3A_1633 = tpu.vector_load %arg12[%swap3A_1631, %swap3A_1632] {strides = array<i32>} : memref<16x128xf32, #tpu.memory_space<vmem>>, vector<16xf32>,
      tpu.vector_store %arg12[%swap3A_1631, %swap3A_1632], %gather3A_1629 {strides = array<i32>} : memref<16x128xf32, #tpu.memory_space<vmem>>, vector<16xf32>,
      %gather3A_1634 = tpu.vector_load_idx %arg10[%broadcast_in_dim3A_1618, %add3A_5, %broadcast_in_dim3A_1616] : memref<8x32x128xf32, #tpu.memory_space<vmem>>[vector<16xi32>, vector<16xi32>, vector<16xi32>], vector<16xf32>,
      %swap3A_1635 = arith.constant 15 : i32
      %swap3A_1636 = arith.index_cast %swap3A_1635 : i32 to index
      %swap3A_1637 = arith.constant 16 : index
      %swap3A_1638 = tpu.vector_load %arg12[%swap3A_1636, %swap3A_1637] {strides = array<i32>} : memref<16x128xf32, #tpu.memory_space<vmem>>, vector<16xf32>,
      tpu.vector_store %arg12[%swap3A_1636, %swap3A_1637], %gather3A_1634 {strides = array<i32>} : memref<16x128xf32, #tpu.memory_space<vmem>>, vector<16xf32>,
      %broadcast_in_dim3A_1639 = arith.constant 0.000000e+00 : f32
      %broadcast_in_dim3A_1640 = vector.broadcast %broadcast_in_dim3A_1639 : f32 to vector<16xf32>
      %broadcast_in_dim3A_1641 = arith.constant 0 : i32
      %broadcast_in_dim3A_1642 = vector.broadcast %broadcast_in_dim3A_1641 : i32 to vector<16xi32>
      %gather3A_1643 = tpu.vector_load_idx %arg11[%iota3A, %broadcast_in_dim3A_1642] : memref<16x128xf32, #tpu.memory_space<vmem>>[vector<16xi32>, vector<16xi32>], vector<16xf32>,
      %gather3A_1644 = tpu.vector_load_idx %arg12[%iota3A, %broadcast_in_dim3A_1642] : memref<16x128xf32, #tpu.memory_space<vmem>>[vector<16xi32>, vector<16xi32>], vector<16xf32>,
      %mul3A_1645 = arith.mulf %gather3A_1643, %gather3A_1644 : vector<16xf32>
      %add3A_1646 = arith.addf %broadcast_in_dim3A_1640, %mul3A_1645 : vector<16xf32>
      %broadcast_in_dim3A_1647 = arith.constant 1 : i32
      %broadcast_in_dim3A_1648 = vector.broadcast %broadcast_in_dim3A_1647 : i32 to vector<16xi32>
      %gather3A_1649 = tpu.vector_load_idx %arg11[%iota3A, %broadcast_in_dim3A_1648] : memref<16x128xf32, #tpu.memory_space<vmem>>[vector<16xi32>, vector<16xi32>], vector<16xf32>,
      %gather3A_1650 = tpu.vector_load_idx %arg12[%iota3A, %broadcast_in_dim3A_1648] : memref<16x128xf32, #tpu.memory_space<vmem>>[vector<16xi32>, vector<16xi32>], vector<16xf32>,
      %mul3A_1651 = arith.mulf %gather3A_1649, %gather3A_1650 : vector<16xf32>
      %add3A_1652 = arith.addf %add3A_1646, %mul3A_1651 : vector<16xf32>
      %broadcast_in_dim3A_1653 = arith.constant 2 : i32
      %broadcast_in_dim3A_1654 = vector.broadcast %broadcast_in_dim3A_1653 : i32 to vector<16xi32>
      %gather3A_1655 = tpu.vector_load_idx %arg11[%iota3A, %broadcast_in_dim3A_1654] : memref<16x128xf32, #tpu.memory_space<vmem>>[vector<16xi32>, vector<16xi32>], vector<16xf32>,
      %gather3A_1656 = tpu.vector_load_idx %arg12[%iota3A, %broadcast_in_dim3A_1654] : memref<16x128xf32, #tpu.memory_space<vmem>>[vector<16xi32>, vector<16xi32>], vector<16xf32>,
      %mul3A_1657 = arith.mulf %gather3A_1655, %gather3A_1656 : vector<16xf32>
      %add3A_1658 = arith.addf %add3A_1652, %mul3A_1657 : vector<16xf32>
      %broadcast_in_dim3A_1659 = arith.constant 3 : i32
      %broadcast_in_dim3A_1660 = vector.broadcast %broadcast_in_dim3A_1659 : i32 to vector<16xi32>
      %gather3A_1661 = tpu.vector_load_idx %arg11[%iota3A, %broadcast_in_dim3A_1660] : memref<16x128xf32, #tpu.memory_space<vmem>>[vector<16xi32>, vector<16xi32>], vector<16xf32>,
      %gather3A_1662 = tpu.vector_load_idx %arg12[%iota3A, %broadcast_in_dim3A_1660] : memref<16x128xf32, #tpu.memory_space<vmem>>[vector<16xi32>, vector<16xi32>], vector<16xf32>,
      %mul3A_1663 = arith.mulf %gather3A_1661, %gather3A_1662 : vector<16xf32>
      %add3A_1664 = arith.addf %add3A_1658, %mul3A_1663 : vector<16xf32>
      %broadcast_in_dim3A_1665 = arith.constant 4 : i32
      %broadcast_in_dim3A_1666 = vector.broadcast %broadcast_in_dim3A_1665 : i32 to vector<16xi32>
      %gather3A_1667 = tpu.vector_load_idx %arg11[%iota3A, %broadcast_in_dim3A_1666] : memref<16x128xf32, #tpu.memory_space<vmem>>[vector<16xi32>, vector<16xi32>], vector<16xf32>,
      %gather3A_1668 = tpu.vector_load_idx %arg12[%iota3A, %broadcast_in_dim3A_1666] : memref<16x128xf32, #tpu.memory_space<vmem>>[vector<16xi32>, vector<16xi32>], vector<16xf32>,
      %mul3A_1669 = arith.mulf %gather3A_1667, %gather3A_1668 : vector<16xf32>
      %add3A_1670 = arith.addf %add3A_1664, %mul3A_1669 : vector<16xf32>
      %broadcast_in_dim3A_1671 = arith.constant 5 : i32
      %broadcast_in_dim3A_1672 = vector.broadcast %broadcast_in_dim3A_1671 : i32 to vector<16xi32>
      %gather3A_1673 = tpu.vector_load_idx %arg11[%iota3A, %broadcast_in_dim3A_1672] : memref<16x128xf32, #tpu.memory_space<vmem>>[vector<16xi32>, vector<16xi32>], vector<16xf32>,
      %gather3A_1674 = tpu.vector_load_idx %arg12[%iota3A, %broadcast_in_dim3A_1672] : memref<16x128xf32, #tpu.memory_space<vmem>>[vector<16xi32>, vector<16xi32>], vector<16xf32>,
      %mul3A_1675 = arith.mulf %gather3A_1673, %gather3A_1674 : vector<16xf32>
      %add3A_1676 = arith.addf %add3A_1670, %mul3A_1675 : vector<16xf32>
      %broadcast_in_dim3A_1677 = arith.constant 6 : i32
      %broadcast_in_dim3A_1678 = vector.broadcast %broadcast_in_dim3A_1677 : i32 to vector<16xi32>
      %gather3A_1679 = tpu.vector_load_idx %arg11[%iota3A, %broadcast_in_dim3A_1678] : memref<16x128xf32, #tpu.memory_space<vmem>>[vector<16xi32>, vector<16xi32>], vector<16xf32>,
      %gather3A_1680 = tpu.vector_load_idx %arg12[%iota3A, %broadcast_in_dim3A_1678] : memref<16x128xf32, #tpu.memory_space<vmem>>[vector<16xi32>, vector<16xi32>], vector<16xf32>,
      %mul3A_1681 = arith.mulf %gather3A_1679, %gather3A_1680 : vector<16xf32>
      %add3A_1682 = arith.addf %add3A_1676, %mul3A_1681 : vector<16xf32>
      %broadcast_in_dim3A_1683 = arith.constant 7 : i32
      %broadcast_in_dim3A_1684 = vector.broadcast %broadcast_in_dim3A_1683 : i32 to vector<16xi32>
      %gather3A_1685 = tpu.vector_load_idx %arg11[%iota3A, %broadcast_in_dim3A_1684] : memref<16x128xf32, #tpu.memory_space<vmem>>[vector<16xi32>, vector<16xi32>], vector<16xf32>,
      %gather3A_1686 = tpu.vector_load_idx %arg12[%iota3A, %broadcast_in_dim3A_1684] : memref<16x128xf32, #tpu.memory_space<vmem>>[vector<16xi32>, vector<16xi32>], vector<16xf32>,
      %mul3A_1687 = arith.mulf %gather3A_1685, %gather3A_1686 : vector<16xf32>
      %add3A_1688 = arith.addf %add3A_1682, %mul3A_1687 : vector<16xf32>
      %broadcast_in_dim3A_1689 = arith.constant 8 : i32
      %broadcast_in_dim3A_1690 = vector.broadcast %broadcast_in_dim3A_1689 : i32 to vector<16xi32>
      %gather3A_1691 = tpu.vector_load_idx %arg11[%iota3A, %broadcast_in_dim3A_1690] : memref<16x128xf32, #tpu.memory_space<vmem>>[vector<16xi32>, vector<16xi32>], vector<16xf32>,
      %gather3A_1692 = tpu.vector_load_idx %arg12[%iota3A, %broadcast_in_dim3A_1690] : memref<16x128xf32, #tpu.memory_space<vmem>>[vector<16xi32>, vector<16xi32>], vector<16xf32>,
      %mul3A_1693 = arith.mulf %gather3A_1691, %gather3A_1692 : vector<16xf32>
      %add3A_1694 = arith.addf %add3A_1688, %mul3A_1693 : vector<16xf32>
      %broadcast_in_dim3A_1695 = arith.constant 9 : i32
      %broadcast_in_dim3A_1696 = vector.broadcast %broadcast_in_dim3A_1695 : i32 to vector<16xi32>
      %gather3A_1697 = tpu.vector_load_idx %arg11[%iota3A, %broadcast_in_dim3A_1696] : memref<16x128xf32, #tpu.memory_space<vmem>>[vector<16xi32>, vector<16xi32>], vector<16xf32>,
      %gather3A_1698 = tpu.vector_load_idx %arg12[%iota3A, %broadcast_in_dim3A_1696] : memref<16x128xf32, #tpu.memory_space<vmem>>[vector<16xi32>, vector<16xi32>], vector<16xf32>,
      %mul3A_1699 = arith.mulf %gather3A_1697, %gather3A_1698 : vector<16xf32>
      %add3A_1700 = arith.addf %add3A_1694, %mul3A_1699 : vector<16xf32>
      %broadcast_in_dim3A_1701 = arith.constant 10 : i32
      %broadcast_in_dim3A_1702 = vector.broadcast %broadcast_in_dim3A_1701 : i32 to vector<16xi32>
      %gather3A_1703 = tpu.vector_load_idx %arg11[%iota3A, %broadcast_in_dim3A_1702] : memref<16x128xf32, #tpu.memory_space<vmem>>[vector<16xi32>, vector<16xi32>], vector<16xf32>,
      %gather3A_1704 = tpu.vector_load_idx %arg12[%iota3A, %broadcast_in_dim3A_1702] : memref<16x128xf32, #tpu.memory_space<vmem>>[vector<16xi32>, vector<16xi32>], vector<16xf32>,
      %mul3A_1705 = arith.mulf %gather3A_1703, %gather3A_1704 : vector<16xf32>
      %add3A_1706 = arith.addf %add3A_1700, %mul3A_1705 : vector<16xf32>
      %broadcast_in_dim3A_1707 = arith.constant 11 : i32
      %broadcast_in_dim3A_1708 = vector.broadcast %broadcast_in_dim3A_1707 : i32 to vector<16xi32>
      %gather3A_1709 = tpu.vector_load_idx %arg11[%iota3A, %broadcast_in_dim3A_1708] : memref<16x128xf32, #tpu.memory_space<vmem>>[vector<16xi32>, vector<16xi32>], vector<16xf32>,
      %gather3A_1710 = tpu.vector_load_idx %arg12[%iota3A, %broadcast_in_dim3A_1708] : memref<16x128xf32, #tpu.memory_space<vmem>>[vector<16xi32>, vector<16xi32>], vector<16xf32>,
      %mul3A_1711 = arith.mulf %gather3A_1709, %gather3A_1710 : vector<16xf32>
      %add3A_1712 = arith.addf %add3A_1706, %mul3A_1711 : vector<16xf32>
      %broadcast_in_dim3A_1713 = arith.constant 12 : i32
      %broadcast_in_dim3A_1714 = vector.broadcast %broadcast_in_dim3A_1713 : i32 to vector<16xi32>
      %gather3A_1715 = tpu.vector_load_idx %arg11[%iota3A, %broadcast_in_dim3A_1714] : memref<16x128xf32, #tpu.memory_space<vmem>>[vector<16xi32>, vector<16xi32>], vector<16xf32>,
      %gather3A_1716 = tpu.vector_load_idx %arg12[%iota3A, %broadcast_in_dim3A_1714] : memref<16x128xf32, #tpu.memory_space<vmem>>[vector<16xi32>, vector<16xi32>], vector<16xf32>,
      %mul3A_1717 = arith.mulf %gather3A_1715, %gather3A_1716 : vector<16xf32>
      %add3A_1718 = arith.addf %add3A_1712, %mul3A_1717 : vector<16xf32>
      %broadcast_in_dim3A_1719 = arith.constant 13 : i32
      %broadcast_in_dim3A_1720 = vector.broadcast %broadcast_in_dim3A_1719 : i32 to vector<16xi32>
      %gather3A_1721 = tpu.vector_load_idx %arg11[%iota3A, %broadcast_in_dim3A_1720] : memref<16x128xf32, #tpu.memory_space<vmem>>[vector<16xi32>, vector<16xi32>], vector<16xf32>,
      %gather3A_1722 = tpu.vector_load_idx %arg12[%iota3A, %broadcast_in_dim3A_1720] : memref<16x128xf32, #tpu.memory_space<vmem>>[vector<16xi32>, vector<16xi32>], vector<16xf32>,
      %mul3A_1723 = arith.mulf %gather3A_1721, %gather3A_1722 : vector<16xf32>
      %add3A_1724 = arith.addf %add3A_1718, %mul3A_1723 : vector<16xf32>
      %broadcast_in_dim3A_1725 = arith.constant 14 : i32
      %broadcast_in_dim3A_1726 = vector.broadcast %broadcast_in_dim3A_1725 : i32 to vector<16xi32>
      %gather3A_1727 = tpu.vector_load_idx %arg11[%iota3A, %broadcast_in_dim3A_1726] : memref<16x128xf32, #tpu.memory_space<vmem>>[vector<16xi32>, vector<16xi32>], vector<16xf32>,
      %gather3A_1728 = tpu.vector_load_idx %arg12[%iota3A, %broadcast_in_dim3A_1726] : memref<16x128xf32, #tpu.memory_space<vmem>>[vector<16xi32>, vector<16xi32>], vector<16xf32>,
      %mul3A_1729 = arith.mulf %gather3A_1727, %gather3A_1728 : vector<16xf32>
      %add3A_1730 = arith.addf %add3A_1724, %mul3A_1729 : vector<16xf32>
      %broadcast_in_dim3A_1731 = arith.constant 15 : i32
      %broadcast_in_dim3A_1732 = vector.broadcast %broadcast_in_dim3A_1731 : i32 to vector<16xi32>
      %gather3A_1733 = tpu.vector_load_idx %arg11[%iota3A, %broadcast_in_dim3A_1732] : memref<16x128xf32, #tpu.memory_space<vmem>>[vector<16xi32>, vector<16xi32>], vector<16xf32>,
      %gather3A_1734 = tpu.vector_load_idx %arg12[%iota3A, %broadcast_in_dim3A_1732] : memref<16x128xf32, #tpu.memory_space<vmem>>[vector<16xi32>, vector<16xi32>], vector<16xf32>,
      %mul3A_1735 = arith.mulf %gather3A_1733, %gather3A_1734 : vector<16xf32>
      %add3A_1736 = arith.addf %add3A_1730, %mul3A_1735 : vector<16xf32>
      %broadcast_in_dim3A_1737 = arith.constant 16 : i32
      %broadcast_in_dim3A_1738 = vector.broadcast %broadcast_in_dim3A_1737 : i32 to vector<16xi32>
      %gather3A_1739 = tpu.vector_load_idx %arg11[%iota3A, %broadcast_in_dim3A_1738] : memref<16x128xf32, #tpu.memory_space<vmem>>[vector<16xi32>, vector<16xi32>], vector<16xf32>,
      %gather3A_1740 = tpu.vector_load_idx %arg12[%iota3A, %broadcast_in_dim3A_1738] : memref<16x128xf32, #tpu.memory_space<vmem>>[vector<16xi32>, vector<16xi32>], vector<16xf32>,
      %mul3A_1741 = arith.mulf %gather3A_1739, %gather3A_1740 : vector<16xf32>
      %add3A_1742 = arith.addf %add3A_1736, %mul3A_1741 : vector<16xf32>
      %broadcast_in_dim3A_1743 = arith.constant 17 : i32
      %broadcast_in_dim3A_1744 = vector.broadcast %broadcast_in_dim3A_1743 : i32 to vector<16xi32>
      %gather3A_1745 = tpu.vector_load_idx %arg11[%iota3A, %broadcast_in_dim3A_1744] : memref<16x128xf32, #tpu.memory_space<vmem>>[vector<16xi32>, vector<16xi32>], vector<16xf32>,
      %gather3A_1746 = tpu.vector_load_idx %arg12[%iota3A, %broadcast_in_dim3A_1744] : memref<16x128xf32, #tpu.memory_space<vmem>>[vector<16xi32>, vector<16xi32>], vector<16xf32>,
      %mul3A_1747 = arith.mulf %gather3A_1745, %gather3A_1746 : vector<16xf32>
      %add3A_1748 = arith.addf %add3A_1742, %mul3A_1747 : vector<16xf32>
      %broadcast_in_dim3A_1749 = arith.constant 18 : i32
      %broadcast_in_dim3A_1750 = vector.broadcast %broadcast_in_dim3A_1749 : i32 to vector<16xi32>
      %gather3A_1751 = tpu.vector_load_idx %arg11[%iota3A, %broadcast_in_dim3A_1750] : memref<16x128xf32, #tpu.memory_space<vmem>>[vector<16xi32>, vector<16xi32>], vector<16xf32>,
      %gather3A_1752 = tpu.vector_load_idx %arg12[%iota3A, %broadcast_in_dim3A_1750] : memref<16x128xf32, #tpu.memory_space<vmem>>[vector<16xi32>, vector<16xi32>], vector<16xf32>,
      %mul3A_1753 = arith.mulf %gather3A_1751, %gather3A_1752 : vector<16xf32>
      %add3A_1754 = arith.addf %add3A_1748, %mul3A_1753 : vector<16xf32>
      %broadcast_in_dim3A_1755 = arith.constant 19 : i32
      %broadcast_in_dim3A_1756 = vector.broadcast %broadcast_in_dim3A_1755 : i32 to vector<16xi32>
      %gather3A_1757 = tpu.vector_load_idx %arg11[%iota3A, %broadcast_in_dim3A_1756] : memref<16x128xf32, #tpu.memory_space<vmem>>[vector<16xi32>, vector<16xi32>], vector<16xf32>,
      %gather3A_1758 = tpu.vector_load_idx %arg12[%iota3A, %broadcast_in_dim3A_1756] : memref<16x128xf32, #tpu.memory_space<vmem>>[vector<16xi32>, vector<16xi32>], vector<16xf32>,
      %mul3A_1759 = arith.mulf %gather3A_1757, %gather3A_1758 : vector<16xf32>
      %add3A_1760 = arith.addf %add3A_1754, %mul3A_1759 : vector<16xf32>
      %broadcast_in_dim3A_1761 = arith.constant 20 : i32
      %broadcast_in_dim3A_1762 = vector.broadcast %broadcast_in_dim3A_1761 : i32 to vector<16xi32>
      %gather3A_1763 = tpu.vector_load_idx %arg11[%iota3A, %broadcast_in_dim3A_1762] : memref<16x128xf32, #tpu.memory_space<vmem>>[vector<16xi32>, vector<16xi32>], vector<16xf32>,
      %gather3A_1764 = tpu.vector_load_idx %arg12[%iota3A, %broadcast_in_dim3A_1762] : memref<16x128xf32, #tpu.memory_space<vmem>>[vector<16xi32>, vector<16xi32>], vector<16xf32>,
      %mul3A_1765 = arith.mulf %gather3A_1763, %gather3A_1764 : vector<16xf32>
      %add3A_1766 = arith.addf %add3A_1760, %mul3A_1765 : vector<16xf32>
      %broadcast_in_dim3A_1767 = arith.constant 21 : i32
      %broadcast_in_dim3A_1768 = vector.broadcast %broadcast_in_dim3A_1767 : i32 to vector<16xi32>
      %gather3A_1769 = tpu.vector_load_idx %arg11[%iota3A, %broadcast_in_dim3A_1768] : memref<16x128xf32, #tpu.memory_space<vmem>>[vector<16xi32>, vector<16xi32>], vector<16xf32>,
      %gather3A_1770 = tpu.vector_load_idx %arg12[%iota3A, %broadcast_in_dim3A_1768] : memref<16x128xf32, #tpu.memory_space<vmem>>[vector<16xi32>, vector<16xi32>], vector<16xf32>,
      %mul3A_1771 = arith.mulf %gather3A_1769, %gather3A_1770 : vector<16xf32>
      %add3A_1772 = arith.addf %add3A_1766, %mul3A_1771 : vector<16xf32>
      %broadcast_in_dim3A_1773 = arith.constant 22 : i32
      %broadcast_in_dim3A_1774 = vector.broadcast %broadcast_in_dim3A_1773 : i32 to vector<16xi32>
      %gather3A_1775 = tpu.vector_load_idx %arg11[%iota3A, %broadcast_in_dim3A_1774] : memref<16x128xf32, #tpu.memory_space<vmem>>[vector<16xi32>, vector<16xi32>], vector<16xf32>,
      %gather3A_1776 = tpu.vector_load_idx %arg12[%iota3A, %broadcast_in_dim3A_1774] : memref<16x128xf32, #tpu.memory_space<vmem>>[vector<16xi32>, vector<16xi32>], vector<16xf32>,
      %mul3A_1777 = arith.mulf %gather3A_1775, %gather3A_1776 : vector<16xf32>
      %add3A_1778 = arith.addf %add3A_1772, %mul3A_1777 : vector<16xf32>
      %broadcast_in_dim3A_1779 = arith.constant 23 : i32
      %broadcast_in_dim3A_1780 = vector.broadcast %broadcast_in_dim3A_1779 : i32 to vector<16xi32>
      %gather3A_1781 = tpu.vector_load_idx %arg11[%iota3A, %broadcast_in_dim3A_1780] : memref<16x128xf32, #tpu.memory_space<vmem>>[vector<16xi32>, vector<16xi32>], vector<16xf32>,
      %gather3A_1782 = tpu.vector_load_idx %arg12[%iota3A, %broadcast_in_dim3A_1780] : memref<16x128xf32, #tpu.memory_space<vmem>>[vector<16xi32>, vector<16xi32>], vector<16xf32>,
      %mul3A_1783 = arith.mulf %gather3A_1781, %gather3A_1782 : vector<16xf32>
      %add3A_1784 = arith.addf %add3A_1778, %mul3A_1783 : vector<16xf32>
      %broadcast_in_dim3A_1785 = arith.constant 24 : i32
      %broadcast_in_dim3A_1786 = vector.broadcast %broadcast_in_dim3A_1785 : i32 to vector<16xi32>
      %gather3A_1787 = tpu.vector_load_idx %arg11[%iota3A, %broadcast_in_dim3A_1786] : memref<16x128xf32, #tpu.memory_space<vmem>>[vector<16xi32>, vector<16xi32>], vector<16xf32>,
      %gather3A_1788 = tpu.vector_load_idx %arg12[%iota3A, %broadcast_in_dim3A_1786] : memref<16x128xf32, #tpu.memory_space<vmem>>[vector<16xi32>, vector<16xi32>], vector<16xf32>,
      %mul3A_1789 = arith.mulf %gather3A_1787, %gather3A_1788 : vector<16xf32>
      %add3A_1790 = arith.addf %add3A_1784, %mul3A_1789 : vector<16xf32>
      %broadcast_in_dim3A_1791 = arith.constant 25 : i32
      %broadcast_in_dim3A_1792 = vector.broadcast %broadcast_in_dim3A_1791 : i32 to vector<16xi32>
      %gather3A_1793 = tpu.vector_load_idx %arg11[%iota3A, %broadcast_in_dim3A_1792] : memref<16x128xf32, #tpu.memory_space<vmem>>[vector<16xi32>, vector<16xi32>], vector<16xf32>,
      %gather3A_1794 = tpu.vector_load_idx %arg12[%iota3A, %broadcast_in_dim3A_1792] : memref<16x128xf32, #tpu.memory_space<vmem>>[vector<16xi32>, vector<16xi32>], vector<16xf32>,
      %mul3A_1795 = arith.mulf %gather3A_1793, %gather3A_1794 : vector<16xf32>
      %add3A_1796 = arith.addf %add3A_1790, %mul3A_1795 : vector<16xf32>
      %broadcast_in_dim3A_1797 = arith.constant 26 : i32
      %broadcast_in_dim3A_1798 = vector.broadcast %broadcast_in_dim3A_1797 : i32 to vector<16xi32>
      %gather3A_1799 = tpu.vector_load_idx %arg11[%iota3A, %broadcast_in_dim3A_1798] : memref<16x128xf32, #tpu.memory_space<vmem>>[vector<16xi32>, vector<16xi32>], vector<16xf32>,
      %gather3A_1800 = tpu.vector_load_idx %arg12[%iota3A, %broadcast_in_dim3A_1798] : memref<16x128xf32, #tpu.memory_space<vmem>>[vector<16xi32>, vector<16xi32>], vector<16xf32>,
      %mul3A_1801 = arith.mulf %gather3A_1799, %gather3A_1800 : vector<16xf32>
      %add3A_1802 = arith.addf %add3A_1796, %mul3A_1801 : vector<16xf32>
      %broadcast_in_dim3A_1803 = arith.constant 27 : i32
      %broadcast_in_dim3A_1804 = vector.broadcast %broadcast_in_dim3A_1803 : i32 to vector<16xi32>
      %gather3A_1805 = tpu.vector_load_idx %arg11[%iota3A, %broadcast_in_dim3A_1804] : memref<16x128xf32, #tpu.memory_space<vmem>>[vector<16xi32>, vector<16xi32>], vector<16xf32>,
      %gather3A_1806 = tpu.vector_load_idx %arg12[%iota3A, %broadcast_in_dim3A_1804] : memref<16x128xf32, #tpu.memory_space<vmem>>[vector<16xi32>, vector<16xi32>], vector<16xf32>,
      %mul3A_1807 = arith.mulf %gather3A_1805, %gather3A_1806 : vector<16xf32>
      %add3A_1808 = arith.addf %add3A_1802, %mul3A_1807 : vector<16xf32>
      %broadcast_in_dim3A_1809 = arith.constant 28 : i32
      %broadcast_in_dim3A_1810 = vector.broadcast %broadcast_in_dim3A_1809 : i32 to vector<16xi32>
      %gather3A_1811 = tpu.vector_load_idx %arg11[%iota3A, %broadcast_in_dim3A_1810] : memref<16x128xf32, #tpu.memory_space<vmem>>[vector<16xi32>, vector<16xi32>], vector<16xf32>,
      %gather3A_1812 = tpu.vector_load_idx %arg12[%iota3A, %broadcast_in_dim3A_1810] : memref<16x128xf32, #tpu.memory_space<vmem>>[vector<16xi32>, vector<16xi32>], vector<16xf32>,
      %mul3A_1813 = arith.mulf %gather3A_1811, %gather3A_1812 : vector<16xf32>
      %add3A_1814 = arith.addf %add3A_1808, %mul3A_1813 : vector<16xf32>
      %broadcast_in_dim3A_1815 = arith.constant 29 : i32
      %broadcast_in_dim3A_1816 = vector.broadcast %broadcast_in_dim3A_1815 : i32 to vector<16xi32>
      %gather3A_1817 = tpu.vector_load_idx %arg11[%iota3A, %broadcast_in_dim3A_1816] : memref<16x128xf32, #tpu.memory_space<vmem>>[vector<16xi32>, vector<16xi32>], vector<16xf32>,
      %gather3A_1818 = tpu.vector_load_idx %arg12[%iota3A, %broadcast_in_dim3A_1816] : memref<16x128xf32, #tpu.memory_space<vmem>>[vector<16xi32>, vector<16xi32>], vector<16xf32>,
      %mul3A_1819 = arith.mulf %gather3A_1817, %gather3A_1818 : vector<16xf32>
      %add3A_1820 = arith.addf %add3A_1814, %mul3A_1819 : vector<16xf32>
      %broadcast_in_dim3A_1821 = arith.constant 30 : i32
      %broadcast_in_dim3A_1822 = vector.broadcast %broadcast_in_dim3A_1821 : i32 to vector<16xi32>
      %gather3A_1823 = tpu.vector_load_idx %arg11[%iota3A, %broadcast_in_dim3A_1822] : memref<16x128xf32, #tpu.memory_space<vmem>>[vector<16xi32>, vector<16xi32>], vector<16xf32>,
      %gather3A_1824 = tpu.vector_load_idx %arg12[%iota3A, %broadcast_in_dim3A_1822] : memref<16x128xf32, #tpu.memory_space<vmem>>[vector<16xi32>, vector<16xi32>], vector<16xf32>,
      %mul3A_1825 = arith.mulf %gather3A_1823, %gather3A_1824 : vector<16xf32>
      %add3A_1826 = arith.addf %add3A_1820, %mul3A_1825 : vector<16xf32>
      %broadcast_in_dim3A_1827 = arith.constant 31 : i32
      %broadcast_in_dim3A_1828 = vector.broadcast %broadcast_in_dim3A_1827 : i32 to vector<16xi32>
      %gather3A_1829 = tpu.vector_load_idx %arg11[%iota3A, %broadcast_in_dim3A_1828] : memref<16x128xf32, #tpu.memory_space<vmem>>[vector<16xi32>, vector<16xi32>], vector<16xf32>,
      %gather3A_1830 = tpu.vector_load_idx %arg12[%iota3A, %broadcast_in_dim3A_1828] : memref<16x128xf32, #tpu.memory_space<vmem>>[vector<16xi32>, vector<16xi32>], vector<16xf32>,
      %mul3A_1831 = arith.mulf %gather3A_1829, %gather3A_1830 : vector<16xf32>
      %add3A_1832 = arith.addf %add3A_1826, %mul3A_1831 : vector<16xf32>
      %swap3A_1833 = arith.index_cast %mul3A_13 : i32 to index
      %swap3A_1834 = tpu.vector_load %arg13[%swap3A_1833] {strides = array<i32>} : memref<512xf32, #tpu.memory_space<vmem>>, vector<16xf32>,
      tpu.vector_store %arg13[%swap3A_1833], %add3A_1832 {strides = array<i32>} : memref<512xf32, #tpu.memory_space<vmem>>, vector<16xf32>,
    }
    %scan3A_10 = arith.constant 32 : i32
    "tpu.region"() ({
      %run_scoped3A = tpu.sem_alloc : memref<!tpu.dma_semaphore, #tpu.memory_space<semaphore_mem>>
      %dma_start3A = tpu.memref_slice %arg6[%mul3A_2] : memref<16384xf32, #tpu.memory_space<hbm>> -> memref<512xf32, #tpu.memory_space<hbm>>
      %dma_start3A_11 = tpu.memref_slice %arg6[%mul3A_2] : memref<16384xf32, #tpu.memory_space<hbm>> -> memref<512xf32, #tpu.memory_space<hbm>>
      tpu.enqueue_dma source(%arg13 : memref<512xf32, #tpu.memory_space<vmem>>) target(%dma_start3A_11 : memref<512xf32, #tpu.memory_space<hbm>>) target_semaphore(%run_scoped3A : memref<!tpu.dma_semaphore, #tpu.memory_space<semaphore_mem>>)
      %dma_wait3A = tpu.memref_slice %arg6[%mul3A_2] : memref<16384xf32, #tpu.memory_space<hbm>> -> memref<512xf32, #tpu.memory_space<hbm>>
      %dma_wait3A_12 = tpu.memref_slice %arg6[%mul3A_2] : memref<16384xf32, #tpu.memory_space<hbm>> -> memref<512xf32, #tpu.memory_space<hbm>>
      tpu.wait_dma2 semaphore(%run_scoped3A : memref<!tpu.dma_semaphore, #tpu.memory_space<semaphore_mem>>) src(%arg13 : memref<512xf32, #tpu.memory_space<vmem>>) dst(%dma_wait3A_12 : memref<512xf32, #tpu.memory_space<hbm>>)
      tpu.yield
    }) : () -> ()
    return
  }
}

</mosaic_0001>

<sc_bundles>
// kernel: kernel.3.cloned.1.call-start
scs
__scs_entry_jumppad:
0x0: {  	(pc) =	sbr.rel $0x88, $3  }
0x1: {  	(tag) =	ssettag $0x0;
	lr =	simm.s32 $0x1  }
0x2: {  	[smem:$0x3F9D] =	sst lr;
	_ =	strace $0xD0000000  }
0x3: {  	_ = 	snop  }
0x4: {  	_ = 	snop  }
0x5: {  	_ = 	snop  }
0x6: {  	_ = 	snop  }
0x7: {  	_ = 	snop  }
__scs_overlays_trampoline_lowered:
0x8: {  	[smem:$0x3FAC] =	sst s0  }
0x9: {  	[smem:$0x3FAD] =	sst s1  }
0xa: {  	[smem:$0x3FAE] =	sst s2  }
0xb: {  	[smem:$0x3FAF] =	sst s3  }
0xc: {  	[smem:$0x3FB0] =	sst s4  }
0xd: {  	[smem:$0x3FB1] =	sst s5  }
0xe: {  	[smem:$0x3FB2] =	sst s6  }
0xf: {  	[smem:$0x3FB3] =	sst s7  }
0x10: {  	[smem:$0x3FB4] =	sst s8  }
0x11: {  	[smem:$0x3FB5] =	sst s9;
	s0 =	simm.s32 @!p0 $0x0  }
0x12: {  	s1 =	sld [smem:$0x3F9B];
	s0 =	simm.s32 @p0 $0x1  }
0x13: {  	[smem:$0x3FB6] =	sst s0;
	s0 =	simm.s32 @!p1 $0x0  }
0x14: {  	s2 =	sld [smem:$0x3F9A];
	s0 =	simm.s32 @p1 $0x1  }
0x15: {  	[smem:$0x3FB7] =	sst s0;
	s0 =	simm.s32 @!p2 $0x0  }
0x16: {  	s3 =	sld [smem:$0x3FDB];
	s0 =	simm.s32 @p2 $0x1  }
0x17: {  	s4 =	simm.s32 $0x1BF5;
	[smem:$0x3FB9] =	sst s0  }
0x18: {  	s0 =	sld [smem:$0x3F9C];
	_ =	swait.ge [sflag:s4], $0x0  }
0x19: {  	s7 =	sld [smem:$0x3F9D]  }
0x1a: {  	s8 =	sadd.s32 $0xFFFFE003, lr  }
0x1b: {  	s9 =	sadd.s32 $0xFFFFFEF7, lr;
	s5 =	simm.s32 $0xFFFFFFFF;
	p2 =	slt.u32 s8, $0xFFFFF086  }
0x1c: {  	p1 =	slt.u32 s9, $0xF7A;
	s5 =	simm.s32 @!p2 $0x0  }
0x1d: {  	s5 =	simm.s32 @p1 $0x1;
	p0 =	seq.s32 s7, s2  }
0x1e: {  	s7 =	smul.u32 @!p0 $0xF7A, s2;
	p2 =	seq.s32 @!p0 s5, $0x0  }
0x1f: {  	s9 =	smul.u32 $0xF7A, s1;
	s8 =	simm.s32 @!p0 $0x1BF5;
	p2 =	por !p2, p0  }
0x20: {  	[sflag:s8] =	ssyncset.s32 @!p0 $0xFFFFF086;
	s6 =	sadd.s32 @!p0 s3, s7;
	s7 =	simm.s32 @!p0 $0x108  }
0x21: {  	s3 =	sadd.s32 s3, s9;
	s6 =	sadd.s32 @!p0 $0x88, s6;
	s7 =	simm.s32 @p2 $0x1082  }
0x22: {  	[simem:s7], [sflag:s8] =	dma.local @!p0 [hbm:s6], $0xF7A  }
0x23: {  	s9 =	sor.u32 $0xD0000000, s2;
	s6 =	simm.s32 $0x108;
	_ =	swait.ge @!p0 [sflag:s8], $0x0  }
0x24: {  	s3 =	sadd.s32 $0x88, s3;
	s6 =	simm.s32 @!p1 $0x1082;
	[sflag:s4] =	ssyncset.s32 $0xFFFFF086  }
0x25: {  	[simem:s6], [sflag:s4] =	dma.local [hbm:s3], $0xF7A  }
0x26: {  	[smem:$0x3F9D] =	sst s1;
	(tag) =	ssettag s2;
	_ =	strace s9  }
0x27: {  	s1 =	sld [smem:$0x3FAD]  }
0x28: {  	s2 =	sld [smem:$0x3FAE]  }
0x29: {  	s4 =	sld [smem:$0x3FB0]  }
0x2a: {  	p0 =	seq.s32 s5, $0x0;
	s5 =	sld [smem:$0x3FB1]  }
0x2b: {  	s6 =	sld [smem:$0x3FB2]  }
0x2c: {  	s7 =	sld [smem:$0x3FB3]  }
0x2d: {  	s3 =	simm.s32 $0x108;
	s8 =	sld [smem:$0x3FB4]  }
0x2e: {  	s3 =	simm.s32 @!p0 $0x1082;
	s9 =	sld [smem:$0x3FB5]  }
0x2f: {  	lr =	sadd.s32 s0, s3;
	s0 =	sld [smem:$0x3FAC]  }
0x30: {  	s3 =	sld [smem:$0x3FAF]  }
0x31: {  	[smem:$0x3FB8] =	sst s10  }
0x32: {  	s10 =	sld [smem:$0x3FB6];
	_ =	sdelay $0x3  }
0x33: {  	p0 =	seq.s32 s10, $0x1;
	s10 =	sld [smem:$0x3FB8];
	_ =	sdelay $0x3  }
0x34: {  	[smem:$0x3FB8] =	sst s10  }
0x35: {  	s10 =	sld [smem:$0x3FB7];
	_ =	sdelay $0x3  }
0x36: {  	p1 =	seq.s32 s10, $0x1;
	s10 =	sld [smem:$0x3FB8];
	_ =	sdelay $0x3  }
0x37: {  	[smem:$0x3FB8] =	sst s10  }
0x38: {  	s10 =	sld [smem:$0x3FB9]  }
0x39: {  	_ = 	snop;
	(pc) =	sbr.ind lr, $3  }
0x3a: {  	_ = 	snop  }
0x3b: {  	_ = 	snop  }
0x3c: {  	p2 =	seq.s32 s10, $0x1;
	s10 =	sld [smem:$0x3FB8]  }
0x3d: {  	_ =	shalt  }
0x3e: {  	_ =	shalt  }
0x3f: {  	_ =	shalt  }
0x40: {  	_ =	shalt  }
0x41: {  	_ =	shalt  }
0x42: {  	_ =	shalt  }
0x43: {  	_ =	shalt  }
0x44: {  	_ =	shalt  }
0x45: {  	_ =	shalt  }
0x46: {  	_ =	shalt  }
0x47: {  	_ =	shalt  }
0x48: {  	_ =	shalt  }
0x49: {  	_ =	shalt  }
0x4a: {  	_ =	shalt  }
0x4b: {  	_ =	shalt  }
0x4c: {  	_ =	shalt  }
0x4d: {  	_ =	shalt  }
0x4e: {  	_ =	shalt  }
0x4f: {  	_ =	shalt  }
0x50: {  	_ =	shalt  }
0x51: {  	_ =	shalt  }
0x52: {  	_ =	shalt  }
0x53: {  	_ =	shalt  }
0x54: {  	_ =	shalt  }
0x55: {  	_ =	shalt  }
0x56: {  	_ =	shalt  }
0x57: {  	_ =	shalt  }
0x58: {  	_ =	shalt  }
0x59: {  	_ =	shalt  }
0x5a: {  	_ =	shalt  }
0x5b: {  	_ =	shalt  }
0x5c: {  	_ =	shalt  }
0x5d: {  	_ =	shalt  }
0x5e: {  	_ =	shalt  }
0x5f: {  	_ =	shalt  }
0x60: {  	_ =	shalt  }
0x61: {  	_ =	shalt  }
0x62: {  	_ =	shalt  }
0x63: {  	_ =	shalt  }
0x64: {  	_ =	shalt  }
0x65: {  	_ =	shalt  }
0x66: {  	_ =	shalt  }
0x67: {  	_ =	shalt  }
0x68: {  	_ =	shalt  }
0x69: {  	_ =	shalt  }
0x6a: {  	_ =	shalt  }
0x6b: {  	_ =	shalt  }
0x6c: {  	_ =	shalt  }
0x6d: {  	_ =	shalt  }
0x6e: {  	_ =	shalt  }
0x6f: {  	_ =	shalt  }
0x70: {  	_ =	shalt  }
0x71: {  	_ =	shalt  }
0x72: {  	_ =	shalt  }
0x73: {  	_ =	shalt  }
0x74: {  	_ =	shalt  }
0x75: {  	_ =	shalt  }
0x76: {  	_ =	shalt  }
0x77: {  	_ =	shalt  }
0x78: {  	_ =	shalt  }
0x79: {  	_ =	shalt  }
0x7a: {  	_ =	shalt  }
0x7b: {  	_ =	shalt  }
0x7c: {  	_ =	shalt  }
0x7d: {  	_ =	shalt  }
0x7e: {  	_ =	shalt  }
0x7f: {  	_ =	shalt  }
0x80: {  	_ =	shalt  }
0x81: {  	_ =	shalt  }
0x82: {  	_ =	shalt  }
0x83: {  	_ =	shalt  }
0x84: {  	_ =	shalt  }
0x85: {  	_ =	shalt  }
0x86: {  	_ =	shalt  }
0x87: {  	_ =	shalt  }
.Lfunc_end0:
.L_simem_size_0:
called_computation_lowered:
.L_overlay_start_0:
0x88: {  	s2 =	sld [smem:$0x3FD9]  }
0x89: {  	s3 =	sld [smem:$0x3FFE];
	_ =	sdelay $0x1  }
0x8a: {  	s1 =	srdreg.scid  }
0x8b: {  	s0 =	sand.u32 $0x1, s1  }
0x8c: {  	s18 =	sshll.u32 s0, $0xA;
	s2 =	sadd.s32 s3, s2  }
0x8d: {  	s2 =	sadd.s32 s2, s18  }
0x8e: {  	[smem:$0x3FC4] =	sst s2  }
0x8f: {  	_ = 	snop  }
0x90: {  	s2 =	sld [smem:$0x3FC9]  }
0x91: {  	s19 =	sld [smem:$0x3FC8]  }
0x92: {  	s4 =	sld [smem:$0x3FC7]  }
0x93: {  	s5 =	sld [smem:$0x3FC6]  }
0x94: {  	s6 =	sld [smem:$0x3FD0];
	(tm) =	ssettm $0x1  }
0x95: {  	s7 =	sld [smem:$0x3FFB];
	_ =	sdelay $0x3  }
0x96: {  	_ =	strace s7  }
0x97: {  	s7 =	sld [smem:$0x3FFC];
	_ =	sdelay $0x3  }
0x98: {  	_ =	strace s7  }
0x99: {  	s7 =	sld [smem:$0x3FFD];
	_ =	sdelay $0x3  }
0x9a: {  	_ =	strace s7  }
0x9b: {  	_ =	strace $0x8FFFFFFF  }
0x9c: {  	s20 =	sld [smem:$0x3FDB];
	_ =	sdelay $0x1  }
0x9d: {  	s8 =	simm.s32 $_scs_section_size  }
0x9e: {  	s9 =	simm.s32 $_size__tile_overlayer_lowered;
	s10 =	simm.s32 $_tile_overlayer_lowered  }
0x9f: {  	s23 =	simm.s32 $0x1BFF;
	s22 =	sshll.u32 s10, $0x1;
	s7 =	sadd.s32 s8, s20  }
0xa0: {  	s11 =	simm.s32 $0x0;
	s21 =	sshll.u32 s9, $0x1;
	s9 =	sadd.s32 s22, s7  }
0xa1: {  	[timem:s11], [sflag:s23] =	dma.local [hbm:s9], s21  }
0xa2: {  	_ =	swait.ge [sflag:s23], s21  }
0xa3: {  	s8 =	ssub.s32 $0x0, s21;
	[sflag:s23] =	ssyncset.done $0x0  }
0xa4: {  	[sflag:s23] =	ssyncadd.s32 s8;
	_ =	sdelay $0x1  }
0xa5: {  	s24 =	simm.s32 $0x1B8B  }
0xa6: {  	_ =	swait.ge [sflag:s24], $0x1  }
0xa7: {  	[sflag:s24] =	ssyncset.done $0x0  }
0xa8: {  	s25 =	simm.s32 $0x1B8E;
	[sflag:s24] =	ssyncadd.s32 $0xFFFFFFFF  }
0xa9: {  	s26 =	simm.s32 $execute0_lowered;
	[smem:$0x3FD2] =	sst s25  }
0xaa: {  	s8 =	sshll.u32 s26, $0x1;
	_ =	strace $0x80000046;
	[dreg:$0x1] =	wrdreg $0xFFFFFFFF  }
0xab: {  	s28 =	simm.s32 $_size_execute0_lowered;
	s7 =	sadd.s32 s7, s8;
	[dreg:$0x0] =	wrdreg $0x0  }
0xac: {  	s8 =	sshll.u32 s28, $0x1;
	[dreg:$0x2] =	wrdreg s7  }
0xad: {  	[dreg:$0x3] =	wrdreg s8  }
0xae: {  	[dreg:$0x4] =	wrdreg $0xC0  }
0xaf: {  	_ =	task [dreg:s11], $0x5FFFF  }
0xb0: {  	[dreg:$0x1] =	wrdreg $0xFFFFFFFF  }
0xb1: {  	[dreg:$0x0] =	wrdreg $0x60  }
0xb2: {  	[dreg:$0x2] =	wrdreg s2  }
0xb3: {  	[dreg:$0x3] =	wrdreg s19  }
0xb4: {  	[dreg:$0x4] =	wrdreg s4  }
0xb5: {  	[dreg:$0x5] =	wrdreg s5  }
0xb6: {  	[dreg:$0x6] =	wrdreg s6  }
0xb7: {  	[dreg:$0x7] =	wrdreg $0x9  }
0xb8: {  	_ =	task.clear_ibuf [dreg:s11], $0x8FFFF;
	_ =	strace $0x90000046  }
0xb9: {  	s29 =	simm.s32 $0x9;
	_ =	strace $0x80000048  }
0xba: {  	_ =	swait.ge [sflag:s29], $0x1  }
0xbb: {  	[sflag:s29] =	ssyncadd.s32 $0xFFFFFFFF  }
0xbc: {  	_ =	strace $0x90000048  }
0xbd: {  	_ =	sfence  }
0xbe: {  	s30 =	sld [smem:$0x0];
	_ =	sdelay $0x2  }
0xbf: {  	s31 =	sshll.u32 s1, $0xD;
	s1 =	sshrl.u32 s1, $0x2  }
0xc0: {  	s3 =	sand.u32 $0x4000, s31;
	s1 =	sadd.s32 s1, s30  }
0xc1: {  	s0 =	sor.u32 s3, s0;
	s1 =	sshll.u32 s1, $0x11  }
0xc2: {  	s0 =	sor.u32 s1, s0  }
0xc3: {  	s0 =	sadd.s32 $0x8F2B, s0  }
0xc4: {  	[sflag:s0] =	ssyncadd.remote.s32 $0x1  }
0xc5: {  	_ =	sfence.sel $0xFFFF  }
0xc6: {  	[dreg:$0x0] =	wrdreg $0xFFFFFFFF;
	(pc) =	sbr.abs _section_cstart, $3  }
0xc7: {  	[dreg:$0x1] =	wrdreg $0xFFFFFFFF  }
0xc8: {  	_ =	task.clear_ibuf [dreg:s11], $0x2FFFF;
	_ =	strace $0x9FFFFFFF  }
0xc9: {  	(tm) =	ssettm $0x7FFFFFFF  }
tec
execute0_lowered:
.L_overlay_start_1:
0x0: {  	(tag) =	ssettag $0x1  }
0x1: {  	v0 =	vlaneseq.u32  }
0x2: {  	v0 =	vmul.u32 $0x80, v0  }
0x3: {  	s1 =	rddreg [dreg:$0x0]  }
0x4: {  	s3 =	rddreg [dreg:$0x1];
	v1 =	vor.u32 $0x800, v0  }
0x5: {  	s0 =	rddreg [dreg:$0x2];
	v2 =	vor.u32 $0x1000, v0;
	v3 =	vor.u32 $0x1800, v0;
	v4 =	vor.u32 $0x2000, v0  }
0x6: {  	s2 =	rddreg [dreg:$0x3];
	v5 =	vor.u32 $0x2800, v0;
	v6 =	vor.u32 $0x3000, v0;
	v7 =	vor.u32 $0x3800, v0  }
0x7: {  	s4 =	rddreg [dreg:$0x4];
	s9 =	simm.s32 $0x0;
	v8 =	vor.u32 $0x4000, v0;
	v9 =	vor.u32 $0x4800, v0;
	v10 =	vor.u32 $0x5000, v0  }
0x8: {  	s5 =	srdreg.scid;
	s7 =	stileid.u32;
	s11 =	simm.s32 $0x7A1400;
	v11 =	vor.u32 $0x5800, v0;
	v12 =	vor.u32 $0x6000, v0;
	v13 =	vor.u32 $0x6800, v0  }
0x9: {  	s12 =	simm.s32 $0x400;
	s13 =	simm.s32 $0x8400;
	s28 =	simm.s32 $0xB400;
	v14 =	vor.u32 $0x7000, v0;
	v15 =	vor.u32 $0x7800, v0;
	v16 =	vor.u32 $0x1, v0  }
0xa: {  	s10 =	simm.s32 $0x4400;
	s29 =	simm.s32 $0x1;
	s30 =	simm.s32 $0x2;
	v17 =	vor.u32 $0x2, v0;
	v18 =	vor.u32 $0x3, v0;
	v19 =	vor.u32 $0x4, v0  }
0xb: {  	s31 =	simm.s32 $0x10400;
	[smem:$0x7FF] =	sst s9;
	s5 =	sand.u32 $0x1, s5;
	v20 =	vor.u32 $0x5, v0;
	v21 =	vor.u32 $0x6, v0;
	v22 =	vor.u32 $0x7, v0  }
0xc: {  	s7 =	sshll.u32 s7, $0x7;
	s6 =	ssub.s32 $0x2, s5;
	s5 =	sshll.u32 s5, $0x6;
	v23 =	vor.u32 $0x8, v0;
	v24 =	vor.u32 $0x9, v0;
	v25 =	vor.u32 $0xA, v0  }
0xd: {  	_ =	strace $0x80000047;
	s8 =	sshrl.u32 s6, $0x1;
	s5 =	sor.u32 s5, s7;
	v26 =	vor.u32 $0xB, v0;
	v27 =	vor.u32 $0xC, v0;
	v28 =	vor.u32 $0xD, v0  }
0xe: {  	s7 =	simm.s32 $0x2400;
	v29 =	vor.u32 $0xE, v0;
	v30 =	vor.u32 $0xF, v0;
	v31 =	vor.u32 $0x10, v0;
	s6 =	ssub.s32 s6, s8;
	s1 =	sadd.s32 s1, s5  }
0xf: {  	v32 =	vor.u32 $0x11, v0;
	v33 =	vor.u32 $0x12, v0;
	v34 =	vor.u32 $0x13, v0;
	s24 =	sadd.s32 s3, s5;
	s25 =	sadd.s32 s4, s5;
	[dreg:$0x6] =	wrdreg s1  }
0x10: {  	v35 =	vor.u32 $0x14, v0;
	v36 =	vor.u32 $0x15, v0;
	v37 =	vor.u32 $0x16, v0;
	s4 =	simm.s32 $0x3;
	s8 =	simm.s32 $0x3400;
	[dreg:$0x7] =	wrdreg s24  }
0x11: {  	v38 =	vor.u32 $0x17, v0;
	v39 =	vor.u32 $0x18, v0;
	v40 =	vor.u32 $0x19, v0;
	s5 =	simm.s32 $0x0;
	[dreg:$0x8] =	wrdreg s25;
	s26 =	smax.u32 s6, $0x1  }
0x12: {  	v41 =	vor.u32 $0x1A, v0;
	v42 =	vor.u32 $0x1B, v0;
	v43 =	vor.u32 $0x1C, v0;
	s6 =	simm.s32 $0x1400;
	s25 =	simm.s32 $0x9400;
	s24 =	simm.s32 $0xC400  }
0x13: {  	v44 =	vor.u32 $0x1D, v0;
	v45 =	vor.u32 $0x1E, v0;
	v46 =	vor.u32 $0x1F, v0;
	s1 =	simm.s32 $0x10C00;
	[dreg:$0x9] =	wrdreg s26;
	s26 =	simm.s32 $0xA400  }
.LBB2_1:
0x14: {  	[dreg:$0xa] =	wrdreg s5  }
0x15: {  	s3 =	rddreg [dreg:$0x6]  }
0x16: {  	[tilespmem:s9], [sflag:$0x3] =	stream.linear.gather [hbm4b:s3+s9], $0x200, $0x38;
	[tilespmem:$0x11600] =	vst v63  }
0x17: {  	_ =	swait.ge [sflag:s4], $0x200  }
0x18: {  	[sflag:s4] =	ssyncset.done $0x0  }
0x19: {  	s23 =	simm.s32 $0x200;
	s22 =	rddreg [dreg:$0x7];
	[sflag:s4] =	ssyncadd.s32 $0xFFFFFE00  }
0x1a: {  	[tilespmem:s23], [sflag:$0x3] =	stream.linear.gather [hbm4b:s22+s9], $0x200, $0x38;
	[tilespmem:$0x11600] =	vst v63  }
0x1b: {  	_ =	swait.ge [sflag:s4], $0x200  }
0x1c: {  	[sflag:s4] =	ssyncset.done $0x0  }
0x1d: {  	[sflag:s4] =	ssyncadd.s32 $0xFFFFFE00;
	s4 =	simm.s32 $0x0  }
.LBB2_2:
0x1e: {  	s3 =	sshra.s32 s4, $0x2  }
0x1f: {  	v48 =	vld [tilespmem:s3+$0x0]  }
0x20: {  	v47 =	vld [tilespmem:s3+$0x200];
	_ =	sdelay $0x3  }
0x21: {  	(v2sf) =	vpush v48, $0x0  }
0x22: {  	(v2sf) =	vpush v47, $0x0;
	_ =	sdelay $0x2  }
0x23: {  	(v2sf) =	vpush v48, $0x1  }
0x24: {  	(v2sf) =	vpush v47, $0x1;
	_ =	sdelay $0x2  }
0x25: {  	(v2sf) =	vpush v48, $0x2;
	_ =	sdelay $0x1  }
0x26: {  	(v2sf) =	vpush v47, $0x2;
	_ =	sdelay $0x4  }
0x27: {  	s23 =	spop (v2sf)  }
0x28: {  	s22 =	spop (v2sf);
	(v2sf) =	vpush v48, $0x3;
	_ =	sdelay $0x2  }
0x29: {  	s21 =	spop (v2sf);
	(v2sf) =	vpush v47, $0x3  }
0x2a: {  	s5 =	sand.u32 $0xFFFFF80, s23;
	s20 =	spop (v2sf);
	(v2sf) =	vpush v48, $0x4  }
0x2b: {  	[dreg:$0xb] =	wrdreg s3;
	s3 =	sadd.s32 s0, s5;
	s9 =	sand.u32 $0xFFFFF80, s22  }
0x2c: {  	[tilespmem:s12], [sflag:$0x1] =	stream.strided.gather [hbm4b:s3+s12], $0x1000, s11, s12, $0x38;
	[tilespmem:$0x11600] =	vst v63  }
0x2d: {  	s3 =	sadd.s32 s2, s9;
	s14 =	sand.u32 $0xFFFFF80, s21;
	s19 =	spop (v2sf)  }
0x2e: {  	(v2sf) =	vpush v47, $0x4;
	[tilespmem:s13], [sflag:$0x2] =	stream.strided.gather [hbm4b:s3+s12], $0x1000, s11, s12, $0x38;
	[tilespmem:$0x11600] =	vst v63  }
0x2f: {  	s15 =	sand.u32 $0xFFFFF80, s20;
	s3 =	sadd.s32 s0, s14;
	s18 =	spop (v2sf)  }
0x30: {  	(v2sf) =	vpush v48, $0x5;
	[tilespmem:s6], [sflag:$0x1] =	stream.strided.gather [hbm4b:s3+s12], $0x1000, s11, s12, $0x38;
	[tilespmem:$0x11600] =	vst v63  }
0x31: {  	s16 =	sand.u32 $0xFFFFF80, s19;
	s3 =	sadd.s32 s2, s15  }
0x32: {  	[tilespmem:s25], [sflag:$0x2] =	stream.strided.gather [hbm4b:s3+s12], $0x1000, s11, s12, $0x38;
	[tilespmem:$0x11600] =	vst v63  }
0x33: {  	s17 =	sand.u32 $0xFFFFF80, s18;
	s3 =	sadd.s32 s0, s16  }
0x34: {  	[tilespmem:s7], [sflag:$0x1] =	stream.strided.gather [hbm4b:s3+s12], $0x1000, s11, s12, $0x38;
	[tilespmem:$0x11600] =	vst v63  }
0x35: {  	s3 =	sadd.s32 s2, s17;
	s17 =	spop (v2sf);
	(v2sf) =	vpush v47, $0x5;
	_ =	sdelay $0x1  }
0x36: {  	[tilespmem:s26], [sflag:$0x2] =	stream.strided.gather [hbm4b:s3+s12], $0x1000, s11, s12, $0x38;
	[tilespmem:$0x11600] =	vst v63  }
0x37: {  	s25 =	sand.u32 $0xFFFFF80, s17;
	s16 =	spop (v2sf)  }
0x38: {  	(v2sf) =	vpush v48, $0x6;
	s3 =	sadd.s32 s0, s25;
	s26 =	sand.u32 $0xFFFFF80, s16;
	s15 =	spop (v2sf)  }
0x39: {  	(v2sf) =	vpush v47, $0x6;
	[tilespmem:s8], [sflag:$0x1] =	stream.strided.gather [hbm4b:s3+s12], $0x1000, s11, s12, $0x38;
	[tilespmem:$0x11600] =	vst v63  }
0x3a: {  	s3 =	sadd.s32 s2, s26;
	s5 =	sand.u32 $0xFFFFF80, s15  }
0x3b: {  	[tilespmem:s28], [sflag:$0x2] =	stream.strided.gather [hbm4b:s3+s12], $0x1000, s11, s12, $0x38;
	[tilespmem:$0x11600] =	vst v63  }
0x3c: {  	s14 =	spop (v2sf);
	(v2sf) =	vpush v48, $0x7;
	s3 =	sadd.s32 s0, s5  }
0x3d: {  	[tilespmem:s10], [sflag:$0x1] =	stream.strided.gather [hbm4b:s3+s12], $0x1000, s11, s12, $0x38;
	[tilespmem:$0x11600] =	vst v63  }
0x3e: {  	s6 =	sand.u32 $0xFFFFF80, s14;
	s10 =	spop (v2sf);
	(v2sf) =	vpush v47, $0x7  }
0x3f: {  	s3 =	sadd.s32 s2, s6;
	s7 =	sand.u32 $0xFFFFF80, s10  }
0x40: {  	[tilespmem:s24], [sflag:$0x2] =	stream.strided.gather [hbm4b:s3+s12], $0x1000, s11, s12, $0x38;
	[tilespmem:$0x11600] =	vst v63  }
0x41: {  	s8 =	simm.s32 $0x5400;
	s3 =	sadd.s32 s0, s7  }
0x42: {  	[tilespmem:s8], [sflag:$0x1] =	stream.strided.gather [hbm4b:s3+s12], $0x1000, s11, s12, $0x38;
	[tilespmem:$0x11600] =	vst v63  }
0x43: {  	s9 =	spop (v2sf)  }
0x44: {  	s24 =	sand.u32 $0xFFFFF80, s9  }
0x45: {  	s25 =	simm.s32 $0xD400;
	s3 =	sadd.s32 s2, s24  }
0x46: {  	[tilespmem:s25], [sflag:$0x2] =	stream.strided.gather [hbm4b:s3+s12], $0x1000, s11, s12, $0x38;
	[tilespmem:$0x11600] =	vst v63  }
0x47: {  	s3 =	spop (v2sf)  }
0x48: {  	s26 =	sand.u32 $0xFFFFF80, s3;
	s8 =	spop (v2sf)  }
0x49: {  	s5 =	simm.s32 $0x6400;
	s6 =	sadd.s32 s0, s26;
	s24 =	sand.u32 $0xFFFFF80, s8  }
0x4a: {  	[tilespmem:s5], [sflag:$0x1] =	stream.strided.gather [hbm4b:s6+s12], $0x1000, s11, s12, $0x38;
	[tilespmem:$0x11600] =	vst v63  }
0x4b: {  	s26 =	simm.s32 $0xE400;
	s7 =	spop (v2sf);
	s6 =	sadd.s32 s2, s24  }
0x4c: {  	[tilespmem:s26], [sflag:$0x2] =	stream.strided.gather [hbm4b:s6+s12], $0x1000, s11, s12, $0x38;
	[tilespmem:$0x11600] =	vst v63  }
0x4d: {  	s5 =	sand.u32 $0xFFFFF80, s7;
	s6 =	spop (v2sf)  }
0x4e: {  	s28 =	simm.s32 $0x7400;
	s24 =	sadd.s32 s0, s5;
	s5 =	sand.u32 $0xFFFFF80, s6  }
0x4f: {  	[tilespmem:s28], [sflag:$0x1] =	stream.strided.gather [hbm4b:s24+s12], $0x1000, s11, s12, $0x38;
	[tilespmem:$0x11600] =	vst v63  }
0x50: {  	s24 =	sadd.s32 s2, s5;
	s28 =	simm.s32 $0xF400  }
0x51: {  	[tilespmem:s28], [sflag:$0x2] =	stream.strided.gather [hbm4b:s24+s12], $0x1000, s11, s12, $0x38;
	[tilespmem:$0x11600] =	vst v63  }
0x52: {  	_ =	swait.ge [sflag:s29], $0x1000  }
0x53: {  	[sflag:s29] =	ssyncset.done $0x0  }
0x54: {  	[sflag:s29] =	ssyncadd.s32 $0xFFFFF000  }
0x55: {  	_ =	swait.ge [sflag:s30], $0x1000  }
0x56: {  	[sflag:s30] =	ssyncset.done $0x0  }
0x57: {  	[sflag:s30] =	ssyncadd.s32 $0xFFFFF000  }
0x58: {  	_ =	swait.ge [sflag:s29], $0x1000  }
0x59: {  	[sflag:s29] =	ssyncset.done $0x0  }
0x5a: {  	[sflag:s29] =	ssyncadd.s32 $0xFFFFF000  }
0x5b: {  	_ =	swait.ge [sflag:s30], $0x1000  }
0x5c: {  	[sflag:s30] =	ssyncset.done $0x0  }
0x5d: {  	[sflag:s30] =	ssyncadd.s32 $0xFFFFF000  }
0x5e: {  	_ =	swait.ge [sflag:s29], $0x1000  }
0x5f: {  	[sflag:s29] =	ssyncset.done $0x0  }
0x60: {  	[sflag:s29] =	ssyncadd.s32 $0xFFFFF000  }
0x61: {  	_ =	swait.ge [sflag:s30], $0x1000  }
0x62: {  	[sflag:s30] =	ssyncset.done $0x0  }
0x63: {  	[sflag:s30] =	ssyncadd.s32 $0xFFFFF000  }
0x64: {  	_ =	swait.ge [sflag:s29], $0x1000  }
0x65: {  	[sflag:s29] =	ssyncset.done $0x0  }
0x66: {  	[sflag:s29] =	ssyncadd.s32 $0xFFFFF000  }
0x67: {  	_ =	swait.ge [sflag:s30], $0x1000  }
0x68: {  	[sflag:s30] =	ssyncset.done $0x0  }
0x69: {  	[sflag:s30] =	ssyncadd.s32 $0xFFFFF000  }
0x6a: {  	_ =	swait.ge [sflag:s29], $0x1000  }
0x6b: {  	[sflag:s29] =	ssyncset.done $0x0  }
0x6c: {  	[sflag:s29] =	ssyncadd.s32 $0xFFFFF000  }
0x6d: {  	_ =	swait.ge [sflag:s30], $0x1000  }
0x6e: {  	[sflag:s30] =	ssyncset.done $0x0  }
0x6f: {  	[sflag:s30] =	ssyncadd.s32 $0xFFFFF000  }
0x70: {  	_ =	swait.ge [sflag:s29], $0x1000  }
0x71: {  	[sflag:s29] =	ssyncset.done $0x0  }
0x72: {  	[sflag:s29] =	ssyncadd.s32 $0xFFFFF000  }
0x73: {  	_ =	swait.ge [sflag:s30], $0x1000  }
0x74: {  	[sflag:s30] =	ssyncset.done $0x0  }
0x75: {  	[sflag:s30] =	ssyncadd.s32 $0xFFFFF000  }
0x76: {  	_ =	swait.ge [sflag:s29], $0x1000  }
0x77: {  	[sflag:s29] =	ssyncset.done $0x0  }
0x78: {  	[sflag:s29] =	ssyncadd.s32 $0xFFFFF000  }
0x79: {  	_ =	swait.ge [sflag:s30], $0x1000  }
0x7a: {  	[sflag:s30] =	ssyncset.done $0x0  }
0x7b: {  	[sflag:s30] =	ssyncadd.s32 $0xFFFFF000  }
0x7c: {  	s23 =	sand.u32 $0x7F, s23;
	_ =	swait.ge [sflag:s29], $0x1000  }
0x7d: {  	v49 =	vor.u32 s23, v0;
	[sflag:s29] =	ssyncset.done $0x0  }
0x7e: {  	[sflag:s29] =	ssyncadd.s32 $0xFFFFF000  }
0x7f: {  	_ =	swait.ge [sflag:s30], $0x1000  }
0x80: {  	[sflag:s30] =	ssyncset.done $0x0  }
0x81: {  	[sflag:s30] =	ssyncadd.s32 $0xFFFFF000  }
0x82: {  	v49 =	vld.idx.msk [tilespmem:v49+s12+$0x0], $0xffff  }
0x83: {  	v50 =	vor.u32 s23, v1;
	_ =	sdelay $0x3  }
0x84: {  	[tilespmem:$0x10400] =	vst v49  }
0x85: {  	s22 =	sand.u32 $0x7F, s22;
	v49 =	vld.idx.msk [tilespmem:v50+s12+$0x0], $0xffff  }
0x86: {  	v58 =	vor.u32 s22, v0;
	_ =	sdelay $0x3  }
0x87: {  	[tilespmem:$0x10410] =	vst v49  }
0x88: {  	v49 =	vld.idx.msk [tilespmem:v58+s13+$0x0], $0xffff  }
0x89: {  	v59 =	vor.u32 s22, v1;
	_ =	sdelay $0x3  }
0x8a: {  	[tilespmem:$0x10C00] =	vst v49  }
0x8b: {  	s21 =	sand.u32 $0x7F, s21;
	v49 =	vld.idx.msk [tilespmem:v59+s13+$0x0], $0xffff  }
0x8c: {  	v60 =	vor.u32 s21, v2;
	_ =	sdelay $0x3  }
0x8d: {  	[tilespmem:$0x10C10] =	vst v49  }
0x8e: {  	v49 =	vld.idx.msk [tilespmem:v60+s12+$0x0], $0xffff  }
0x8f: {  	v61 =	vor.u32 s21, v3;
	_ =	sdelay $0x3  }
0x90: {  	[tilespmem:$0x10480] =	vst v49  }
0x91: {  	s20 =	sand.u32 $0x7F, s20;
	v49 =	vld.idx.msk [tilespmem:v61+s12+$0x0], $0xffff  }
0x92: {  	v62 =	vor.u32 s20, v2;
	_ =	sdelay $0x3  }
0x93: {  	[tilespmem:$0x10490] =	vst v49  }
0x94: {  	v49 =	vld.idx.msk [tilespmem:v62+s13+$0x0], $0xffff  }
0x95: {  	v63 =	vor.u32 s20, v3;
	_ =	sdelay $0x3  }
0x96: {  	[tilespmem:$0x10C80] =	vst v49  }
0x97: {  	s19 =	sand.u32 $0x7F, s19;
	v49 =	vld.idx.msk [tilespmem:v63+s13+$0x0], $0xffff  }
0x98: {  	v52 =	vor.u32 s19, v4;
	_ =	sdelay $0x3  }
0x99: {  	[tilespmem:$0x10C90] =	vst v49  }
0x9a: {  	v49 =	vld.idx.msk [tilespmem:v52+s12+$0x0], $0xffff  }
0x9b: {  	v53 =	vor.u32 s19, v5;
	_ =	sdelay $0x3  }
0x9c: {  	[tilespmem:$0x10500] =	vst v49  }
0x9d: {  	s18 =	sand.u32 $0x7F, s18;
	v49 =	vld.idx.msk [tilespmem:v53+s12+$0x0], $0xffff  }
0x9e: {  	v54 =	vor.u32 s18, v4;
	_ =	sdelay $0x3  }
0x9f: {  	[tilespmem:$0x10510] =	vst v49  }
0xa0: {  	v49 =	vld.idx.msk [tilespmem:v54+s13+$0x0], $0xffff  }
0xa1: {  	v55 =	vor.u32 s18, v5;
	_ =	sdelay $0x3  }
0xa2: {  	[tilespmem:$0x10D00] =	vst v49  }
0xa3: {  	s17 =	sand.u32 $0x7F, s17;
	v49 =	vld.idx.msk [tilespmem:v55+s13+$0x0], $0xffff  }
0xa4: {  	v56 =	vor.u32 s17, v6;
	_ =	sdelay $0x3  }
0xa5: {  	[tilespmem:$0x10D10] =	vst v49  }
0xa6: {  	v49 =	vld.idx.msk [tilespmem:v56+s12+$0x0], $0xffff  }
0xa7: {  	v57 =	vor.u32 s17, v7;
	_ =	sdelay $0x3  }
0xa8: {  	[tilespmem:$0x10580] =	vst v49  }
0xa9: {  	s16 =	sand.u32 $0x7F, s16;
	v49 =	vld.idx.msk [tilespmem:v57+s12+$0x0], $0xffff  }
0xaa: {  	v58 =	vor.u32 s16, v6;
	_ =	sdelay $0x3  }
0xab: {  	[tilespmem:$0x10590] =	vst v49  }
0xac: {  	v49 =	vld.idx.msk [tilespmem:v58+s13+$0x0], $0xffff  }
0xad: {  	v59 =	vor.u32 s16, v7;
	_ =	sdelay $0x3  }
0xae: {  	[tilespmem:$0x10D80] =	vst v49  }
0xaf: {  	s15 =	sand.u32 $0x7F, s15;
	v49 =	vld.idx.msk [tilespmem:v59+s13+$0x0], $0xffff  }
0xb0: {  	v60 =	vor.u32 s15, v8;
	_ =	sdelay $0x3  }
0xb1: {  	[tilespmem:$0x10D90] =	vst v49  }
0xb2: {  	v49 =	vld.idx.msk [tilespmem:v60+s12+$0x0], $0xffff  }
0xb3: {  	v61 =	vor.u32 s15, v9;
	_ =	sdelay $0x3  }
0xb4: {  	[tilespmem:$0x10600] =	vst v49  }
0xb5: {  	s14 =	sand.u32 $0x7F, s14;
	v49 =	vld.idx.msk [tilespmem:v61+s12+$0x0], $0xffff  }
0xb6: {  	v62 =	vor.u32 s14, v8;
	_ =	sdelay $0x3  }
0xb7: {  	[tilespmem:$0x10610] =	vst v49  }
0xb8: {  	v49 =	vld.idx.msk [tilespmem:v62+s13+$0x0], $0xffff  }
0xb9: {  	v63 =	vor.u32 s14, v9;
	_ =	sdelay $0x3  }
0xba: {  	[tilespmem:$0x10E00] =	vst v49  }
0xbb: {  	s10 =	sand.u32 $0x7F, s10;
	v49 =	vld.idx.msk [tilespmem:v63+s13+$0x0], $0xffff  }
0xbc: {  	v52 =	vor.u32 s10, v10;
	_ =	sdelay $0x3  }
0xbd: {  	[tilespmem:$0x10E10] =	vst v49  }
0xbe: {  	v49 =	vld.idx.msk [tilespmem:v52+s12+$0x0], $0xffff  }
0xbf: {  	v53 =	vor.u32 s10, v11;
	_ =	sdelay $0x3  }
0xc0: {  	[tilespmem:$0x10680] =	vst v49  }
0xc1: {  	s9 =	sand.u32 $0x7F, s9;
	v49 =	vld.idx.msk [tilespmem:v53+s12+$0x0], $0xffff  }
0xc2: {  	v54 =	vor.u32 s9, v10;
	_ =	sdelay $0x3  }
0xc3: {  	[tilespmem:$0x10690] =	vst v49  }
0xc4: {  	v49 =	vld.idx.msk [tilespmem:v54+s13+$0x0], $0xffff  }
0xc5: {  	v55 =	vor.u32 s9, v11;
	_ =	sdelay $0x3  }
0xc6: {  	[tilespmem:$0x10E80] =	vst v49  }
0xc7: {  	s3 =	sand.u32 $0x7F, s3;
	v49 =	vld.idx.msk [tilespmem:v55+s13+$0x0], $0xffff  }
0xc8: {  	v56 =	vor.u32 s3, v12;
	_ =	sdelay $0x3  }
0xc9: {  	[tilespmem:$0x10E90] =	vst v49  }
0xca: {  	v49 =	vld.idx.msk [tilespmem:v56+s12+$0x0], $0xffff  }
0xcb: {  	v57 =	vor.u32 s3, v13;
	_ =	sdelay $0x3  }
0xcc: {  	[tilespmem:$0x10700] =	vst v49  }
0xcd: {  	s23 =	sand.u32 $0x7F, s8;
	v49 =	vld.idx.msk [tilespmem:v57+s12+$0x0], $0xffff  }
0xce: {  	v58 =	vor.u32 s23, v12;
	_ =	sdelay $0x3  }
0xcf: {  	[tilespmem:$0x10710] =	vst v49  }
0xd0: {  	v49 =	vld.idx.msk [tilespmem:v58+s13+$0x0], $0xffff  }
0xd1: {  	v59 =	vor.u32 s23, v13;
	_ =	sdelay $0x3  }
0xd2: {  	[tilespmem:$0x10F00] =	vst v49  }
0xd3: {  	s24 =	sand.u32 $0x7F, s7;
	v49 =	vld.idx.msk [tilespmem:v59+s13+$0x0], $0xffff  }
0xd4: {  	v60 =	vor.u32 s24, v14;
	_ =	sdelay $0x1  }
0xd5: {  	(v2sf) =	vpush v48, $0x8;
	_ =	sdelay $0x1  }
0xd6: {  	(v2sf) =	vpush v47, $0x8;
	[tilespmem:$0x10F10] =	vst v49  }
0xd7: {  	v49 =	vld.idx.msk [tilespmem:v60+s12+$0x0], $0xffff  }
0xd8: {  	v61 =	vor.u32 s24, v15;
	_ =	sdelay $0x3  }
0xd9: {  	(v2sf) =	vpush v48, $0x9;
	[tilespmem:$0x10780] =	vst v49  }
0xda: {  	s5 =	sand.u32 $0x7F, s6;
	v49 =	vld.idx.msk [tilespmem:v61+s12+$0x0], $0xffff  }
0xdb: {  	(v2sf) =	vpush v47, $0x9;
	v62 =	vor.u32 s5, v14  }
0xdc: {  	(v2sf) =	vpush v48, $0xA;
	_ =	sdelay $0x1  }
0xdd: {  	(v2sf) =	vpush v47, $0xA  }
0xde: {  	[tilespmem:$0x10790] =	vst v49  }
0xdf: {  	s23 =	spop (v2sf);
	(v2sf) =	vpush v48, $0xB;
	v49 =	vld.idx.msk [tilespmem:v62+s13+$0x0], $0xffff  }
0xe0: {  	v63 =	vor.u32 s5, v15  }
0xe1: {  	s22 =	spop (v2sf);
	(v2sf) =	vpush v47, $0xB;
	_ =	sdelay $0x2  }
0xe2: {  	[tilespmem:$0x10F80] =	vst v49  }
0xe3: {  	v49 =	vld.idx.msk [tilespmem:v63+s13+$0x0], $0xffff;
	_ =	sdelay $0x1  }
0xe4: {  	s25 =	simm.s32 $0x1400;
	s21 =	spop (v2sf);
	(v2sf) =	vpush v48, $0xC  }
0xe5: {  	s26 =	simm.s32 $0x2400;
	s28 =	simm.s32 $0xB400;
	s6 =	sand.u32 $0xFFFFF80, s23  }
0xe6: {  	s3 =	sadd.s32 s0, s6;
	s7 =	sand.u32 $0xFFFFF80, s22;
	s20 =	spop (v2sf);
	(v2sf) =	vpush v47, $0xC  }
0xe7: {  	s8 =	sand.u32 $0xFFFFF80, s21;
	s9 =	sand.u32 $0xFFFFF80, s20;
	s19 =	spop (v2sf);
	[tilespmem:$0x10F90] =	vst v49  }
0xe8: {  	(v2sf) =	vpush v48, $0xD;
	[tilespmem:s12], [sflag:$0x1] =	stream.strided.gather [hbm4b:s3+s12], $0x1000, s11, s12, $0x38;
	[tilespmem:$0x11600] =	vst v63  }
0xe9: {  	s10 =	sand.u32 $0xFFFFF80, s19;
	s18 =	spop (v2sf);
	s3 =	sadd.s32 s2, s7  }
0xea: {  	[tilespmem:s13], [sflag:$0x2] =	stream.strided.gather [hbm4b:s3+s12], $0x1000, s11, s12, $0x38;
	[tilespmem:$0x11600] =	vst v63  }
0xeb: {  	s14 =	sand.u32 $0xFFFFF80, s18;
	s17 =	spop (v2sf);
	s3 =	sadd.s32 s0, s8  }
0xec: {  	(v2sf) =	vpush v47, $0xD;
	[tilespmem:s25], [sflag:$0x1] =	stream.strided.gather [hbm4b:s3+s12], $0x1000, s11, s12, $0x38;
	[tilespmem:$0x11600] =	vst v63  }
0xed: {  	s16 =	spop (v2sf);
	s25 =	simm.s32 $0x9400;
	s3 =	sadd.s32 s2, s9  }
0xee: {  	(v2sf) =	vpush v48, $0xE;
	[tilespmem:s25], [sflag:$0x2] =	stream.strided.gather [hbm4b:s3+s12], $0x1000, s11, s12, $0x38;
	[tilespmem:$0x11600] =	vst v63  }
0xef: {  	s24 =	simm.s32 $0x3400;
	s15 =	sand.u32 $0xFFFFF80, s17;
	s3 =	sadd.s32 s0, s10  }
0xf0: {  	[tilespmem:s26], [sflag:$0x1] =	stream.strided.gather [hbm4b:s3+s12], $0x1000, s11, s12, $0x38;
	[tilespmem:$0x11600] =	vst v63  }
0xf1: {  	s5 =	sand.u32 $0xFFFFF80, s16;
	s26 =	simm.s32 $0xA400;
	s3 =	sadd.s32 s2, s14  }
0xf2: {  	[tilespmem:s26], [sflag:$0x2] =	stream.strided.gather [hbm4b:s3+s12], $0x1000, s11, s12, $0x38;
	[tilespmem:$0x11600] =	vst v63  }
0xf3: {  	s7 =	simm.s32 $0x4400;
	s3 =	sadd.s32 s0, s15;
	s15 =	spop (v2sf);
	(v2sf) =	vpush v47, $0xE  }
0xf4: {  	[tilespmem:s24], [sflag:$0x1] =	stream.strided.gather [hbm4b:s3+s12], $0x1000, s11, s12, $0x38;
	[tilespmem:$0x11600] =	vst v63  }
0xf5: {  	s6 =	sand.u32 $0xFFFFF80, s15;
	s14 =	spop (v2sf);
	(v2sf) =	vpush v48, $0xF;
	s3 =	sadd.s32 s2, s5  }
0xf6: {  	[tilespmem:s28], [sflag:$0x2] =	stream.strided.gather [hbm4b:s3+s12], $0x1000, s11, s12, $0x38;
	[tilespmem:$0x11600] =	vst v63  }
0xf7: {  	s8 =	sand.u32 $0xFFFFF80, s14;
	s10 =	spop (v2sf);
	s3 =	sadd.s32 s0, s6  }
0xf8: {  	(v2sf) =	vpush v47, $0xF;
	[tilespmem:s7], [sflag:$0x1] =	stream.strided.gather [hbm4b:s3+s12], $0x1000, s11, s12, $0x38;
	[tilespmem:$0x11600] =	vst v63  }
0xf9: {  	s9 =	simm.s32 $0xC400;
	s24 =	sand.u32 $0xFFFFF80, s10;
	s3 =	sadd.s32 s2, s8  }
0xfa: {  	[tilespmem:s9], [sflag:$0x2] =	stream.strided.gather [hbm4b:s3+s12], $0x1000, s11, s12, $0x38;
	[tilespmem:$0x11600] =	vst v63  }
0xfb: {  	s5 =	simm.s32 $0x5400;
	s9 =	spop (v2sf);
	s3 =	sadd.s32 s0, s24  }
0xfc: {  	[tilespmem:s5], [sflag:$0x1] =	stream.strided.gather [hbm4b:s3+s12], $0x1000, s11, s12, $0x38;
	[tilespmem:$0x11600] =	vst v63  }
0xfd: {  	s7 =	sand.u32 $0xFFFFF80, s9;
	s3 =	spop (v2sf)  }
0xfe: {  	s8 =	simm.s32 $0xD400;
	s6 =	sadd.s32 s2, s7;
	s24 =	sand.u32 $0xFFFFF80, s3  }
0xff: {  	[tilespmem:s8], [sflag:$0x2] =	stream.strided.gather [hbm4b:s6+s12], $0x1000, s11, s12, $0x38;
	[tilespmem:$0x11600] =	vst v63  }
0x100: {  	s5 =	simm.s32 $0x6400;
	s6 =	sadd.s32 s0, s24  }
0x101: {  	[tilespmem:s5], [sflag:$0x1] =	stream.strided.gather [hbm4b:s6+s12], $0x1000, s11, s12, $0x38;
	[tilespmem:$0x11600] =	vst v63  }
0x102: {  	s8 =	spop (v2sf)  }
0x103: {  	s24 =	sand.u32 $0xFFFFF80, s8  }
0x104: {  	s5 =	simm.s32 $0xE400;
	s7 =	spop (v2sf);
	s6 =	sadd.s32 s2, s24  }
0x105: {  	[tilespmem:s5], [sflag:$0x2] =	stream.strided.gather [hbm4b:s6+s12], $0x1000, s11, s12, $0x38;
	[tilespmem:$0x11600] =	vst v63  }
0x106: {  	s5 =	sand.u32 $0xFFFFF80, s7  }
0x107: {  	s6 =	spop (v2sf);
	s24 =	sadd.s32 s0, s5;
	s5 =	simm.s32 $0x7400  }
0x108: {  	[tilespmem:s5], [sflag:$0x1] =	stream.strided.gather [hbm4b:s24+s12], $0x1000, s11, s12, $0x38;
	[tilespmem:$0x11600] =	vst v63  }
0x109: {  	s5 =	sand.u32 $0xFFFFF80, s6  }
0x10a: {  	s24 =	sadd.s32 s2, s5;
	s5 =	simm.s32 $0xF400  }
0x10b: {  	[tilespmem:s5], [sflag:$0x2] =	stream.strided.gather [hbm4b:s24+s12], $0x1000, s11, s12, $0x38;
	[tilespmem:$0x11600] =	vst v63  }
0x10c: {  	_ =	swait.ge [sflag:s29], $0x1000  }
0x10d: {  	[sflag:s29] =	ssyncset.done $0x0  }
0x10e: {  	[sflag:s29] =	ssyncadd.s32 $0xFFFFF000  }
0x10f: {  	_ =	swait.ge [sflag:s30], $0x1000  }
0x110: {  	[sflag:s30] =	ssyncset.done $0x0  }
0x111: {  	[sflag:s30] =	ssyncadd.s32 $0xFFFFF000  }
0x112: {  	_ =	swait.ge [sflag:s29], $0x1000  }
0x113: {  	[sflag:s29] =	ssyncset.done $0x0  }
0x114: {  	[sflag:s29] =	ssyncadd.s32 $0xFFFFF000  }
0x115: {  	_ =	swait.ge [sflag:s30], $0x1000  }
0x116: {  	[sflag:s30] =	ssyncset.done $0x0  }
0x117: {  	[sflag:s30] =	ssyncadd.s32 $0xFFFFF000  }
0x118: {  	_ =	swait.ge [sflag:s29], $0x1000  }
0x119: {  	[sflag:s29] =	ssyncset.done $0x0  }
0x11a: {  	[sflag:s29] =	ssyncadd.s32 $0xFFFFF000  }
0x11b: {  	_ =	swait.ge [sflag:s30], $0x1000  }
0x11c: {  	[sflag:s30] =	ssyncset.done $0x0  }
0x11d: {  	[sflag:s30] =	ssyncadd.s32 $0xFFFFF000  }
0x11e: {  	_ =	swait.ge [sflag:s29], $0x1000  }
0x11f: {  	[sflag:s29] =	ssyncset.done $0x0  }
0x120: {  	[sflag:s29] =	ssyncadd.s32 $0xFFFFF000  }
0x121: {  	_ =	swait.ge [sflag:s30], $0x1000  }
0x122: {  	[sflag:s30] =	ssyncset.done $0x0  }
0x123: {  	[sflag:s30] =	ssyncadd.s32 $0xFFFFF000  }
0x124: {  	_ =	swait.ge [sflag:s29], $0x1000  }
0x125: {  	[sflag:s29] =	ssyncset.done $0x0  }
0x126: {  	[sflag:s29] =	ssyncadd.s32 $0xFFFFF000  }
0x127: {  	_ =	swait.ge [sflag:s30], $0x1000  }
0x128: {  	[sflag:s30] =	ssyncset.done $0x0  }
0x129: {  	[sflag:s30] =	ssyncadd.s32 $0xFFFFF000  }
0x12a: {  	_ =	swait.ge [sflag:s29], $0x1000  }
0x12b: {  	[sflag:s29] =	ssyncset.done $0x0  }
0x12c: {  	[sflag:s29] =	ssyncadd.s32 $0xFFFFF000  }
0x12d: {  	_ =	swait.ge [sflag:s30], $0x1000  }
0x12e: {  	[sflag:s30] =	ssyncset.done $0x0  }
0x12f: {  	[sflag:s30] =	ssyncadd.s32 $0xFFFFF000  }
0x130: {  	_ =	swait.ge [sflag:s29], $0x1000  }
0x131: {  	[sflag:s29] =	ssyncset.done $0x0  }
0x132: {  	[sflag:s29] =	ssyncadd.s32 $0xFFFFF000  }
0x133: {  	_ =	swait.ge [sflag:s30], $0x1000  }
0x134: {  	[sflag:s30] =	ssyncset.done $0x0  }
0x135: {  	[sflag:s30] =	ssyncadd.s32 $0xFFFFF000  }
0x136: {  	s23 =	sand.u32 $0x7F, s23;
	_ =	swait.ge [sflag:s29], $0x1000  }
0x137: {  	v51 =	vor.u32 s23, v0;
	[sflag:s29] =	ssyncset.done $0x0  }
0x138: {  	[sflag:s29] =	ssyncadd.s32 $0xFFFFF000  }
0x139: {  	_ =	swait.ge [sflag:s30], $0x1000  }
0x13a: {  	[sflag:s30] =	ssyncset.done $0x0  }
0x13b: {  	[sflag:s30] =	ssyncadd.s32 $0xFFFFF000  }
0x13c: {  	v47 =	vld.idx.msk [tilespmem:v51+s12+$0x0], $0xffff  }
0x13d: {  	v52 =	vor.u32 s23, v1;
	_ =	sdelay $0x3  }
0x13e: {  	[tilespmem:$0x10800] =	vst v47  }
0x13f: {  	s22 =	sand.u32 $0x7F, s22;
	v47 =	vld.idx.msk [tilespmem:v52+s12+$0x0], $0xffff  }
0x140: {  	v53 =	vor.u32 s22, v0;
	_ =	sdelay $0x3  }
0x141: {  	[tilespmem:$0x10810] =	vst v47  }
0x142: {  	v47 =	vld.idx.msk [tilespmem:v53+s13+$0x0], $0xffff  }
0x143: {  	v54 =	vor.u32 s22, v1;
	_ =	sdelay $0x3  }
0x144: {  	[tilespmem:$0x11000] =	vst v47  }
0x145: {  	s21 =	sand.u32 $0x7F, s21;
	v47 =	vld.idx.msk [tilespmem:v54+s13+$0x0], $0xffff  }
0x146: {  	v55 =	vor.u32 s21, v2;
	_ =	sdelay $0x3  }
0x147: {  	[tilespmem:$0x11010] =	vst v47  }
0x148: {  	v47 =	vld.idx.msk [tilespmem:v55+s12+$0x0], $0xffff  }
0x149: {  	v56 =	vor.u32 s21, v3;
	_ =	sdelay $0x3  }
0x14a: {  	[tilespmem:$0x10880] =	vst v47  }
0x14b: {  	s20 =	sand.u32 $0x7F, s20;
	v47 =	vld.idx.msk [tilespmem:v56+s12+$0x0], $0xffff  }
0x14c: {  	v57 =	vor.u32 s20, v2;
	_ =	sdelay $0x3  }
0x14d: {  	[tilespmem:$0x10890] =	vst v47  }
0x14e: {  	v47 =	vld.idx.msk [tilespmem:v57+s13+$0x0], $0xffff  }
0x14f: {  	v58 =	vor.u32 s20, v3;
	_ =	sdelay $0x3  }
0x150: {  	[tilespmem:$0x11080] =	vst v47  }
0x151: {  	s19 =	sand.u32 $0x7F, s19;
	v47 =	vld.idx.msk [tilespmem:v58+s13+$0x0], $0xffff  }
0x152: {  	v59 =	vor.u32 s19, v4;
	_ =	sdelay $0x3  }
0x153: {  	[tilespmem:$0x11090] =	vst v47  }
0x154: {  	v47 =	vld.idx.msk [tilespmem:v59+s12+$0x0], $0xffff  }
0x155: {  	v60 =	vor.u32 s19, v5;
	_ =	sdelay $0x3  }
0x156: {  	[tilespmem:$0x10900] =	vst v47  }
0x157: {  	s18 =	sand.u32 $0x7F, s18;
	v47 =	vld.idx.msk [tilespmem:v60+s12+$0x0], $0xffff  }
0x158: {  	v61 =	vor.u32 s18, v4;
	_ =	sdelay $0x3  }
0x159: {  	[tilespmem:$0x10910] =	vst v47  }
0x15a: {  	v47 =	vld.idx.msk [tilespmem:v61+s13+$0x0], $0xffff  }
0x15b: {  	v62 =	vor.u32 s18, v5;
	_ =	sdelay $0x3  }
0x15c: {  	[tilespmem:$0x11100] =	vst v47  }
0x15d: {  	s17 =	sand.u32 $0x7F, s17;
	v47 =	vld.idx.msk [tilespmem:v62+s13+$0x0], $0xffff  }
0x15e: {  	v63 =	vor.u32 s17, v6;
	_ =	sdelay $0x3  }
0x15f: {  	[tilespmem:$0x11110] =	vst v47  }
0x160: {  	v47 =	vld.idx.msk [tilespmem:v63+s12+$0x0], $0xffff  }
0x161: {  	v52 =	vor.u32 s17, v7;
	_ =	sdelay $0x3  }
0x162: {  	[tilespmem:$0x10980] =	vst v47  }
0x163: {  	s16 =	sand.u32 $0x7F, s16;
	v47 =	vld.idx.msk [tilespmem:v52+s12+$0x0], $0xffff  }
0x164: {  	v53 =	vor.u32 s16, v6;
	_ =	sdelay $0x3  }
0x165: {  	[tilespmem:$0x10990] =	vst v47  }
0x166: {  	v47 =	vld.idx.msk [tilespmem:v53+s13+$0x0], $0xffff  }
0x167: {  	v54 =	vor.u32 s16, v7;
	_ =	sdelay $0x3  }
0x168: {  	[tilespmem:$0x11180] =	vst v47  }
0x169: {  	s15 =	sand.u32 $0x7F, s15;
	v47 =	vld.idx.msk [tilespmem:v54+s13+$0x0], $0xffff  }
0x16a: {  	v55 =	vor.u32 s15, v8;
	_ =	sdelay $0x3  }
0x16b: {  	[tilespmem:$0x11190] =	vst v47  }
0x16c: {  	v47 =	vld.idx.msk [tilespmem:v55+s12+$0x0], $0xffff  }
0x16d: {  	v56 =	vor.u32 s15, v9;
	_ =	sdelay $0x3  }
0x16e: {  	[tilespmem:$0x10A00] =	vst v47  }
0x16f: {  	s14 =	sand.u32 $0x7F, s14;
	v47 =	vld.idx.msk [tilespmem:v56+s12+$0x0], $0xffff  }
0x170: {  	v57 =	vor.u32 s14, v8;
	_ =	sdelay $0x3  }
0x171: {  	[tilespmem:$0x10A10] =	vst v47  }
0x172: {  	v47 =	vld.idx.msk [tilespmem:v57+s13+$0x0], $0xffff  }
0x173: {  	v58 =	vor.u32 s14, v9;
	_ =	sdelay $0x3  }
0x174: {  	[tilespmem:$0x11200] =	vst v47  }
0x175: {  	s10 =	sand.u32 $0x7F, s10;
	v47 =	vld.idx.msk [tilespmem:v58+s13+$0x0], $0xffff  }
0x176: {  	v59 =	vor.u32 s10, v10;
	_ =	sdelay $0x3  }
0x177: {  	[tilespmem:$0x11210] =	vst v47  }
0x178: {  	v47 =	vld.idx.msk [tilespmem:v59+s12+$0x0], $0xffff  }
0x179: {  	v60 =	vor.u32 s10, v11;
	_ =	sdelay $0x3  }
0x17a: {  	[tilespmem:$0x10A80] =	vst v47  }
0x17b: {  	s9 =	sand.u32 $0x7F, s9;
	v47 =	vld.idx.msk [tilespmem:v60+s12+$0x0], $0xffff  }
0x17c: {  	v61 =	vor.u32 s9, v10;
	_ =	sdelay $0x3  }
0x17d: {  	[tilespmem:$0x10A90] =	vst v47  }
0x17e: {  	v47 =	vld.idx.msk [tilespmem:v61+s13+$0x0], $0xffff  }
0x17f: {  	v62 =	vor.u32 s9, v11;
	_ =	sdelay $0x3  }
0x180: {  	[tilespmem:$0x11280] =	vst v47  }
0x181: {  	s3 =	sand.u32 $0x7F, s3;
	v47 =	vld.idx.msk [tilespmem:v62+s13+$0x0], $0xffff  }
0x182: {  	v63 =	vor.u32 s3, v12;
	_ =	sdelay $0x3  }
0x183: {  	[tilespmem:$0x11290] =	vst v47  }
0x184: {  	v47 =	vld.idx.msk [tilespmem:v63+s12+$0x0], $0xffff  }
0x185: {  	v52 =	vor.u32 s3, v13;
	_ =	sdelay $0x3  }
0x186: {  	[tilespmem:$0x10B00] =	vst v47  }
0x187: {  	s20 =	sand.u32 $0x7F, s8;
	v47 =	vld.idx.msk [tilespmem:v52+s12+$0x0], $0xffff  }
0x188: {  	v53 =	vor.u32 s20, v12;
	_ =	sdelay $0x3  }
0x189: {  	[tilespmem:$0x10B10] =	vst v47  }
0x18a: {  	v47 =	vld.idx.msk [tilespmem:v53+s13+$0x0], $0xffff  }
0x18b: {  	v54 =	vor.u32 s20, v13;
	_ =	sdelay $0x3  }
0x18c: {  	[tilespmem:$0x11300] =	vst v47  }
0x18d: {  	s21 =	sand.u32 $0x7F, s7;
	v47 =	vld.idx.msk [tilespmem:v54+s13+$0x0], $0xffff  }
0x18e: {  	v55 =	vor.u32 s21, v14;
	_ =	sdelay $0x3  }
0x18f: {  	[tilespmem:$0x11310] =	vst v47  }
0x190: {  	v47 =	vld.idx.msk [tilespmem:v55+s12+$0x0], $0xffff  }
0x191: {  	v56 =	vor.u32 s21, v15;
	_ =	sdelay $0x3  }
0x192: {  	[tilespmem:$0x10B80] =	vst v47  }
0x193: {  	s22 =	sand.u32 $0x7F, s6;
	v47 =	vld.idx.msk [tilespmem:v56+s12+$0x0], $0xffff  }
0x194: {  	v57 =	vor.u32 s22, v14;
	_ =	sdelay $0x3  }
0x195: {  	[tilespmem:$0x10B90] =	vst v47  }
0x196: {  	v47 =	vld.idx.msk [tilespmem:v57+s13+$0x0], $0xffff  }
0x197: {  	v58 =	vor.u32 s22, v15;
	_ =	sdelay $0x3  }
0x198: {  	[tilespmem:$0x11380] =	vst v47  }
0x199: {  	v47 =	vld.idx.msk [tilespmem:v58+s13+$0x0], $0xffff;
	_ =	sdelay $0x4  }
0x19a: {  	[tilespmem:$0x11390] =	vst v47  }
0x19b: {  	v47 =	vld.idx.msk [tilespmem:v0+s31+$0x0], $0xffff  }
0x19c: {  	v59 =	vld.idx.msk [tilespmem:v0+s1+$0x0], $0xffff  }
0x19d: {  	v60 =	vld.idx.msk [tilespmem:v16+s31+$0x0], $0xffff  }
0x19e: {  	v61 =	vld.idx.msk [tilespmem:v16+s1+$0x0], $0xffff  }
0x19f: {  	v51 =	vld.idx.msk [tilespmem:v17+s31+$0x0], $0xffff  }
0x1a0: {  	v52 =	vld.idx.msk [tilespmem:v17+s1+$0x0], $0xffff  }
0x1a1: {  	v62 =	vld.idx.msk [tilespmem:v18+s31+$0x0], $0xffff;
	v47 =	vmul.f32 v59, v47  }
0x1a2: {  	v53 =	vld.idx.msk [tilespmem:v18+s1+$0x0], $0xffff  }
0x1a3: {  	v63 =	vld.idx.msk [tilespmem:v19+s31+$0x0], $0xffff;
	v49 =	vmul.f32 v61, v60;
	v47 =	vadd.f32 $0.0e+00, v47  }
0x1a4: {  	v54 =	vld.idx.msk [tilespmem:v19+s1+$0x0], $0xffff  }
0x1a5: {  	v57 =	vld.idx.msk [tilespmem:v20+s31+$0x0], $0xffff;
	v56 =	vmul.f32 v52, v51;
	v47 =	vadd.f32 v49, v47  }
0x1a6: {  	v58 =	vld.idx.msk [tilespmem:v20+s1+$0x0], $0xffff  }
0x1a7: {  	v48 =	vmul.f32 v53, v62;
	v59 =	vld.idx.msk [tilespmem:v21+s31+$0x0], $0xffff;
	v47 =	vadd.f32 v56, v47  }
0x1a8: {  	v60 =	vld.idx.msk [tilespmem:v21+s1+$0x0], $0xffff  }
0x1a9: {  	v61 =	vmul.f32 v54, v63;
	v62 =	vld.idx.msk [tilespmem:v22+s31+$0x0], $0xffff;
	v47 =	vadd.f32 v48, v47  }
0x1aa: {  	v63 =	vld.idx.msk [tilespmem:v22+s1+$0x0], $0xffff  }
0x1ab: {  	v51 =	vld.idx.msk [tilespmem:v23+s31+$0x0], $0xffff;
	v56 =	vmul.f32 v58, v57;
	v47 =	vadd.f32 v61, v47  }
0x1ac: {  	v57 =	vld.idx.msk [tilespmem:v23+s1+$0x0], $0xffff  }
0x1ad: {  	v58 =	vmul.f32 v60, v59;
	v59 =	vld.idx.msk [tilespmem:v24+s31+$0x0], $0xffff;
	v47 =	vadd.f32 v56, v47  }
0x1ae: {  	v60 =	vld.idx.msk [tilespmem:v24+s1+$0x0], $0xffff  }
0x1af: {  	v61 =	vmul.f32 v63, v62;
	v62 =	vld.idx.msk [tilespmem:v25+s31+$0x0], $0xffff;
	v47 =	vadd.f32 v58, v47  }
0x1b0: {  	v63 =	vld.idx.msk [tilespmem:v25+s1+$0x0], $0xffff  }
0x1b1: {  	v56 =	vmul.f32 v57, v51;
	v51 =	vld.idx.msk [tilespmem:v26+s31+$0x0], $0xffff;
	v47 =	vadd.f32 v61, v47  }
0x1b2: {  	v57 =	vld.idx.msk [tilespmem:v26+s1+$0x0], $0xffff  }
0x1b3: {  	v58 =	vmul.f32 v60, v59;
	v59 =	vld.idx.msk [tilespmem:v27+s31+$0x0], $0xffff;
	v47 =	vadd.f32 v56, v47  }
0x1b4: {  	v60 =	vld.idx.msk [tilespmem:v27+s1+$0x0], $0xffff  }
0x1b5: {  	v61 =	vmul.f32 v63, v62;
	v62 =	vld.idx.msk [tilespmem:v28+s31+$0x0], $0xffff;
	v47 =	vadd.f32 v58, v47  }
0x1b6: {  	v63 =	vld.idx.msk [tilespmem:v28+s1+$0x0], $0xffff  }
0x1b7: {  	v56 =	vmul.f32 v57, v51;
	v51 =	vld.idx.msk [tilespmem:v29+s31+$0x0], $0xffff;
	v47 =	vadd.f32 v61, v47  }
0x1b8: {  	v57 =	vld.idx.msk [tilespmem:v29+s1+$0x0], $0xffff  }
0x1b9: {  	v58 =	vmul.f32 v60, v59;
	v59 =	vld.idx.msk [tilespmem:v30+s31+$0x0], $0xffff;
	v47 =	vadd.f32 v56, v47  }
0x1ba: {  	v60 =	vld.idx.msk [tilespmem:v30+s1+$0x0], $0xffff  }
0x1bb: {  	v61 =	vmul.f32 v63, v62;
	v62 =	vld.idx.msk [tilespmem:v31+s31+$0x0], $0xffff;
	v47 =	vadd.f32 v58, v47  }
0x1bc: {  	v63 =	vld.idx.msk [tilespmem:v31+s1+$0x0], $0xffff  }
0x1bd: {  	v56 =	vmul.f32 v57, v51;
	v51 =	vld.idx.msk [tilespmem:v32+s31+$0x0], $0xffff;
	v47 =	vadd.f32 v61, v47  }
0x1be: {  	v57 =	vld.idx.msk [tilespmem:v32+s1+$0x0], $0xffff  }
0x1bf: {  	v58 =	vmul.f32 v60, v59;
	v59 =	vld.idx.msk [tilespmem:v33+s31+$0x0], $0xffff;
	v47 =	vadd.f32 v56, v47  }
0x1c0: {  	v60 =	vld.idx.msk [tilespmem:v33+s1+$0x0], $0xffff  }
0x1c1: {  	v61 =	vmul.f32 v63, v62;
	v62 =	vld.idx.msk [tilespmem:v34+s31+$0x0], $0xffff;
	v47 =	vadd.f32 v58, v47  }
0x1c2: {  	v63 =	vld.idx.msk [tilespmem:v34+s1+$0x0], $0xffff  }
0x1c3: {  	v57 =	vmul.f32 v57, v51;
	v51 =	vld.idx.msk [tilespmem:v35+s31+$0x0], $0xffff;
	v47 =	vadd.f32 v61, v47  }
0x1c4: {  	v58 =	vld.idx.msk [tilespmem:v35+s1+$0x0], $0xffff  }
0x1c5: {  	v59 =	vmul.f32 v60, v59;
	v60 =	vld.idx.msk [tilespmem:v36+s31+$0x0], $0xffff;
	v47 =	vadd.f32 v57, v47  }
0x1c6: {  	v61 =	vld.idx.msk [tilespmem:v36+s1+$0x0], $0xffff  }
0x1c7: {  	v62 =	vmul.f32 v63, v62;
	v63 =	vld.idx.msk [tilespmem:v37+s31+$0x0], $0xffff;
	v47 =	vadd.f32 v59, v47  }
0x1c8: {  	v57 =	vld.idx.msk [tilespmem:v37+s1+$0x0], $0xffff  }
0x1c9: {  	v58 =	vmul.f32 v58, v51;
	v51 =	vld.idx.msk [tilespmem:v38+s31+$0x0], $0xffff;
	v47 =	vadd.f32 v62, v47  }
0x1ca: {  	v59 =	vld.idx.msk [tilespmem:v38+s1+$0x0], $0xffff  }
0x1cb: {  	v60 =	vmul.f32 v61, v60;
	v61 =	vld.idx.msk [tilespmem:v39+s31+$0x0], $0xffff;
	v47 =	vadd.f32 v58, v47  }
0x1cc: {  	v62 =	vld.idx.msk [tilespmem:v39+s1+$0x0], $0xffff  }
0x1cd: {  	v63 =	vmul.f32 v57, v63;
	v57 =	vld.idx.msk [tilespmem:v40+s31+$0x0], $0xffff;
	v47 =	vadd.f32 v60, v47  }
0x1ce: {  	v58 =	vld.idx.msk [tilespmem:v40+s1+$0x0], $0xffff  }
0x1cf: {  	v59 =	vmul.f32 v59, v51;
	v51 =	vld.idx.msk [tilespmem:v41+s31+$0x0], $0xffff;
	v47 =	vadd.f32 v63, v47  }
0x1d0: {  	v60 =	vld.idx.msk [tilespmem:v41+s1+$0x0], $0xffff  }
0x1d1: {  	v61 =	vmul.f32 v62, v61;
	v62 =	vld.idx.msk [tilespmem:v42+s31+$0x0], $0xffff;
	v47 =	vadd.f32 v59, v47  }
0x1d2: {  	v63 =	vld.idx.msk [tilespmem:v42+s1+$0x0], $0xffff  }
0x1d3: {  	v57 =	vmul.f32 v58, v57;
	v58 =	vld.idx.msk [tilespmem:v43+s31+$0x0], $0xffff;
	v47 =	vadd.f32 v61, v47  }
0x1d4: {  	v59 =	vld.idx.msk [tilespmem:v43+s1+$0x0], $0xffff  }
0x1d5: {  	v60 =	vmul.f32 v60, v51;
	v51 =	vld.idx.msk [tilespmem:v44+s31+$0x0], $0xffff;
	v47 =	vadd.f32 v57, v47  }
0x1d6: {  	v61 =	vld.idx.msk [tilespmem:v44+s1+$0x0], $0xffff  }
0x1d7: {  	v62 =	vmul.f32 v63, v62;
	v63 =	vld.idx.msk [tilespmem:v45+s31+$0x0], $0xffff;
	v47 =	vadd.f32 v60, v47  }
0x1d8: {  	v57 =	vld.idx.msk [tilespmem:v45+s1+$0x0], $0xffff  }
0x1d9: {  	v58 =	vmul.f32 v59, v58;
	v59 =	vld.idx.msk [tilespmem:v46+s31+$0x0], $0xffff;
	v47 =	vadd.f32 v62, v47  }
0x1da: {  	v60 =	vld.idx.msk [tilespmem:v46+s1+$0x0], $0xffff  }
0x1db: {  	v61 =	vmul.f32 v61, v51;
	v47 =	vadd.f32 v58, v47;
	_ =	sdelay $0x1  }
0x1dc: {  	v62 =	vmul.f32 v57, v63;
	v47 =	vadd.f32 v61, v47  }
0x1dd: {  	p0 =	sne.s32 s4, $0x7C0  }
.Ltmp0:
0x1de: {  	v63 =	vmul.f32 v60, v59;
	v47 =	vadd.f32 v62, v47;
	(pc) =	sbr.rel @p0 .LBB2_2-.Ltmp0, $4  }
0x1df: {  	_ = 	snop  }
0x1e0: {  	s4 =	sadd.s32 $0x40, s4;
	v47 =	vadd.f32 v63, v47  }
0x1e1: {  	s8 =	simm.s32 $0x3400;
	s7 =	simm.s32 $0x2400;
	s23 =	rddreg [dreg:$0xb]  }
0x1e2: {  	s6 =	simm.s32 $0x1400;
	s24 =	simm.s32 $0xC400;
	s10 =	simm.s32 $0x4400;
	[tilespmem:s23+$0x11400] =	vst v47  }
0x1e3: {  	s9 =	simm.s32 $0x0;
	s3 =	rddreg [dreg:$0x8];
	s4 =	simm.s32 $0x11400  }
0x1e4: {  	[hbm4b:s3+s9] =	stream.linear.scatter [tilespmem:s4], [sflag:$0x3], $0x200, $0x38;
	[tilespmem:$0x11600] =	vst v63  }
0x1e5: {  	s4 =	simm.s32 $0x3  }
0x1e6: {  	_ =	swait.ge [sflag:s4], $0x200  }
0x1e7: {  	s5 =	rddreg [dreg:$0xa]  }
0x1e8: {  	s23 =	rddreg [dreg:$0x9];
	s5 =	sadd.s32 $0x1, s5  }
0x1e9: {  	p0 =	sne.s32 s5, s23  }
.Ltmp1:
0x1ea: {  	_ = 	snop;
	(pc) =	sbr.rel @p0 .LBB2_1-.Ltmp1, $3  }
0x1eb: {  	_ =	sdelay $0x1  }
0x1ec: {  	[sflag:s4] =	ssyncset.done $0x0  }
0x1ed: {  	[sflag:s4] =	ssyncadd.s32 $0xFFFFFE00  }
0x1ee: {  	_ =	sfence.sel $0x180000  }
0x1ef: {  	[bflag:$0x0] =	sbarrier.arrive $0xFFFF  }
0x1f0: {  	_ =	strace $0x90000047  }
0x1f1: {  	s0 =	stileid.u32;
	[bflag:$0x2] =	sbarrier.arrive $0xFFFF  }
0x1f2: {  	p0 =	sne.s32 s0, $0x0;
	s0 =	rddreg [dreg:$0x5]  }
0x1f3: {  	s0 =	sadd.s32 @!p0 $0x100000, s0  }
0x1f4: {  	[sflag:s0] =	ssyncadd.tile.s32 @!p0 $0x1;
	_ =	shalt  }
.Lfunc_end2:
_tile_overlayer_lowered:
.L_overlay_start_2:
0x1f5: {  	(tag) =	ssettag $0x2  }
0x1f6: {  	s0 =	rddreg [dreg:$0x0];
	s2 =	stileid.u32  }
0x1f7: {  	s1 =	rddreg [dreg:$0x1];
	p0 =	sne.s32 s2, $0x0  }
0x1f8: {  	s3 =	rddreg [dreg:$0x2];
	[bflag:$0x3] =	sbarrier.arrive $0xFFFF;
	s2 =	simm.s32 @!p0 $0x1C03  }
0x1f9: {  	[timem:s3], [sflag:s2] =	dma.local @!p0 [hbm:s0], s1  }
0x1fa: {  	s0 =	simm.s32 @!p0 $0x3  }
0x1fb: {  	_ =	swait.ge @!p0 [sflag:s0], s1  }
0x1fc: {  	s1 =	ssub.s32 @!p0 $0x0, s1;
	[sflag:s0] =	ssyncset.done @!p0 $0x0  }
0x1fd: {  	[sflag:s0] =	ssyncadd.s32 @!p0 s1  }
0x1fe: {  	[bflag:$0x3] =	sbarrier.arrive $0xFFFF  }
0x1ff: {  	_ =	shalt  }

</sc_bundles>
